<compile_context>
chip_gen: v7x
topology: tpu7x:2x2x1
jax: 0.10.2.dev20260603
libtpu: 0.0.44.dev20260713+nightly
codegen_flags: <defaults>
</compile_context>

<pallas_src>
import functools

import jax
import jax.numpy as jnp
from jax import lax
from jax.experimental import pallas as pl
from jax.experimental.pallas import tpu as pltpu
from jax.experimental.pallas import tpu_sc as plsc

N = 10000
D = 128
E = 320000
NPAD = 10240
NC = 2
NS = 16
NW = NC * NS
KC = 48
CB = 24
NB = 9
EW = KC * CB * NB
EP = EW * NW
RPS = NPAD // NS
BLK = 640
GRID = NPAD // BLK

_F32 = jnp.float32



def _tc_first_body(x_ref, w_ref, as_ref, ad_ref, h_ref, aso_ref, ado_ref):
    h = jnp.dot(x_ref[...], w_ref[...], preferred_element_type=_F32)
    h_ref[...] = h
    aso_ref[...] = jnp.sum(h * as_ref[...], axis=1, keepdims=True)
    ado_ref[...] = jnp.sum(h * ad_ref[...], axis=1, keepdims=True)


def _tc_first(x, W, a_s, a_d):
    return pl.pallas_call(
        _tc_first_body,
        grid=(GRID,),
        in_specs=[
            pl.BlockSpec((BLK, D), lambda i: (i, 0)),
            pl.BlockSpec((D, D), lambda i: (0, 0)),
            pl.BlockSpec((1, D), lambda i: (0, 0)),
            pl.BlockSpec((1, D), lambda i: (0, 0)),
        ],
        out_specs=[
            pl.BlockSpec((BLK, D), lambda i: (i, 0)),
            pl.BlockSpec((BLK, 1), lambda i: (i, 0)),
            pl.BlockSpec((BLK, 1), lambda i: (i, 0)),
        ],
        out_shape=[
            jax.ShapeDtypeStruct((NPAD, D), _F32),
            jax.ShapeDtypeStruct((NPAD, 1), _F32),
            jax.ShapeDtypeStruct((NPAD, 1), _F32),
        ],
    )(x, W, a_s, a_d)


def _norm_block(acc_ref, d0_ref, d1_ref, b_ref):
    denom = d0_ref[...] + d1_ref[...] + 1e-16
    return (acc_ref[0] + acc_ref[1]) / denom + b_ref[...]


def _tc_mid_body(acc_ref, d0_ref, d1_ref, b_ref, w_ref, as_ref, ad_ref,
                 h_ref, aso_ref, ado_ref):
    hin = _norm_block(acc_ref, d0_ref, d1_ref, b_ref)
    hin = jnp.maximum(hin, 0.01 * hin)
    h = jnp.dot(hin, w_ref[...], preferred_element_type=_F32)
    h_ref[...] = h
    aso_ref[...] = jnp.sum(h * as_ref[...], axis=1, keepdims=True)
    ado_ref[...] = jnp.sum(h * ad_ref[...], axis=1, keepdims=True)


def _tc_mid(acc, d0, d1, b, W, a_s, a_d):
    return pl.pallas_call(
        _tc_mid_body,
        grid=(GRID,),
        in_specs=[
            pl.BlockSpec((NC, BLK, D), lambda i: (0, i, 0)),
            pl.BlockSpec((BLK, 1), lambda i: (i, 0)),
            pl.BlockSpec((BLK, 1), lambda i: (i, 0)),
            pl.BlockSpec((1, D), lambda i: (0, 0)),
            pl.BlockSpec((D, D), lambda i: (0, 0)),
            pl.BlockSpec((1, D), lambda i: (0, 0)),
            pl.BlockSpec((1, D), lambda i: (0, 0)),
        ],
        out_specs=[
            pl.BlockSpec((BLK, D), lambda i: (i, 0)),
            pl.BlockSpec((BLK, 1), lambda i: (i, 0)),
            pl.BlockSpec((BLK, 1), lambda i: (i, 0)),
        ],
        out_shape=[
            jax.ShapeDtypeStruct((NPAD, D), _F32),
            jax.ShapeDtypeStruct((NPAD, 1), _F32),
            jax.ShapeDtypeStruct((NPAD, 1), _F32),
        ],
    )(acc, d0, d1, b, W, a_s, a_d)


def _tc_last_body(acc_ref, d0_ref, d1_ref, b_ref, out_ref):
    out_ref[...] = _norm_block(acc_ref, d0_ref, d1_ref, b_ref)


def _tc_last(acc, d0, d1, b):
    return pl.pallas_call(
        _tc_last_body,
        grid=(GRID,),
        in_specs=[
            pl.BlockSpec((NC, BLK, D), lambda i: (0, i, 0)),
            pl.BlockSpec((BLK, 1), lambda i: (i, 0)),
            pl.BlockSpec((BLK, 1), lambda i: (i, 0)),
            pl.BlockSpec((1, D), lambda i: (0, 0)),
        ],
        out_specs=pl.BlockSpec((BLK, D), lambda i: (i, 0)),
        out_shape=jax.ShapeDtypeStruct((NPAD, D), _F32),
    )(acc, d0, d1, b)



def _sc_edge_body(h_hbm, as_hbm, ad_hbm, src_hbm, dst_hbm,
                  acc_out, den_out,
                  acc_s, den_s, as_t, ad_t, srcb, dstb,
                  r0, r1, r2, w0, w1, w2, g0, g1, g2, s0, s1, s2):
    cid = lax.axis_index("c")
    sid = lax.axis_index("s")
    wid = sid * NC + cid
    base = sid * RPS
    rows = (r0, r1, r2)
    wb = (w0, w1, w2)
    gsem = (g0, g1, g2)
    ssem = (s0, s1, s2)

    pltpu.sync_copy(as_hbm, as_t)
    pltpu.sync_copy(ad_hbm, ad_t)

    zv = jnp.zeros((16,), _F32)

    def _zr(r, _):
        for j in range(D // 16):
            r0[r, pl.ds(j * 16, 16)] = zv
        return 0
    lax.fori_loop(0, KC, _zr, 0)
    for j in range(KC // 16):
        w0[pl.ds(j * 16, 16)] = zv

    def _za(i, _):
        pltpu.sync_copy(r0, acc_s.at[pl.ds(base + i * KC, KC)])
        pltpu.sync_copy(w0, den_s.at[pl.ds(base + i * KC, KC)])
        return 0
    lax.fori_loop(0, RPS // 16 // 3, _za, 0)
    pltpu.sync_copy(r0.at[pl.ds(0, 16)],
                    acc_s.at[pl.ds(base + 13 * KC, 16)])
    pltpu.sync_copy(w0.at[pl.ds(0, 16)],
                    den_s.at[pl.ds(base + 13 * KC, 16)])
    plsc.subcore_barrier()

    def _drain(p):
        pass

    def _proc(p, q):
        for j in range(KC // 16):
            si = srcb[q, pl.ds(j * 16, 16)]
            di = dstb[q, pl.ds(j * 16, 16)]
            z = plsc.load_gather(as_t, [si]) + plsc.load_gather(ad_t, [di])
            e = jnp.maximum(z, 0.2 * z)
            wb[p][pl.ds(j * 16, 16)] = jnp.exp(e)

        pn = (p + 1) % 3

        @pl.when(q >= 2)
        def _():
            _drain(pn)

        pass

        pass

        def _scale(k2, _):
            k = k2 * 2
            b0 = jnp.zeros((16,), jnp.int32) + k
            wk0 = plsc.load_gather(wb[p], [b0])
            wk1 = plsc.load_gather(wb[p], [b0 + 1])
            for j in range(D // 16):
                rows[p][k, pl.ds(j * 16, 16)] = rows[p][k, pl.ds(j * 16, 16)] * wk0
            for j in range(D // 16):
                rows[p][k + 1, pl.ds(j * 16, 16)] = rows[p][k + 1, pl.ds(j * 16, 16)] * wk1
            return 0
        pass

        pass

    def _block(blk, _):
        @pl.when(blk >= 1)
        def _():
            _drain(1)
            _drain(2)
        pltpu.sync_copy(src_hbm.at[wid, blk], srcb)
        pltpu.sync_copy(dst_hbm.at[wid, blk], dstb)
        pass

        def _tri(i, _):
            _proc(0, 3 * i)
            _proc(1, 3 * i + 1)
            _proc(2, 3 * i + 2)
            return 0
        lax.fori_loop(0, CB // 3, _tri, 0)
        return 0

    lax.fori_loop(0, NB, _block, 0)
    _drain(1)
    _drain(2)
    plsc.subcore_barrier()

    pltpu.sync_copy(acc_s.at[pl.ds(base, RPS)],
                    acc_out.at[cid, pl.ds(base, RPS)])
    pltpu.sync_copy(den_s.at[pl.ds(base, RPS)],
                    den_out.at[cid, pl.ds(base, RPS)])


_sc_edge = functools.partial(
    pl.kernel,
    _sc_edge_body,
    out_type=[
        jax.ShapeDtypeStruct((NC, NPAD, D), _F32),
        jax.ShapeDtypeStruct((NC, NPAD), _F32),
    ],
    mesh=plsc.VectorSubcoreMesh(core_axis_name="c", subcore_axis_name="s"),
    compiler_params=pltpu.CompilerParams(needs_layout_passes=False),
    scratch_types=[
        pltpu.VMEM_SHARED((NPAD, D), _F32),
        pltpu.VMEM_SHARED((NPAD,), _F32),
        pltpu.VMEM((NPAD,), _F32),
        pltpu.VMEM((NPAD,), _F32),
        pltpu.VMEM((CB, KC), jnp.int32),
        pltpu.VMEM((CB, KC), jnp.int32),
        pltpu.VMEM((KC, D), _F32),
        pltpu.VMEM((KC, D), _F32),
        pltpu.VMEM((KC, D), _F32),
        pltpu.VMEM((KC,), _F32),
        pltpu.VMEM((KC,), _F32),
        pltpu.VMEM((KC,), _F32),
        pltpu.SemaphoreType.DMA,
        pltpu.SemaphoreType.DMA,
        pltpu.SemaphoreType.DMA,
        pltpu.SemaphoreType.DMA,
        pltpu.SemaphoreType.DMA,
        pltpu.SemaphoreType.DMA,
    ],
)()



def kernel(x, edge_index, W1, a1_src, a1_dst, b1, W2, a2_src, a2_dst, b2,
           W3, a3_src, a3_dst, b3):
    ei = edge_index.astype(jnp.int32)
    ar = jnp.arange(N, dtype=jnp.int32)
    pad = jnp.full((EP - E - N,), N, jnp.int32)
    src = jnp.concatenate([ei[0], ar, pad]).reshape(NW, NB, CB, KC)
    dst = jnp.concatenate([ei[1], ar, pad]).reshape(NW, NB, CB, KC)
    xp = jnp.pad(x, ((0, NPAD - N), (0, 0)))

    def layer(h, aso, ado):
        acc, den = _sc_edge(h, aso.reshape(NPAD), ado.reshape(NPAD), src, dst)
        d = den.reshape(NC, NPAD, 1)
        return acc, d[0], d[1]

    r = lambda v: v.reshape(1, D)

    h, aso, ado = _tc_first(xp, W1, r(a1_src), r(a1_dst))
    acc, d0, d1 = layer(h, aso, ado)
    h, aso, ado = _tc_mid(acc, d0, d1, r(b1), W2, r(a2_src), r(a2_dst))
    acc, d0, d1 = layer(h, aso, ado)
    h, aso, ado = _tc_mid(acc, d0, d1, r(b2), W3, r(a3_src), r(a3_dst))
    acc, d0, d1 = layer(h, aso, ado)
    out = _tc_last(acc, d0, d1, r(b3))
    return out[:N]

# --- scband reference (transcript-rebuilt; emitter-appended) ---
"""Pipeline reference for scband-gnnmodel1-58385785422520 (READ-ONLY COPY).

The authoritative reference and input builder live on the scoring server;
editing this copy changes nothing except your own understanding.
"""

import jax, jax.numpy as jnp
import numpy as np

N_NODES = 10000
N_EDGES = 320000
D_IN = 128
D_HID = 128
D_OUT = 128


def _gat_layer(x, ei, W, a_src, a_dst, b, num_nodes):
    # Linear transform
    h = x @ W  # [N, out]
    src = ei[0]
    dst = ei[1]
    # Per-node attention logits
    alpha_src = (h * a_src).sum(axis=-1)  # [N]
    alpha_dst = (h * a_dst).sum(axis=-1)  # [N]
    # Per-edge attention (LeakyReLU with PyG default negative_slope=0.2)
    e = jax.nn.leaky_relu(alpha_src[src] + alpha_dst[dst], negative_slope=0.2)  # [E]
    # Segment softmax over incoming edges of each dst node
    m = jax.ops.segment_max(e, dst, num_segments=num_nodes)
    e = jnp.exp(e - m[dst])
    denom = jax.ops.segment_sum(e, dst, num_segments=num_nodes)
    alpha = e / (denom[dst] + 1e-16)
    # Weighted aggregation (scatter-add)
    out = jax.ops.segment_sum(alpha[:, None] * h[src], dst, num_segments=num_nodes)
    return out + b


def _add_self_loops(edge_index, num_nodes):
    ar = jnp.arange(num_nodes, dtype=edge_index.dtype)
    loops = jnp.stack([ar, ar], axis=0)
    return jnp.concatenate([edge_index, loops], axis=1)


def setup_inputs(seed: int = 0) -> dict:
    key = jax.random.key(seed)
    ks = jax.random.split(key, 16)
    x = jax.random.normal(ks[0], (N_NODES, D_IN), dtype=jnp.float32)
    edge_index = jax.random.randint(ks[1], (2, N_EDGES), 0, N_NODES, dtype=jnp.int64)
    s = 1.0 / np.sqrt(D_HID)
    inp = {
        'x': x,
        'edge_index': edge_index,
        'W1': jax.random.normal(ks[2], (D_IN, D_HID), dtype=jnp.float32) * s,
        'a1_src': jax.random.normal(ks[3], (D_HID,), dtype=jnp.float32) * s,
        'a1_dst': jax.random.normal(ks[4], (D_HID,), dtype=jnp.float32) * s,
        'b1': jnp.zeros((D_HID,), dtype=jnp.float32),
        'W2': jax.random.normal(ks[5], (D_HID, D_HID), dtype=jnp.float32) * s,
        'a2_src': jax.random.normal(ks[6], (D_HID,), dtype=jnp.float32) * s,
        'a2_dst': jax.random.normal(ks[7], (D_HID,), dtype=jnp.float32) * s,
        'b2': jnp.zeros((D_HID,), dtype=jnp.float32),
        'W3': jax.random.normal(ks[8], (D_HID, D_OUT), dtype=jnp.float32) * s,
        'a3_src': jax.random.normal(ks[9], (D_OUT,), dtype=jnp.float32) * s,
        'a3_dst': jax.random.normal(ks[10], (D_OUT,), dtype=jnp.float32) * s,
        'b3': jnp.zeros((D_OUT,), dtype=jnp.float32),
    }
    return inp


def reference(x, edge_index, W1, a1_src, a1_dst, b1, W2, a2_src, a2_dst, b2, W3, a3_src, a3_dst, b3):
    num_nodes = x.shape[0]
    ei = _add_self_loops(edge_index, num_nodes)
    # initial layer + LeakyReLU activation (nn.LeakyReLU default slope 0.01)
    h = _gat_layer(x, ei, W1, a1_src, a1_dst, b1, num_nodes)
    h = jax.nn.leaky_relu(h, negative_slope=0.01)
    # hidden layers (layers-1 = 1)
    h = _gat_layer(h, ei, W2, a2_src, a2_dst, b2, num_nodes)
    h = jax.nn.leaky_relu(h, negative_slope=0.01)
    # output layer (no activation)
    out = _gat_layer(h, ei, W3, a3_src, a3_dst, b3, num_nodes)
    return out

if __name__ == "__main__":
    import jax
    _d = setup_inputs()
    print(jax.jit(kernel)(*tuple(_d.values())))

</pallas_src>

<mosaic_0001>
#map = affine_map<(d0, d1) -> (0, 0)>
#map1 = affine_map<(d0, d1) -> (0)>
#map2 = affine_map<(d0, d1) -> (0, 0, 0, 0)>
#map3 = affine_map<(d0, d1) -> (0, 0, 0)>
module attributes {stable_mosaic.version = 14 : i64} {
  func.func @_sc_edge_body(%arg0: i32, %arg1: i32, %arg2: memref<10240x128xf32, #tpu.memory_space<hbm>>, %arg3: memref<10240xf32, #tpu.memory_space<hbm>>, %arg4: memref<10240xf32, #tpu.memory_space<hbm>>, %arg5: memref<32x9x24x48xi32, #tpu.memory_space<hbm>>, %arg6: memref<32x9x24x48xi32, #tpu.memory_space<hbm>>, %arg7: memref<2x10240x128xf32, #tpu.memory_space<hbm>>, %arg8: memref<2x10240xf32, #tpu.memory_space<hbm>>, %arg9: memref<10240x128xf32, #tpu.memory_space<vmem_shared>>, %arg10: memref<10240xf32, #tpu.memory_space<vmem_shared>>, %arg11: memref<10240xf32, #tpu.memory_space<vmem>>, %arg12: memref<10240xf32, #tpu.memory_space<vmem>>, %arg13: memref<24x48xi32, #tpu.memory_space<vmem>>, %arg14: memref<24x48xi32, #tpu.memory_space<vmem>>, %arg15: memref<48x128xf32, #tpu.memory_space<vmem>>, %arg16: memref<48x128xf32, #tpu.memory_space<vmem>>, %arg17: memref<48x128xf32, #tpu.memory_space<vmem>>, %arg18: memref<48xf32, #tpu.memory_space<vmem>>, %arg19: memref<48xf32, #tpu.memory_space<vmem>>, %arg20: memref<48xf32, #tpu.memory_space<vmem>>, %arg21: memref<!tpu.dma_semaphore, #tpu.memory_space<semaphore_mem>>, %arg22: memref<!tpu.dma_semaphore, #tpu.memory_space<semaphore_mem>>, %arg23: memref<!tpu.dma_semaphore, #tpu.memory_space<semaphore_mem>>, %arg24: memref<!tpu.dma_semaphore, #tpu.memory_space<semaphore_mem>>, %arg25: memref<!tpu.dma_semaphore, #tpu.memory_space<semaphore_mem>>, %arg26: memref<!tpu.dma_semaphore, #tpu.memory_space<semaphore_mem>>) attributes {dimension_semantics = [#tpu.dimension_semantics<core_parallel>, #tpu.dimension_semantics<subcore_parallel>], iteration_bounds = array<i64: 2, 16>, scalar_prefetch = 0 : i64, scratch_operands = 18 : i64, tpu.core_type = #tpu.core_type<sc_vector_subcore>, window_params = [{transform_indices = #map}, {transform_indices = #map1}, {transform_indices = #map1}, {transform_indices = #map2}, {transform_indices = #map2}, {transform_indices = #map3}, {transform_indices = #map}]} {
    %mul3A = arith.constant 2 : i32
    %mul3A_0 = arith.muli %arg1, %mul3A : i32
    %add3A = arith.addi %mul3A_0, %arg0 : i32
    %mul3A_1 = arith.constant 640 : i32
    %mul3A_2 = arith.muli %arg1, %mul3A_1 : i32
    "tpu.region"() ({
      %run_scoped3A = tpu.sem_alloc : memref<!tpu.dma_semaphore, #tpu.memory_space<semaphore_mem>>
      tpu.enqueue_dma source(%arg3 : memref<10240xf32, #tpu.memory_space<hbm>>) target(%arg11 : memref<10240xf32, #tpu.memory_space<vmem>>) target_semaphore(%run_scoped3A : memref<!tpu.dma_semaphore, #tpu.memory_space<semaphore_mem>>)
      tpu.wait_dma2 semaphore(%run_scoped3A : memref<!tpu.dma_semaphore, #tpu.memory_space<semaphore_mem>>) src(%arg3 : memref<10240xf32, #tpu.memory_space<hbm>>) dst(%arg11 : memref<10240xf32, #tpu.memory_space<vmem>>)
      tpu.yield
    }) : () -> ()
    "tpu.region"() ({
      %run_scoped3A = tpu.sem_alloc : memref<!tpu.dma_semaphore, #tpu.memory_space<semaphore_mem>>
      tpu.enqueue_dma source(%arg4 : memref<10240xf32, #tpu.memory_space<hbm>>) target(%arg12 : memref<10240xf32, #tpu.memory_space<vmem>>) target_semaphore(%run_scoped3A : memref<!tpu.dma_semaphore, #tpu.memory_space<semaphore_mem>>)
      tpu.wait_dma2 semaphore(%run_scoped3A : memref<!tpu.dma_semaphore, #tpu.memory_space<semaphore_mem>>) src(%arg4 : memref<10240xf32, #tpu.memory_space<hbm>>) dst(%arg12 : memref<10240xf32, #tpu.memory_space<vmem>>)
      tpu.yield
    }) : () -> ()
    %broadcast_in_dim3A = arith.constant 0.000000e+00 : f32
    %broadcast_in_dim3A_3 = vector.broadcast %broadcast_in_dim3A : f32 to vector<16xf32>
    %scan3A = arith.constant 0 : i32
    %scan3A_4 = arith.constant 0 : i32
    %scan3A_5 = arith.constant 48 : i32
    %scan3A_6 = arith.addi %scan3A_4, %scan3A_5 : i32
    %scan3A_7 = arith.constant 1 : i32
    %scan3A_8 = scf.for %scan3A_34 = %scan3A_4 to %scan3A_6 step %scan3A_7 iter_args(%scan3A_35 = %scan3A) -> (i32)  : i32 {
      %swap3A_36 = arith.index_cast %scan3A_34 : i32 to index
      %swap3A_37 = arith.constant 0 : index
      %swap3A_38 = tpu.vector_load %arg15[%swap3A_36, %swap3A_37] {strides = array<i32>} : memref<48x128xf32, #tpu.memory_space<vmem>>, vector<16xf32>,
      tpu.vector_store %arg15[%swap3A_36, %swap3A_37], %broadcast_in_dim3A_3 {strides = array<i32>} : memref<48x128xf32, #tpu.memory_space<vmem>>, vector<16xf32>,
      %swap3A_39 = arith.index_cast %scan3A_34 : i32 to index
      %swap3A_40 = arith.constant 16 : index
      %swap3A_41 = tpu.vector_load %arg15[%swap3A_39, %swap3A_40] {strides = array<i32>} : memref<48x128xf32, #tpu.memory_space<vmem>>, vector<16xf32>,
      tpu.vector_store %arg15[%swap3A_39, %swap3A_40], %broadcast_in_dim3A_3 {strides = array<i32>} : memref<48x128xf32, #tpu.memory_space<vmem>>, vector<16xf32>,
      %swap3A_42 = arith.index_cast %scan3A_34 : i32 to index
      %swap3A_43 = arith.constant 32 : index
      %swap3A_44 = tpu.vector_load %arg15[%swap3A_42, %swap3A_43] {strides = array<i32>} : memref<48x128xf32, #tpu.memory_space<vmem>>, vector<16xf32>,
      tpu.vector_store %arg15[%swap3A_42, %swap3A_43], %broadcast_in_dim3A_3 {strides = array<i32>} : memref<48x128xf32, #tpu.memory_space<vmem>>, vector<16xf32>,
      %swap3A_45 = arith.index_cast %scan3A_34 : i32 to index
      %swap3A_46 = arith.constant 48 : index
      %swap3A_47 = tpu.vector_load %arg15[%swap3A_45, %swap3A_46] {strides = array<i32>} : memref<48x128xf32, #tpu.memory_space<vmem>>, vector<16xf32>,
      tpu.vector_store %arg15[%swap3A_45, %swap3A_46], %broadcast_in_dim3A_3 {strides = array<i32>} : memref<48x128xf32, #tpu.memory_space<vmem>>, vector<16xf32>,
      %swap3A_48 = arith.index_cast %scan3A_34 : i32 to index
      %swap3A_49 = arith.constant 64 : index
      %swap3A_50 = tpu.vector_load %arg15[%swap3A_48, %swap3A_49] {strides = array<i32>} : memref<48x128xf32, #tpu.memory_space<vmem>>, vector<16xf32>,
      tpu.vector_store %arg15[%swap3A_48, %swap3A_49], %broadcast_in_dim3A_3 {strides = array<i32>} : memref<48x128xf32, #tpu.memory_space<vmem>>, vector<16xf32>,
      %swap3A_51 = arith.index_cast %scan3A_34 : i32 to index
      %swap3A_52 = arith.constant 80 : index
      %swap3A_53 = tpu.vector_load %arg15[%swap3A_51, %swap3A_52] {strides = array<i32>} : memref<48x128xf32, #tpu.memory_space<vmem>>, vector<16xf32>,
      tpu.vector_store %arg15[%swap3A_51, %swap3A_52], %broadcast_in_dim3A_3 {strides = array<i32>} : memref<48x128xf32, #tpu.memory_space<vmem>>, vector<16xf32>,
      %swap3A_54 = arith.index_cast %scan3A_34 : i32 to index
      %swap3A_55 = arith.constant 96 : index
      %swap3A_56 = tpu.vector_load %arg15[%swap3A_54, %swap3A_55] {strides = array<i32>} : memref<48x128xf32, #tpu.memory_space<vmem>>, vector<16xf32>,
      tpu.vector_store %arg15[%swap3A_54, %swap3A_55], %broadcast_in_dim3A_3 {strides = array<i32>} : memref<48x128xf32, #tpu.memory_space<vmem>>, vector<16xf32>,
      %swap3A_57 = arith.index_cast %scan3A_34 : i32 to index
      %swap3A_58 = arith.constant 112 : index
      %swap3A_59 = tpu.vector_load %arg15[%swap3A_57, %swap3A_58] {strides = array<i32>} : memref<48x128xf32, #tpu.memory_space<vmem>>, vector<16xf32>,
      tpu.vector_store %arg15[%swap3A_57, %swap3A_58], %broadcast_in_dim3A_3 {strides = array<i32>} : memref<48x128xf32, #tpu.memory_space<vmem>>, vector<16xf32>,
      %scan3A_60 = arith.constant 0 : i32
      scf.yield %scan3A_60 : i32
    }
    %scan3A_9 = arith.constant 48 : i32
    %swap3A = arith.constant 0 : index
    %swap3A_10 = tpu.vector_load %arg18[%swap3A] {strides = array<i32>} : memref<48xf32, #tpu.memory_space<vmem>>, vector<16xf32>,
    tpu.vector_store %arg18[%swap3A], %broadcast_in_dim3A_3 {strides = array<i32>} : memref<48xf32, #tpu.memory_space<vmem>>, vector<16xf32>,
    %swap3A_11 = arith.constant 16 : index
    %swap3A_12 = tpu.vector_load %arg18[%swap3A_11] {strides = array<i32>} : memref<48xf32, #tpu.memory_space<vmem>>, vector<16xf32>,
    tpu.vector_store %arg18[%swap3A_11], %broadcast_in_dim3A_3 {strides = array<i32>} : memref<48xf32, #tpu.memory_space<vmem>>, vector<16xf32>,
    %swap3A_13 = arith.constant 32 : index
    %swap3A_14 = tpu.vector_load %arg18[%swap3A_13] {strides = array<i32>} : memref<48xf32, #tpu.memory_space<vmem>>, vector<16xf32>,
    tpu.vector_store %arg18[%swap3A_13], %broadcast_in_dim3A_3 {strides = array<i32>} : memref<48xf32, #tpu.memory_space<vmem>>, vector<16xf32>,
    %scan3A_15 = arith.constant 0 : i32
    %scan3A_16 = arith.constant 0 : i32
    %scan3A_17 = arith.constant 13 : i32
    %scan3A_18 = arith.addi %scan3A_16, %scan3A_17 : i32
    %scan3A_19 = arith.constant 1 : i32
    %scan3A_20 = scf.for %scan3A_34 = %scan3A_16 to %scan3A_18 step %scan3A_19 iter_args(%scan3A_35 = %scan3A_15) -> (i32)  : i32 {
      %mul3A_36 = arith.constant 48 : i32
      %mul3A_37 = arith.muli %scan3A_34, %mul3A_36 : i32
      %add3A_38 = arith.addi %mul3A_2, %mul3A_37 : i32
      "tpu.region"() ({
        %run_scoped3A = tpu.sem_alloc : memref<!tpu.dma_semaphore, #tpu.memory_space<semaphore_mem>>
        %dma_start3A = arith.constant 0 : i32
        %dma_start3A_43 = tpu.memref_slice %arg9[%add3A_38, %dma_start3A] : memref<10240x128xf32, #tpu.memory_space<vmem_shared>> -> memref<48x128xf32, #tpu.memory_space<vmem_shared>>
        %dma_start3A_44 = arith.constant 0 : i32
        %dma_start3A_45 = tpu.memref_slice %arg9[%add3A_38, %dma_start3A_44] : memref<10240x128xf32, #tpu.memory_space<vmem_shared>> -> memref<48x128xf32, #tpu.memory_space<vmem_shared>>
        tpu.enqueue_dma source(%arg15 : memref<48x128xf32, #tpu.memory_space<vmem>>) target(%dma_start3A_45 : memref<48x128xf32, #tpu.memory_space<vmem_shared>>) target_semaphore(%run_scoped3A : memref<!tpu.dma_semaphore, #tpu.memory_space<semaphore_mem>>)
        %dma_wait3A = arith.constant 0 : i32
        %dma_wait3A_46 = tpu.memref_slice %arg9[%add3A_38, %dma_wait3A] : memref<10240x128xf32, #tpu.memory_space<vmem_shared>> -> memref<48x128xf32, #tpu.memory_space<vmem_shared>>
        %dma_wait3A_47 = arith.constant 0 : i32
        %dma_wait3A_48 = tpu.memref_slice %arg9[%add3A_38, %dma_wait3A_47] : memref<10240x128xf32, #tpu.memory_space<vmem_shared>> -> memref<48x128xf32, #tpu.memory_space<vmem_shared>>
        tpu.wait_dma2 semaphore(%run_scoped3A : memref<!tpu.dma_semaphore, #tpu.memory_space<semaphore_mem>>) src(%arg15 : memref<48x128xf32, #tpu.memory_space<vmem>>) dst(%dma_wait3A_48 : memref<48x128xf32, #tpu.memory_space<vmem_shared>>)
        tpu.yield
      }) : () -> ()
      %mul3A_39 = arith.constant 48 : i32
      %mul3A_40 = arith.muli %scan3A_34, %mul3A_39 : i32
      %add3A_41 = arith.addi %mul3A_2, %mul3A_40 : i32
      "tpu.region"() ({
        %run_scoped3A = tpu.sem_alloc : memref<!tpu.dma_semaphore, #tpu.memory_space<semaphore_mem>>
        %dma_start3A = tpu.memref_slice %arg10[%add3A_41] : memref<10240xf32, #tpu.memory_space<vmem_shared>> -> memref<48xf32, #tpu.memory_space<vmem_shared>>
        %dma_start3A_43 = tpu.memref_slice %arg10[%add3A_41] : memref<10240xf32, #tpu.memory_space<vmem_shared>> -> memref<48xf32, #tpu.memory_space<vmem_shared>>
        tpu.enqueue_dma source(%arg18 : memref<48xf32, #tpu.memory_space<vmem>>) target(%dma_start3A_43 : memref<48xf32, #tpu.memory_space<vmem_shared>>) target_semaphore(%run_scoped3A : memref<!tpu.dma_semaphore, #tpu.memory_space<semaphore_mem>>)
        %dma_wait3A = tpu.memref_slice %arg10[%add3A_41] : memref<10240xf32, #tpu.memory_space<vmem_shared>> -> memref<48xf32, #tpu.memory_space<vmem_shared>>
        %dma_wait3A_44 = tpu.memref_slice %arg10[%add3A_41] : memref<10240xf32, #tpu.memory_space<vmem_shared>> -> memref<48xf32, #tpu.memory_space<vmem_shared>>
        tpu.wait_dma2 semaphore(%run_scoped3A : memref<!tpu.dma_semaphore, #tpu.memory_space<semaphore_mem>>) src(%arg18 : memref<48xf32, #tpu.memory_space<vmem>>) dst(%dma_wait3A_44 : memref<48xf32, #tpu.memory_space<vmem_shared>>)
        tpu.yield
      }) : () -> ()
      %scan3A_42 = arith.constant 0 : i32
      scf.yield %scan3A_42 : i32
    }
    %scan3A_21 = arith.constant 13 : i32
    %add3A_22 = arith.constant 624 : i32
    %add3A_23 = arith.addi %mul3A_2, %add3A_22 : i32
    "tpu.region"() ({
      %run_scoped3A = tpu.sem_alloc : memref<!tpu.dma_semaphore, #tpu.memory_space<semaphore_mem>>
      %dma_start3A = arith.constant 0 : i32
      %dma_start3A_34 = arith.constant 0 : i32
      %dma_start3A_35 = tpu.memref_slice %arg15[%dma_start3A, %dma_start3A_34] : memref<48x128xf32, #tpu.memory_space<vmem>> -> memref<16x128xf32, #tpu.memory_space<vmem>>
      %dma_start3A_36 = arith.constant 0 : i32
      %dma_start3A_37 = tpu.memref_slice %arg9[%add3A_23, %dma_start3A_36] : memref<10240x128xf32, #tpu.memory_space<vmem_shared>> -> memref<16x128xf32, #tpu.memory_space<vmem_shared>>
      %dma_start3A_38 = arith.constant 0 : i32
      %dma_start3A_39 = tpu.memref_slice %arg9[%add3A_23, %dma_start3A_38] : memref<10240x128xf32, #tpu.memory_space<vmem_shared>> -> memref<16x128xf32, #tpu.memory_space<vmem_shared>>
      %dma_start3A_40 = arith.constant 0 : i32
      %dma_start3A_41 = arith.constant 0 : i32
      %dma_start3A_42 = tpu.memref_slice %arg15[%dma_start3A_40, %dma_start3A_41] : memref<48x128xf32, #tpu.memory_space<vmem>> -> memref<16x128xf32, #tpu.memory_space<vmem>>
      tpu.enqueue_dma source(%dma_start3A_42 : memref<16x128xf32, #tpu.memory_space<vmem>>) target(%dma_start3A_39 : memref<16x128xf32, #tpu.memory_space<vmem_shared>>) target_semaphore(%run_scoped3A : memref<!tpu.dma_semaphore, #tpu.memory_space<semaphore_mem>>)
      %dma_wait3A = arith.constant 0 : i32
      %dma_wait3A_43 = arith.constant 0 : i32
      %dma_wait3A_44 = tpu.memref_slice %arg15[%dma_wait3A, %dma_wait3A_43] : memref<48x128xf32, #tpu.memory_space<vmem>> -> memref<16x128xf32, #tpu.memory_space<vmem>>
      %dma_wait3A_45 = arith.constant 0 : i32
      %dma_wait3A_46 = tpu.memref_slice %arg9[%add3A_23, %dma_wait3A_45] : memref<10240x128xf32, #tpu.memory_space<vmem_shared>> -> memref<16x128xf32, #tpu.memory_space<vmem_shared>>
      %dma_wait3A_47 = arith.constant 0 : i32
      %dma_wait3A_48 = tpu.memref_slice %arg9[%add3A_23, %dma_wait3A_47] : memref<10240x128xf32, #tpu.memory_space<vmem_shared>> -> memref<16x128xf32, #tpu.memory_space<vmem_shared>>
      %dma_wait3A_49 = arith.constant 0 : i32
      %dma_wait3A_50 = arith.constant 0 : i32
      %dma_wait3A_51 = tpu.memref_slice %arg15[%dma_wait3A_49, %dma_wait3A_50] : memref<48x128xf32, #tpu.memory_space<vmem>> -> memref<16x128xf32, #tpu.memory_space<vmem>>
      tpu.wait_dma2 semaphore(%run_scoped3A : memref<!tpu.dma_semaphore, #tpu.memory_space<semaphore_mem>>) src(%dma_wait3A_51 : memref<16x128xf32, #tpu.memory_space<vmem>>) dst(%dma_wait3A_48 : memref<16x128xf32, #tpu.memory_space<vmem_shared>>)
      tpu.yield
    }) : () -> ()
    %add3A_24 = arith.constant 624 : i32
    %add3A_25 = arith.addi %mul3A_2, %add3A_24 : i32
    "tpu.region"() ({
      %run_scoped3A = tpu.sem_alloc : memref<!tpu.dma_semaphore, #tpu.memory_space<semaphore_mem>>
      %dma_start3A = arith.constant 0 : i32
      %dma_start3A_34 = tpu.memref_slice %arg18[%dma_start3A] : memref<48xf32, #tpu.memory_space<vmem>> -> memref<16xf32, #tpu.memory_space<vmem>>
      %dma_start3A_35 = tpu.memref_slice %arg10[%add3A_25] : memref<10240xf32, #tpu.memory_space<vmem_shared>> -> memref<16xf32, #tpu.memory_space<vmem_shared>>
      %dma_start3A_36 = tpu.memref_slice %arg10[%add3A_25] : memref<10240xf32, #tpu.memory_space<vmem_shared>> -> memref<16xf32, #tpu.memory_space<vmem_shared>>
      %dma_start3A_37 = arith.constant 0 : i32
      %dma_start3A_38 = tpu.memref_slice %arg18[%dma_start3A_37] : memref<48xf32, #tpu.memory_space<vmem>> -> memref<16xf32, #tpu.memory_space<vmem>>
      tpu.enqueue_dma source(%dma_start3A_38 : memref<16xf32, #tpu.memory_space<vmem>>) target(%dma_start3A_36 : memref<16xf32, #tpu.memory_space<vmem_shared>>) target_semaphore(%run_scoped3A : memref<!tpu.dma_semaphore, #tpu.memory_space<semaphore_mem>>)
      %dma_wait3A = arith.constant 0 : i32
      %dma_wait3A_39 = tpu.memref_slice %arg18[%dma_wait3A] : memref<48xf32, #tpu.memory_space<vmem>> -> memref<16xf32, #tpu.memory_space<vmem>>
      %dma_wait3A_40 = tpu.memref_slice %arg10[%add3A_25] : memref<10240xf32, #tpu.memory_space<vmem_shared>> -> memref<16xf32, #tpu.memory_space<vmem_shared>>
      %dma_wait3A_41 = tpu.memref_slice %arg10[%add3A_25] : memref<10240xf32, #tpu.memory_space<vmem_shared>> -> memref<16xf32, #tpu.memory_space<vmem_shared>>
      %dma_wait3A_42 = arith.constant 0 : i32
      %dma_wait3A_43 = tpu.memref_slice %arg18[%dma_wait3A_42] : memref<48xf32, #tpu.memory_space<vmem>> -> memref<16xf32, #tpu.memory_space<vmem>>
      tpu.wait_dma2 semaphore(%run_scoped3A : memref<!tpu.dma_semaphore, #tpu.memory_space<semaphore_mem>>) src(%dma_wait3A_43 : memref<16xf32, #tpu.memory_space<vmem>>) dst(%dma_wait3A_41 : memref<16xf32, #tpu.memory_space<vmem_shared>>)
      tpu.yield
    }) : () -> ()
    %barrier3A = arith.constant 0 : index
    tpu.barrier barrier_id(%barrier3A)
    %scan3A_26 = arith.constant 0 : i32
    %scan3A_27 = arith.constant 0 : i32
    %scan3A_28 = arith.constant 9 : i32
    %scan3A_29 = arith.addi %scan3A_27, %scan3A_28 : i32
    %scan3A_30 = arith.constant 1 : i32
    %scan3A_31 = scf.for %scan3A_34 = %scan3A_27 to %scan3A_29 step %scan3A_30 iter_args(%scan3A_35 = %scan3A_26) -> (i32)  : i32 {
      %ge3A = arith.constant 1 : i32
      %ge3A_36 = arith.cmpi sge, %scan3A_34, %ge3A : i32
      %convert_element_type3A = arith.extui %ge3A_36 : i1 to i32
      %cond3A = arith.constant 0 : i32
      %cond3A_37 = arith.cmpi ne, %convert_element_type3A, %cond3A : i32
      scf.if %cond3A_37 {
      } else {
      }
      "tpu.region"() ({
        %run_scoped3A = tpu.sem_alloc : memref<!tpu.dma_semaphore, #tpu.memory_space<semaphore_mem>>
        %dma_start3A = arith.constant 0 : i32
        %dma_start3A_46 = arith.constant 0 : i32
        %dma_start3A_47 = tpu.memref_slice %arg5[%add3A, %scan3A_34, %dma_start3A, %dma_start3A_46] : memref<32x9x24x48xi32, #tpu.memory_space<hbm>> -> memref<1x1x24x48xi32, #tpu.memory_space<hbm>>
        %dma_start3A_48 = tpu.memref_squeeze %dma_start3A_47 : memref<1x1x24x48xi32, #tpu.memory_space<hbm>> -> memref<24x48xi32, #tpu.memory_space<hbm>>
        %dma_start3A_49 = arith.constant 0 : i32
        %dma_start3A_50 = arith.constant 0 : i32
        %dma_start3A_51 = tpu.memref_slice %arg5[%add3A, %scan3A_34, %dma_start3A_49, %dma_start3A_50] : memref<32x9x24x48xi32, #tpu.memory_space<hbm>> -> memref<1x1x24x48xi32, #tpu.memory_space<hbm>>
        %dma_start3A_52 = tpu.memref_squeeze %dma_start3A_51 : memref<1x1x24x48xi32, #tpu.memory_space<hbm>> -> memref<24x48xi32, #tpu.memory_space<hbm>>
        tpu.enqueue_dma source(%dma_start3A_52 : memref<24x48xi32, #tpu.memory_space<hbm>>) target(%arg13 : memref<24x48xi32, #tpu.memory_space<vmem>>) target_semaphore(%run_scoped3A : memref<!tpu.dma_semaphore, #tpu.memory_space<semaphore_mem>>)
        %dma_wait3A = arith.constant 0 : i32
        %dma_wait3A_53 = arith.constant 0 : i32
        %dma_wait3A_54 = tpu.memref_slice %arg5[%add3A, %scan3A_34, %dma_wait3A, %dma_wait3A_53] : memref<32x9x24x48xi32, #tpu.memory_space<hbm>> -> memref<1x1x24x48xi32, #tpu.memory_space<hbm>>
        %dma_wait3A_55 = tpu.memref_squeeze %dma_wait3A_54 : memref<1x1x24x48xi32, #tpu.memory_space<hbm>> -> memref<24x48xi32, #tpu.memory_space<hbm>>
        %dma_wait3A_56 = arith.constant 0 : i32
        %dma_wait3A_57 = arith.constant 0 : i32
        %dma_wait3A_58 = tpu.memref_slice %arg5[%add3A, %scan3A_34, %dma_wait3A_56, %dma_wait3A_57] : memref<32x9x24x48xi32, #tpu.memory_space<hbm>> -> memref<1x1x24x48xi32, #tpu.memory_space<hbm>>
        %dma_wait3A_59 = tpu.memref_squeeze %dma_wait3A_58 : memref<1x1x24x48xi32, #tpu.memory_space<hbm>> -> memref<24x48xi32, #tpu.memory_space<hbm>>
        tpu.wait_dma2 semaphore(%run_scoped3A : memref<!tpu.dma_semaphore, #tpu.memory_space<semaphore_mem>>) src(%dma_wait3A_59 : memref<24x48xi32, #tpu.memory_space<hbm>>) dst(%arg13 : memref<24x48xi32, #tpu.memory_space<vmem>>)
        tpu.yield
      }) : () -> ()
      "tpu.region"() ({
        %run_scoped3A = tpu.sem_alloc : memref<!tpu.dma_semaphore, #tpu.memory_space<semaphore_mem>>
        %dma_start3A = arith.constant 0 : i32
        %dma_start3A_46 = arith.constant 0 : i32
        %dma_start3A_47 = tpu.memref_slice %arg6[%add3A, %scan3A_34, %dma_start3A, %dma_start3A_46] : memref<32x9x24x48xi32, #tpu.memory_space<hbm>> -> memref<1x1x24x48xi32, #tpu.memory_space<hbm>>
        %dma_start3A_48 = tpu.memref_squeeze %dma_start3A_47 : memref<1x1x24x48xi32, #tpu.memory_space<hbm>> -> memref<24x48xi32, #tpu.memory_space<hbm>>
        %dma_start3A_49 = arith.constant 0 : i32
        %dma_start3A_50 = arith.constant 0 : i32
        %dma_start3A_51 = tpu.memref_slice %arg6[%add3A, %scan3A_34, %dma_start3A_49, %dma_start3A_50] : memref<32x9x24x48xi32, #tpu.memory_space<hbm>> -> memref<1x1x24x48xi32, #tpu.memory_space<hbm>>
        %dma_start3A_52 = tpu.memref_squeeze %dma_start3A_51 : memref<1x1x24x48xi32, #tpu.memory_space<hbm>> -> memref<24x48xi32, #tpu.memory_space<hbm>>
        tpu.enqueue_dma source(%dma_start3A_52 : memref<24x48xi32, #tpu.memory_space<hbm>>) target(%arg14 : memref<24x48xi32, #tpu.memory_space<vmem>>) target_semaphore(%run_scoped3A : memref<!tpu.dma_semaphore, #tpu.memory_space<semaphore_mem>>)
        %dma_wait3A = arith.constant 0 : i32
        %dma_wait3A_53 = arith.constant 0 : i32
        %dma_wait3A_54 = tpu.memref_slice %arg6[%add3A, %scan3A_34, %dma_wait3A, %dma_wait3A_53] : memref<32x9x24x48xi32, #tpu.memory_space<hbm>> -> memref<1x1x24x48xi32, #tpu.memory_space<hbm>>
        %dma_wait3A_55 = tpu.memref_squeeze %dma_wait3A_54 : memref<1x1x24x48xi32, #tpu.memory_space<hbm>> -> memref<24x48xi32, #tpu.memory_space<hbm>>
        %dma_wait3A_56 = arith.constant 0 : i32
        %dma_wait3A_57 = arith.constant 0 : i32
        %dma_wait3A_58 = tpu.memref_slice %arg6[%add3A, %scan3A_34, %dma_wait3A_56, %dma_wait3A_57] : memref<32x9x24x48xi32, #tpu.memory_space<hbm>> -> memref<1x1x24x48xi32, #tpu.memory_space<hbm>>
        %dma_wait3A_59 = tpu.memref_squeeze %dma_wait3A_58 : memref<1x1x24x48xi32, #tpu.memory_space<hbm>> -> memref<24x48xi32, #tpu.memory_space<hbm>>
        tpu.wait_dma2 semaphore(%run_scoped3A : memref<!tpu.dma_semaphore, #tpu.memory_space<semaphore_mem>>) src(%dma_wait3A_59 : memref<24x48xi32, #tpu.memory_space<hbm>>) dst(%arg14 : memref<24x48xi32, #tpu.memory_space<vmem>>)
        tpu.yield
      }) : () -> ()
      %scan3A_38 = arith.constant 0 : i32
      %scan3A_39 = arith.constant 0 : i32
      %scan3A_40 = arith.constant 8 : i32
      %scan3A_41 = arith.addi %scan3A_39, %scan3A_40 : i32
      %scan3A_42 = arith.constant 1 : i32
      %scan3A_43 = scf.for %scan3A_46 = %scan3A_39 to %scan3A_41 step %scan3A_42 iter_args(%scan3A_47 = %scan3A_38) -> (i32)  : i32 {
        %mul3A_48 = arith.constant 3 : i32
        %mul3A_49 = arith.muli %mul3A_48, %scan3A_46 : i32
        %get3A = arith.index_cast %mul3A_49 : i32 to index
        %get3A_50 = arith.constant 0 : index
        %get3A_51 = tpu.vector_load %arg13[%get3A, %get3A_50] {strides = array<i32>} : memref<24x48xi32, #tpu.memory_space<vmem>>, vector<16xi32>,
        %get3A_52 = arith.index_cast %mul3A_49 : i32 to index
        %get3A_53 = arith.constant 0 : index
        %get3A_54 = tpu.vector_load %arg14[%get3A_52, %get3A_53] {strides = array<i32>} : memref<24x48xi32, #tpu.memory_space<vmem>>, vector<16xi32>,
        %gather3A = tpu.vector_load_idx %arg11[%get3A_51] : memref<10240xf32, #tpu.memory_space<vmem>>[vector<16xi32>], vector<16xf32>,
        %gather3A_55 = tpu.vector_load_idx %arg12[%get3A_54] : memref<10240xf32, #tpu.memory_space<vmem>>[vector<16xi32>], vector<16xf32>,
        %add3A_56 = arith.addf %gather3A, %gather3A_55 : vector<16xf32>
        %mul3A_57 = arith.constant 2.000000e-01 : f32
        %mul3A_58 = vector.broadcast %mul3A_57 : f32 to vector<16xf32>
        %mul3A_59 = arith.mulf %mul3A_58, %add3A_56 : vector<16xf32>
        %max3A = arith.maximumf %add3A_56, %mul3A_59 : vector<16xf32>
        %exp3A = math.exp %max3A : vector<16xf32>
        %swap3A_60 = arith.constant 0 : index
        %swap3A_61 = tpu.vector_load %arg18[%swap3A_60] {strides = array<i32>} : memref<48xf32, #tpu.memory_space<vmem>>, vector<16xf32>,
        tpu.vector_store %arg18[%swap3A_60], %exp3A {strides = array<i32>} : memref<48xf32, #tpu.memory_space<vmem>>, vector<16xf32>,
        %get3A_62 = arith.index_cast %mul3A_49 : i32 to index
        %get3A_63 = arith.constant 16 : index
        %get3A_64 = tpu.vector_load %arg13[%get3A_62, %get3A_63] {strides = array<i32>} : memref<24x48xi32, #tpu.memory_space<vmem>>, vector<16xi32>,
        %get3A_65 = arith.index_cast %mul3A_49 : i32 to index
        %get3A_66 = arith.constant 16 : index
        %get3A_67 = tpu.vector_load %arg14[%get3A_65, %get3A_66] {strides = array<i32>} : memref<24x48xi32, #tpu.memory_space<vmem>>, vector<16xi32>,
        %gather3A_68 = tpu.vector_load_idx %arg11[%get3A_64] : memref<10240xf32, #tpu.memory_space<vmem>>[vector<16xi32>], vector<16xf32>,
        %gather3A_69 = tpu.vector_load_idx %arg12[%get3A_67] : memref<10240xf32, #tpu.memory_space<vmem>>[vector<16xi32>], vector<16xf32>,
        %add3A_70 = arith.addf %gather3A_68, %gather3A_69 : vector<16xf32>
        %mul3A_71 = arith.constant 2.000000e-01 : f32
        %mul3A_72 = vector.broadcast %mul3A_71 : f32 to vector<16xf32>
        %mul3A_73 = arith.mulf %mul3A_72, %add3A_70 : vector<16xf32>
        %max3A_74 = arith.maximumf %add3A_70, %mul3A_73 : vector<16xf32>
        %exp3A_75 = math.exp %max3A_74 : vector<16xf32>
        %swap3A_76 = arith.constant 16 : index
        %swap3A_77 = tpu.vector_load %arg18[%swap3A_76] {strides = array<i32>} : memref<48xf32, #tpu.memory_space<vmem>>, vector<16xf32>,
        tpu.vector_store %arg18[%swap3A_76], %exp3A_75 {strides = array<i32>} : memref<48xf32, #tpu.memory_space<vmem>>, vector<16xf32>,
        %get3A_78 = arith.index_cast %mul3A_49 : i32 to index
        %get3A_79 = arith.constant 32 : index
        %get3A_80 = tpu.vector_load %arg13[%get3A_78, %get3A_79] {strides = array<i32>} : memref<24x48xi32, #tpu.memory_space<vmem>>, vector<16xi32>,
        %get3A_81 = arith.index_cast %mul3A_49 : i32 to index
        %get3A_82 = arith.constant 32 : index
        %get3A_83 = tpu.vector_load %arg14[%get3A_81, %get3A_82] {strides = array<i32>} : memref<24x48xi32, #tpu.memory_space<vmem>>, vector<16xi32>,
        %gather3A_84 = tpu.vector_load_idx %arg11[%get3A_80] : memref<10240xf32, #tpu.memory_space<vmem>>[vector<16xi32>], vector<16xf32>,
        %gather3A_85 = tpu.vector_load_idx %arg12[%get3A_83] : memref<10240xf32, #tpu.memory_space<vmem>>[vector<16xi32>], vector<16xf32>,
        %add3A_86 = arith.addf %gather3A_84, %gather3A_85 : vector<16xf32>
        %mul3A_87 = arith.constant 2.000000e-01 : f32
        %mul3A_88 = vector.broadcast %mul3A_87 : f32 to vector<16xf32>
        %mul3A_89 = arith.mulf %mul3A_88, %add3A_86 : vector<16xf32>
        %max3A_90 = arith.maximumf %add3A_86, %mul3A_89 : vector<16xf32>
        %exp3A_91 = math.exp %max3A_90 : vector<16xf32>
        %swap3A_92 = arith.constant 32 : index
        %swap3A_93 = tpu.vector_load %arg18[%swap3A_92] {strides = array<i32>} : memref<48xf32, #tpu.memory_space<vmem>>, vector<16xf32>,
        tpu.vector_store %arg18[%swap3A_92], %exp3A_91 {strides = array<i32>} : memref<48xf32, #tpu.memory_space<vmem>>, vector<16xf32>,
        %ge3A_94 = arith.constant 2 : i32
        %ge3A_95 = arith.cmpi sge, %mul3A_49, %ge3A_94 : i32
        %convert_element_type3A_96 = arith.extui %ge3A_95 : i1 to i32
        %cond3A_97 = arith.constant 0 : i32
        %cond3A_98 = arith.cmpi ne, %convert_element_type3A_96, %cond3A_97 : i32
        scf.if %cond3A_98 {
        } else {
        }
        %mul3A_99 = arith.constant 3 : i32
        %mul3A_100 = arith.muli %mul3A_99, %scan3A_46 : i32
        %add3A_101 = arith.constant 1 : i32
        %add3A_102 = arith.addi %mul3A_100, %add3A_101 : i32
        %get3A_103 = arith.index_cast %add3A_102 : i32 to index
        %get3A_104 = arith.constant 0 : index
        %get3A_105 = tpu.vector_load %arg13[%get3A_103, %get3A_104] {strides = array<i32>} : memref<24x48xi32, #tpu.memory_space<vmem>>, vector<16xi32>,
        %get3A_106 = arith.index_cast %add3A_102 : i32 to index
        %get3A_107 = arith.constant 0 : index
        %get3A_108 = tpu.vector_load %arg14[%get3A_106, %get3A_107] {strides = array<i32>} : memref<24x48xi32, #tpu.memory_space<vmem>>, vector<16xi32>,
        %gather3A_109 = tpu.vector_load_idx %arg11[%get3A_105] : memref<10240xf32, #tpu.memory_space<vmem>>[vector<16xi32>], vector<16xf32>,
        %gather3A_110 = tpu.vector_load_idx %arg12[%get3A_108] : memref<10240xf32, #tpu.memory_space<vmem>>[vector<16xi32>], vector<16xf32>,
        %add3A_111 = arith.addf %gather3A_109, %gather3A_110 : vector<16xf32>
        %mul3A_112 = arith.constant 2.000000e-01 : f32
        %mul3A_113 = vector.broadcast %mul3A_112 : f32 to vector<16xf32>
        %mul3A_114 = arith.mulf %mul3A_113, %add3A_111 : vector<16xf32>
        %max3A_115 = arith.maximumf %add3A_111, %mul3A_114 : vector<16xf32>
        %exp3A_116 = math.exp %max3A_115 : vector<16xf32>
        %swap3A_117 = arith.constant 0 : index
        %swap3A_118 = tpu.vector_load %arg19[%swap3A_117] {strides = array<i32>} : memref<48xf32, #tpu.memory_space<vmem>>, vector<16xf32>,
        tpu.vector_store %arg19[%swap3A_117], %exp3A_116 {strides = array<i32>} : memref<48xf32, #tpu.memory_space<vmem>>, vector<16xf32>,
        %get3A_119 = arith.index_cast %add3A_102 : i32 to index
        %get3A_120 = arith.constant 16 : index
        %get3A_121 = tpu.vector_load %arg13[%get3A_119, %get3A_120] {strides = array<i32>} : memref<24x48xi32, #tpu.memory_space<vmem>>, vector<16xi32>,
        %get3A_122 = arith.index_cast %add3A_102 : i32 to index
        %get3A_123 = arith.constant 16 : index
        %get3A_124 = tpu.vector_load %arg14[%get3A_122, %get3A_123] {strides = array<i32>} : memref<24x48xi32, #tpu.memory_space<vmem>>, vector<16xi32>,
        %gather3A_125 = tpu.vector_load_idx %arg11[%get3A_121] : memref<10240xf32, #tpu.memory_space<vmem>>[vector<16xi32>], vector<16xf32>,
        %gather3A_126 = tpu.vector_load_idx %arg12[%get3A_124] : memref<10240xf32, #tpu.memory_space<vmem>>[vector<16xi32>], vector<16xf32>,
        %add3A_127 = arith.addf %gather3A_125, %gather3A_126 : vector<16xf32>
        %mul3A_128 = arith.constant 2.000000e-01 : f32
        %mul3A_129 = vector.broadcast %mul3A_128 : f32 to vector<16xf32>
        %mul3A_130 = arith.mulf %mul3A_129, %add3A_127 : vector<16xf32>
        %max3A_131 = arith.maximumf %add3A_127, %mul3A_130 : vector<16xf32>
        %exp3A_132 = math.exp %max3A_131 : vector<16xf32>
        %swap3A_133 = arith.constant 16 : index
        %swap3A_134 = tpu.vector_load %arg19[%swap3A_133] {strides = array<i32>} : memref<48xf32, #tpu.memory_space<vmem>>, vector<16xf32>,
        tpu.vector_store %arg19[%swap3A_133], %exp3A_132 {strides = array<i32>} : memref<48xf32, #tpu.memory_space<vmem>>, vector<16xf32>,
        %get3A_135 = arith.index_cast %add3A_102 : i32 to index
        %get3A_136 = arith.constant 32 : index
        %get3A_137 = tpu.vector_load %arg13[%get3A_135, %get3A_136] {strides = array<i32>} : memref<24x48xi32, #tpu.memory_space<vmem>>, vector<16xi32>,
        %get3A_138 = arith.index_cast %add3A_102 : i32 to index
        %get3A_139 = arith.constant 32 : index
        %get3A_140 = tpu.vector_load %arg14[%get3A_138, %get3A_139] {strides = array<i32>} : memref<24x48xi32, #tpu.memory_space<vmem>>, vector<16xi32>,
        %gather3A_141 = tpu.vector_load_idx %arg11[%get3A_137] : memref<10240xf32, #tpu.memory_space<vmem>>[vector<16xi32>], vector<16xf32>,
        %gather3A_142 = tpu.vector_load_idx %arg12[%get3A_140] : memref<10240xf32, #tpu.memory_space<vmem>>[vector<16xi32>], vector<16xf32>,
        %add3A_143 = arith.addf %gather3A_141, %gather3A_142 : vector<16xf32>
        %mul3A_144 = arith.constant 2.000000e-01 : f32
        %mul3A_145 = vector.broadcast %mul3A_144 : f32 to vector<16xf32>
        %mul3A_146 = arith.mulf %mul3A_145, %add3A_143 : vector<16xf32>
        %max3A_147 = arith.maximumf %add3A_143, %mul3A_146 : vector<16xf32>
        %exp3A_148 = math.exp %max3A_147 : vector<16xf32>
        %swap3A_149 = arith.constant 32 : index
        %swap3A_150 = tpu.vector_load %arg19[%swap3A_149] {strides = array<i32>} : memref<48xf32, #tpu.memory_space<vmem>>, vector<16xf32>,
        tpu.vector_store %arg19[%swap3A_149], %exp3A_148 {strides = array<i32>} : memref<48xf32, #tpu.memory_space<vmem>>, vector<16xf32>,
        %ge3A_151 = arith.constant 2 : i32
        %ge3A_152 = arith.cmpi sge, %add3A_102, %ge3A_151 : i32
        %convert_element_type3A_153 = arith.extui %ge3A_152 : i1 to i32
        %cond3A_154 = arith.constant 0 : i32
        %cond3A_155 = arith.cmpi ne, %convert_element_type3A_153, %cond3A_154 : i32
        scf.if %cond3A_155 {
        } else {
        }
        %mul3A_156 = arith.constant 3 : i32
        %mul3A_157 = arith.muli %mul3A_156, %scan3A_46 : i32
        %add3A_158 = arith.constant 2 : i32
        %add3A_159 = arith.addi %mul3A_157, %add3A_158 : i32
        %get3A_160 = arith.index_cast %add3A_159 : i32 to index
        %get3A_161 = arith.constant 0 : index
        %get3A_162 = tpu.vector_load %arg13[%get3A_160, %get3A_161] {strides = array<i32>} : memref<24x48xi32, #tpu.memory_space<vmem>>, vector<16xi32>,
        %get3A_163 = arith.index_cast %add3A_159 : i32 to index
        %get3A_164 = arith.constant 0 : index
        %get3A_165 = tpu.vector_load %arg14[%get3A_163, %get3A_164] {strides = array<i32>} : memref<24x48xi32, #tpu.memory_space<vmem>>, vector<16xi32>,
        %gather3A_166 = tpu.vector_load_idx %arg11[%get3A_162] : memref<10240xf32, #tpu.memory_space<vmem>>[vector<16xi32>], vector<16xf32>,
        %gather3A_167 = tpu.vector_load_idx %arg12[%get3A_165] : memref<10240xf32, #tpu.memory_space<vmem>>[vector<16xi32>], vector<16xf32>,
        %add3A_168 = arith.addf %gather3A_166, %gather3A_167 : vector<16xf32>
        %mul3A_169 = arith.constant 2.000000e-01 : f32
        %mul3A_170 = vector.broadcast %mul3A_169 : f32 to vector<16xf32>
        %mul3A_171 = arith.mulf %mul3A_170, %add3A_168 : vector<16xf32>
        %max3A_172 = arith.maximumf %add3A_168, %mul3A_171 : vector<16xf32>
        %exp3A_173 = math.exp %max3A_172 : vector<16xf32>
        %swap3A_174 = arith.constant 0 : index
        %swap3A_175 = tpu.vector_load %arg20[%swap3A_174] {strides = array<i32>} : memref<48xf32, #tpu.memory_space<vmem>>, vector<16xf32>,
        tpu.vector_store %arg20[%swap3A_174], %exp3A_173 {strides = array<i32>} : memref<48xf32, #tpu.memory_space<vmem>>, vector<16xf32>,
        %get3A_176 = arith.index_cast %add3A_159 : i32 to index
        %get3A_177 = arith.constant 16 : index
        %get3A_178 = tpu.vector_load %arg13[%get3A_176, %get3A_177] {strides = array<i32>} : memref<24x48xi32, #tpu.memory_space<vmem>>, vector<16xi32>,
        %get3A_179 = arith.index_cast %add3A_159 : i32 to index
        %get3A_180 = arith.constant 16 : index
        %get3A_181 = tpu.vector_load %arg14[%get3A_179, %get3A_180] {strides = array<i32>} : memref<24x48xi32, #tpu.memory_space<vmem>>, vector<16xi32>,
        %gather3A_182 = tpu.vector_load_idx %arg11[%get3A_178] : memref<10240xf32, #tpu.memory_space<vmem>>[vector<16xi32>], vector<16xf32>,
        %gather3A_183 = tpu.vector_load_idx %arg12[%get3A_181] : memref<10240xf32, #tpu.memory_space<vmem>>[vector<16xi32>], vector<16xf32>,
        %add3A_184 = arith.addf %gather3A_182, %gather3A_183 : vector<16xf32>
        %mul3A_185 = arith.constant 2.000000e-01 : f32
        %mul3A_186 = vector.broadcast %mul3A_185 : f32 to vector<16xf32>
        %mul3A_187 = arith.mulf %mul3A_186, %add3A_184 : vector<16xf32>
        %max3A_188 = arith.maximumf %add3A_184, %mul3A_187 : vector<16xf32>
        %exp3A_189 = math.exp %max3A_188 : vector<16xf32>
        %swap3A_190 = arith.constant 16 : index
        %swap3A_191 = tpu.vector_load %arg20[%swap3A_190] {strides = array<i32>} : memref<48xf32, #tpu.memory_space<vmem>>, vector<16xf32>,
        tpu.vector_store %arg20[%swap3A_190], %exp3A_189 {strides = array<i32>} : memref<48xf32, #tpu.memory_space<vmem>>, vector<16xf32>,
        %get3A_192 = arith.index_cast %add3A_159 : i32 to index
        %get3A_193 = arith.constant 32 : index
        %get3A_194 = tpu.vector_load %arg13[%get3A_192, %get3A_193] {strides = array<i32>} : memref<24x48xi32, #tpu.memory_space<vmem>>, vector<16xi32>,
        %get3A_195 = arith.index_cast %add3A_159 : i32 to index
        %get3A_196 = arith.constant 32 : index
        %get3A_197 = tpu.vector_load %arg14[%get3A_195, %get3A_196] {strides = array<i32>} : memref<24x48xi32, #tpu.memory_space<vmem>>, vector<16xi32>,
        %gather3A_198 = tpu.vector_load_idx %arg11[%get3A_194] : memref<10240xf32, #tpu.memory_space<vmem>>[vector<16xi32>], vector<16xf32>,
        %gather3A_199 = tpu.vector_load_idx %arg12[%get3A_197] : memref<10240xf32, #tpu.memory_space<vmem>>[vector<16xi32>], vector<16xf32>,
        %add3A_200 = arith.addf %gather3A_198, %gather3A_199 : vector<16xf32>
        %mul3A_201 = arith.constant 2.000000e-01 : f32
        %mul3A_202 = vector.broadcast %mul3A_201 : f32 to vector<16xf32>
        %mul3A_203 = arith.mulf %mul3A_202, %add3A_200 : vector<16xf32>
        %max3A_204 = arith.maximumf %add3A_200, %mul3A_203 : vector<16xf32>
        %exp3A_205 = math.exp %max3A_204 : vector<16xf32>
        %swap3A_206 = arith.constant 32 : index
        %swap3A_207 = tpu.vector_load %arg20[%swap3A_206] {strides = array<i32>} : memref<48xf32, #tpu.memory_space<vmem>>, vector<16xf32>,
        tpu.vector_store %arg20[%swap3A_206], %exp3A_205 {strides = array<i32>} : memref<48xf32, #tpu.memory_space<vmem>>, vector<16xf32>,
        %ge3A_208 = arith.constant 2 : i32
        %ge3A_209 = arith.cmpi sge, %add3A_159, %ge3A_208 : i32
        %convert_element_type3A_210 = arith.extui %ge3A_209 : i1 to i32
        %cond3A_211 = arith.constant 0 : i32
        %cond3A_212 = arith.cmpi ne, %convert_element_type3A_210, %cond3A_211 : i32
        scf.if %cond3A_212 {
        } else {
        }
        %scan3A_213 = arith.constant 0 : i32
        scf.yield %scan3A_213 : i32
      }
      %scan3A_44 = arith.constant 8 : i32
      %scan3A_45 = arith.constant 0 : i32
      scf.yield %scan3A_45 : i32
    }
    %scan3A_32 = arith.constant 9 : i32
    %barrier3A_33 = arith.constant 0 : index
    tpu.barrier barrier_id(%barrier3A_33)
    "tpu.region"() ({
      %run_scoped3A = tpu.sem_alloc : memref<!tpu.dma_semaphore, #tpu.memory_space<semaphore_mem>>
      %dma_start3A = arith.constant 0 : i32
      %dma_start3A_34 = tpu.memref_slice %arg7[%arg0, %mul3A_2, %dma_start3A] : memref<2x10240x128xf32, #tpu.memory_space<hbm>> -> memref<1x640x128xf32, #tpu.memory_space<hbm>>
      %dma_start3A_35 = tpu.memref_squeeze %dma_start3A_34 : memref<1x640x128xf32, #tpu.memory_space<hbm>> -> memref<640x128xf32, #tpu.memory_space<hbm>>
      %dma_start3A_36 = arith.constant 0 : i32
      %dma_start3A_37 = tpu.memref_slice %arg9[%mul3A_2, %dma_start3A_36] : memref<10240x128xf32, #tpu.memory_space<vmem_shared>> -> memref<640x128xf32, #tpu.memory_space<vmem_shared>>
      tpu.enqueue_dma source(%dma_start3A_37 : memref<640x128xf32, #tpu.memory_space<vmem_shared>>) target(%dma_start3A_35 : memref<640x128xf32, #tpu.memory_space<hbm>>) target_semaphore(%run_scoped3A : memref<!tpu.dma_semaphore, #tpu.memory_space<semaphore_mem>>)
      %dma_wait3A = arith.constant 0 : i32
      %dma_wait3A_38 = tpu.memref_slice %arg7[%arg0, %mul3A_2, %dma_wait3A] : memref<2x10240x128xf32, #tpu.memory_space<hbm>> -> memref<1x640x128xf32, #tpu.memory_space<hbm>>
      %dma_wait3A_39 = tpu.memref_squeeze %dma_wait3A_38 : memref<1x640x128xf32, #tpu.memory_space<hbm>> -> memref<640x128xf32, #tpu.memory_space<hbm>>
      %dma_wait3A_40 = arith.constant 0 : i32
      %dma_wait3A_41 = tpu.memref_slice %arg9[%mul3A_2, %dma_wait3A_40] : memref<10240x128xf32, #tpu.memory_space<vmem_shared>> -> memref<640x128xf32, #tpu.memory_space<vmem_shared>>
      tpu.wait_dma2 semaphore(%run_scoped3A : memref<!tpu.dma_semaphore, #tpu.memory_space<semaphore_mem>>) src(%dma_wait3A_41 : memref<640x128xf32, #tpu.memory_space<vmem_shared>>) dst(%dma_wait3A_39 : memref<640x128xf32, #tpu.memory_space<hbm>>)
      tpu.yield
    }) : () -> ()
    "tpu.region"() ({
      %run_scoped3A = tpu.sem_alloc : memref<!tpu.dma_semaphore, #tpu.memory_space<semaphore_mem>>
      %dma_start3A = tpu.memref_slice %arg8[%arg0, %mul3A_2] : memref<2x10240xf32, #tpu.memory_space<hbm>> -> memref<1x640xf32, #tpu.memory_space<hbm>>
      %dma_start3A_34 = tpu.memref_squeeze %dma_start3A : memref<1x640xf32, #tpu.memory_space<hbm>> -> memref<640xf32, #tpu.memory_space<hbm>>
      %dma_start3A_35 = tpu.memref_slice %arg10[%mul3A_2] : memref<10240xf32, #tpu.memory_space<vmem_shared>> -> memref<640xf32, #tpu.memory_space<vmem_shared>>
      tpu.enqueue_dma source(%dma_start3A_35 : memref<640xf32, #tpu.memory_space<vmem_shared>>) target(%dma_start3A_34 : memref<640xf32, #tpu.memory_space<hbm>>) target_semaphore(%run_scoped3A : memref<!tpu.dma_semaphore, #tpu.memory_space<semaphore_mem>>)
      %dma_wait3A = tpu.memref_slice %arg8[%arg0, %mul3A_2] : memref<2x10240xf32, #tpu.memory_space<hbm>> -> memref<1x640xf32, #tpu.memory_space<hbm>>
      %dma_wait3A_36 = tpu.memref_squeeze %dma_wait3A : memref<1x640xf32, #tpu.memory_space<hbm>> -> memref<640xf32, #tpu.memory_space<hbm>>
      %dma_wait3A_37 = tpu.memref_slice %arg10[%mul3A_2] : memref<10240xf32, #tpu.memory_space<vmem_shared>> -> memref<640xf32, #tpu.memory_space<vmem_shared>>
      tpu.wait_dma2 semaphore(%run_scoped3A : memref<!tpu.dma_semaphore, #tpu.memory_space<semaphore_mem>>) src(%dma_wait3A_37 : memref<640xf32, #tpu.memory_space<vmem_shared>>) dst(%dma_wait3A_36 : memref<640xf32, #tpu.memory_space<hbm>>)
      tpu.yield
    }) : () -> ()
    return
  }
}

#map = affine_map<(d0, d1) -> (0, 0)>
#map1 = affine_map<(d0, d1) -> (0)>
#map2 = affine_map<(d0, d1) -> (0, 0, 0, 0)>
#map3 = affine_map<(d0, d1) -> (0, 0, 0)>
module attributes {stable_mosaic.version = 14 : i64} {
  func.func @_sc_edge_body(%arg0: i32, %arg1: i32, %arg2: memref<10240x128xf32, #tpu.memory_space<hbm>>, %arg3: memref<10240xf32, #tpu.memory_space<hbm>>, %arg4: memref<10240xf32, #tpu.memory_space<hbm>>, %arg5: memref<32x9x24x48xi32, #tpu.memory_space<hbm>>, %arg6: memref<32x9x24x48xi32, #tpu.memory_space<hbm>>, %arg7: memref<2x10240x128xf32, #tpu.memory_space<hbm>>, %arg8: memref<2x10240xf32, #tpu.memory_space<hbm>>, %arg9: memref<10240x128xf32, #tpu.memory_space<vmem_shared>>, %arg10: memref<10240xf32, #tpu.memory_space<vmem_shared>>, %arg11: memref<10240xf32, #tpu.memory_space<vmem>>, %arg12: memref<10240xf32, #tpu.memory_space<vmem>>, %arg13: memref<24x48xi32, #tpu.memory_space<vmem>>, %arg14: memref<24x48xi32, #tpu.memory_space<vmem>>, %arg15: memref<48x128xf32, #tpu.memory_space<vmem>>, %arg16: memref<48x128xf32, #tpu.memory_space<vmem>>, %arg17: memref<48x128xf32, #tpu.memory_space<vmem>>, %arg18: memref<48xf32, #tpu.memory_space<vmem>>, %arg19: memref<48xf32, #tpu.memory_space<vmem>>, %arg20: memref<48xf32, #tpu.memory_space<vmem>>, %arg21: memref<!tpu.dma_semaphore, #tpu.memory_space<semaphore_mem>>, %arg22: memref<!tpu.dma_semaphore, #tpu.memory_space<semaphore_mem>>, %arg23: memref<!tpu.dma_semaphore, #tpu.memory_space<semaphore_mem>>, %arg24: memref<!tpu.dma_semaphore, #tpu.memory_space<semaphore_mem>>, %arg25: memref<!tpu.dma_semaphore, #tpu.memory_space<semaphore_mem>>, %arg26: memref<!tpu.dma_semaphore, #tpu.memory_space<semaphore_mem>>) attributes {dimension_semantics = [#tpu.dimension_semantics<core_parallel>, #tpu.dimension_semantics<subcore_parallel>], iteration_bounds = array<i64: 2, 16>, scalar_prefetch = 0 : i64, scratch_operands = 18 : i64, tpu.core_type = #tpu.core_type<sc_vector_subcore>, window_params = [{transform_indices = #map}, {transform_indices = #map1}, {transform_indices = #map1}, {transform_indices = #map2}, {transform_indices = #map2}, {transform_indices = #map3}, {transform_indices = #map}]} {
    %mul3A = arith.constant 2 : i32
    %mul3A_0 = arith.muli %arg1, %mul3A : i32
    %add3A = arith.addi %mul3A_0, %arg0 : i32
    %mul3A_1 = arith.constant 640 : i32
    %mul3A_2 = arith.muli %arg1, %mul3A_1 : i32
    "tpu.region"() ({
      %run_scoped3A = tpu.sem_alloc : memref<!tpu.dma_semaphore, #tpu.memory_space<semaphore_mem>>
      tpu.enqueue_dma source(%arg3 : memref<10240xf32, #tpu.memory_space<hbm>>) target(%arg11 : memref<10240xf32, #tpu.memory_space<vmem>>) target_semaphore(%run_scoped3A : memref<!tpu.dma_semaphore, #tpu.memory_space<semaphore_mem>>)
      tpu.wait_dma2 semaphore(%run_scoped3A : memref<!tpu.dma_semaphore, #tpu.memory_space<semaphore_mem>>) src(%arg3 : memref<10240xf32, #tpu.memory_space<hbm>>) dst(%arg11 : memref<10240xf32, #tpu.memory_space<vmem>>)
      tpu.yield
    }) : () -> ()
    "tpu.region"() ({
      %run_scoped3A = tpu.sem_alloc : memref<!tpu.dma_semaphore, #tpu.memory_space<semaphore_mem>>
      tpu.enqueue_dma source(%arg4 : memref<10240xf32, #tpu.memory_space<hbm>>) target(%arg12 : memref<10240xf32, #tpu.memory_space<vmem>>) target_semaphore(%run_scoped3A : memref<!tpu.dma_semaphore, #tpu.memory_space<semaphore_mem>>)
      tpu.wait_dma2 semaphore(%run_scoped3A : memref<!tpu.dma_semaphore, #tpu.memory_space<semaphore_mem>>) src(%arg4 : memref<10240xf32, #tpu.memory_space<hbm>>) dst(%arg12 : memref<10240xf32, #tpu.memory_space<vmem>>)
      tpu.yield
    }) : () -> ()
    %broadcast_in_dim3A = arith.constant 0.000000e+00 : f32
    %broadcast_in_dim3A_3 = vector.broadcast %broadcast_in_dim3A : f32 to vector<16xf32>
    %scan3A = arith.constant 0 : i32
    %scan3A_4 = arith.constant 0 : i32
    %scan3A_5 = arith.constant 48 : i32
    %scan3A_6 = arith.addi %scan3A_4, %scan3A_5 : i32
    %scan3A_7 = arith.constant 1 : i32
    %scan3A_8 = scf.for %scan3A_34 = %scan3A_4 to %scan3A_6 step %scan3A_7 iter_args(%scan3A_35 = %scan3A) -> (i32)  : i32 {
      %swap3A_36 = arith.index_cast %scan3A_34 : i32 to index
      %swap3A_37 = arith.constant 0 : index
      %swap3A_38 = tpu.vector_load %arg15[%swap3A_36, %swap3A_37] {strides = array<i32>} : memref<48x128xf32, #tpu.memory_space<vmem>>, vector<16xf32>,
      tpu.vector_store %arg15[%swap3A_36, %swap3A_37], %broadcast_in_dim3A_3 {strides = array<i32>} : memref<48x128xf32, #tpu.memory_space<vmem>>, vector<16xf32>,
      %swap3A_39 = arith.index_cast %scan3A_34 : i32 to index
      %swap3A_40 = arith.constant 16 : index
      %swap3A_41 = tpu.vector_load %arg15[%swap3A_39, %swap3A_40] {strides = array<i32>} : memref<48x128xf32, #tpu.memory_space<vmem>>, vector<16xf32>,
      tpu.vector_store %arg15[%swap3A_39, %swap3A_40], %broadcast_in_dim3A_3 {strides = array<i32>} : memref<48x128xf32, #tpu.memory_space<vmem>>, vector<16xf32>,
      %swap3A_42 = arith.index_cast %scan3A_34 : i32 to index
      %swap3A_43 = arith.constant 32 : index
      %swap3A_44 = tpu.vector_load %arg15[%swap3A_42, %swap3A_43] {strides = array<i32>} : memref<48x128xf32, #tpu.memory_space<vmem>>, vector<16xf32>,
      tpu.vector_store %arg15[%swap3A_42, %swap3A_43], %broadcast_in_dim3A_3 {strides = array<i32>} : memref<48x128xf32, #tpu.memory_space<vmem>>, vector<16xf32>,
      %swap3A_45 = arith.index_cast %scan3A_34 : i32 to index
      %swap3A_46 = arith.constant 48 : index
      %swap3A_47 = tpu.vector_load %arg15[%swap3A_45, %swap3A_46] {strides = array<i32>} : memref<48x128xf32, #tpu.memory_space<vmem>>, vector<16xf32>,
      tpu.vector_store %arg15[%swap3A_45, %swap3A_46], %broadcast_in_dim3A_3 {strides = array<i32>} : memref<48x128xf32, #tpu.memory_space<vmem>>, vector<16xf32>,
      %swap3A_48 = arith.index_cast %scan3A_34 : i32 to index
      %swap3A_49 = arith.constant 64 : index
      %swap3A_50 = tpu.vector_load %arg15[%swap3A_48, %swap3A_49] {strides = array<i32>} : memref<48x128xf32, #tpu.memory_space<vmem>>, vector<16xf32>,
      tpu.vector_store %arg15[%swap3A_48, %swap3A_49], %broadcast_in_dim3A_3 {strides = array<i32>} : memref<48x128xf32, #tpu.memory_space<vmem>>, vector<16xf32>,
      %swap3A_51 = arith.index_cast %scan3A_34 : i32 to index
      %swap3A_52 = arith.constant 80 : index
      %swap3A_53 = tpu.vector_load %arg15[%swap3A_51, %swap3A_52] {strides = array<i32>} : memref<48x128xf32, #tpu.memory_space<vmem>>, vector<16xf32>,
      tpu.vector_store %arg15[%swap3A_51, %swap3A_52], %broadcast_in_dim3A_3 {strides = array<i32>} : memref<48x128xf32, #tpu.memory_space<vmem>>, vector<16xf32>,
      %swap3A_54 = arith.index_cast %scan3A_34 : i32 to index
      %swap3A_55 = arith.constant 96 : index
      %swap3A_56 = tpu.vector_load %arg15[%swap3A_54, %swap3A_55] {strides = array<i32>} : memref<48x128xf32, #tpu.memory_space<vmem>>, vector<16xf32>,
      tpu.vector_store %arg15[%swap3A_54, %swap3A_55], %broadcast_in_dim3A_3 {strides = array<i32>} : memref<48x128xf32, #tpu.memory_space<vmem>>, vector<16xf32>,
      %swap3A_57 = arith.index_cast %scan3A_34 : i32 to index
      %swap3A_58 = arith.constant 112 : index
      %swap3A_59 = tpu.vector_load %arg15[%swap3A_57, %swap3A_58] {strides = array<i32>} : memref<48x128xf32, #tpu.memory_space<vmem>>, vector<16xf32>,
      tpu.vector_store %arg15[%swap3A_57, %swap3A_58], %broadcast_in_dim3A_3 {strides = array<i32>} : memref<48x128xf32, #tpu.memory_space<vmem>>, vector<16xf32>,
      %scan3A_60 = arith.constant 0 : i32
      scf.yield %scan3A_60 : i32
    }
    %scan3A_9 = arith.constant 48 : i32
    %swap3A = arith.constant 0 : index
    %swap3A_10 = tpu.vector_load %arg18[%swap3A] {strides = array<i32>} : memref<48xf32, #tpu.memory_space<vmem>>, vector<16xf32>,
    tpu.vector_store %arg18[%swap3A], %broadcast_in_dim3A_3 {strides = array<i32>} : memref<48xf32, #tpu.memory_space<vmem>>, vector<16xf32>,
    %swap3A_11 = arith.constant 16 : index
    %swap3A_12 = tpu.vector_load %arg18[%swap3A_11] {strides = array<i32>} : memref<48xf32, #tpu.memory_space<vmem>>, vector<16xf32>,
    tpu.vector_store %arg18[%swap3A_11], %broadcast_in_dim3A_3 {strides = array<i32>} : memref<48xf32, #tpu.memory_space<vmem>>, vector<16xf32>,
    %swap3A_13 = arith.constant 32 : index
    %swap3A_14 = tpu.vector_load %arg18[%swap3A_13] {strides = array<i32>} : memref<48xf32, #tpu.memory_space<vmem>>, vector<16xf32>,
    tpu.vector_store %arg18[%swap3A_13], %broadcast_in_dim3A_3 {strides = array<i32>} : memref<48xf32, #tpu.memory_space<vmem>>, vector<16xf32>,
    %scan3A_15 = arith.constant 0 : i32
    %scan3A_16 = arith.constant 0 : i32
    %scan3A_17 = arith.constant 13 : i32
    %scan3A_18 = arith.addi %scan3A_16, %scan3A_17 : i32
    %scan3A_19 = arith.constant 1 : i32
    %scan3A_20 = scf.for %scan3A_34 = %scan3A_16 to %scan3A_18 step %scan3A_19 iter_args(%scan3A_35 = %scan3A_15) -> (i32)  : i32 {
      %mul3A_36 = arith.constant 48 : i32
      %mul3A_37 = arith.muli %scan3A_34, %mul3A_36 : i32
      %add3A_38 = arith.addi %mul3A_2, %mul3A_37 : i32
      "tpu.region"() ({
        %run_scoped3A = tpu.sem_alloc : memref<!tpu.dma_semaphore, #tpu.memory_space<semaphore_mem>>
        %dma_start3A = arith.constant 0 : i32
        %dma_start3A_43 = tpu.memref_slice %arg9[%add3A_38, %dma_start3A] : memref<10240x128xf32, #tpu.memory_space<vmem_shared>> -> memref<48x128xf32, #tpu.memory_space<vmem_shared>>
        %dma_start3A_44 = arith.constant 0 : i32
        %dma_start3A_45 = tpu.memref_slice %arg9[%add3A_38, %dma_start3A_44] : memref<10240x128xf32, #tpu.memory_space<vmem_shared>> -> memref<48x128xf32, #tpu.memory_space<vmem_shared>>
        tpu.enqueue_dma source(%arg15 : memref<48x128xf32, #tpu.memory_space<vmem>>) target(%dma_start3A_45 : memref<48x128xf32, #tpu.memory_space<vmem_shared>>) target_semaphore(%run_scoped3A : memref<!tpu.dma_semaphore, #tpu.memory_space<semaphore_mem>>)
        %dma_wait3A = arith.constant 0 : i32
        %dma_wait3A_46 = tpu.memref_slice %arg9[%add3A_38, %dma_wait3A] : memref<10240x128xf32, #tpu.memory_space<vmem_shared>> -> memref<48x128xf32, #tpu.memory_space<vmem_shared>>
        %dma_wait3A_47 = arith.constant 0 : i32
        %dma_wait3A_48 = tpu.memref_slice %arg9[%add3A_38, %dma_wait3A_47] : memref<10240x128xf32, #tpu.memory_space<vmem_shared>> -> memref<48x128xf32, #tpu.memory_space<vmem_shared>>
        tpu.wait_dma2 semaphore(%run_scoped3A : memref<!tpu.dma_semaphore, #tpu.memory_space<semaphore_mem>>) src(%arg15 : memref<48x128xf32, #tpu.memory_space<vmem>>) dst(%dma_wait3A_48 : memref<48x128xf32, #tpu.memory_space<vmem_shared>>)
        tpu.yield
      }) : () -> ()
      %mul3A_39 = arith.constant 48 : i32
      %mul3A_40 = arith.muli %scan3A_34, %mul3A_39 : i32
      %add3A_41 = arith.addi %mul3A_2, %mul3A_40 : i32
      "tpu.region"() ({
        %run_scoped3A = tpu.sem_alloc : memref<!tpu.dma_semaphore, #tpu.memory_space<semaphore_mem>>
        %dma_start3A = tpu.memref_slice %arg10[%add3A_41] : memref<10240xf32, #tpu.memory_space<vmem_shared>> -> memref<48xf32, #tpu.memory_space<vmem_shared>>
        %dma_start3A_43 = tpu.memref_slice %arg10[%add3A_41] : memref<10240xf32, #tpu.memory_space<vmem_shared>> -> memref<48xf32, #tpu.memory_space<vmem_shared>>
        tpu.enqueue_dma source(%arg18 : memref<48xf32, #tpu.memory_space<vmem>>) target(%dma_start3A_43 : memref<48xf32, #tpu.memory_space<vmem_shared>>) target_semaphore(%run_scoped3A : memref<!tpu.dma_semaphore, #tpu.memory_space<semaphore_mem>>)
        %dma_wait3A = tpu.memref_slice %arg10[%add3A_41] : memref<10240xf32, #tpu.memory_space<vmem_shared>> -> memref<48xf32, #tpu.memory_space<vmem_shared>>
        %dma_wait3A_44 = tpu.memref_slice %arg10[%add3A_41] : memref<10240xf32, #tpu.memory_space<vmem_shared>> -> memref<48xf32, #tpu.memory_space<vmem_shared>>
        tpu.wait_dma2 semaphore(%run_scoped3A : memref<!tpu.dma_semaphore, #tpu.memory_space<semaphore_mem>>) src(%arg18 : memref<48xf32, #tpu.memory_space<vmem>>) dst(%dma_wait3A_44 : memref<48xf32, #tpu.memory_space<vmem_shared>>)
        tpu.yield
      }) : () -> ()
      %scan3A_42 = arith.constant 0 : i32
      scf.yield %scan3A_42 : i32
    }
    %scan3A_21 = arith.constant 13 : i32
    %add3A_22 = arith.constant 624 : i32
    %add3A_23 = arith.addi %mul3A_2, %add3A_22 : i32
    "tpu.region"() ({
      %run_scoped3A = tpu.sem_alloc : memref<!tpu.dma_semaphore, #tpu.memory_space<semaphore_mem>>
      %dma_start3A = arith.constant 0 : i32
      %dma_start3A_34 = arith.constant 0 : i32
      %dma_start3A_35 = tpu.memref_slice %arg15[%dma_start3A, %dma_start3A_34] : memref<48x128xf32, #tpu.memory_space<vmem>> -> memref<16x128xf32, #tpu.memory_space<vmem>>
      %dma_start3A_36 = arith.constant 0 : i32
      %dma_start3A_37 = tpu.memref_slice %arg9[%add3A_23, %dma_start3A_36] : memref<10240x128xf32, #tpu.memory_space<vmem_shared>> -> memref<16x128xf32, #tpu.memory_space<vmem_shared>>
      %dma_start3A_38 = arith.constant 0 : i32
      %dma_start3A_39 = tpu.memref_slice %arg9[%add3A_23, %dma_start3A_38] : memref<10240x128xf32, #tpu.memory_space<vmem_shared>> -> memref<16x128xf32, #tpu.memory_space<vmem_shared>>
      %dma_start3A_40 = arith.constant 0 : i32
      %dma_start3A_41 = arith.constant 0 : i32
      %dma_start3A_42 = tpu.memref_slice %arg15[%dma_start3A_40, %dma_start3A_41] : memref<48x128xf32, #tpu.memory_space<vmem>> -> memref<16x128xf32, #tpu.memory_space<vmem>>
      tpu.enqueue_dma source(%dma_start3A_42 : memref<16x128xf32, #tpu.memory_space<vmem>>) target(%dma_start3A_39 : memref<16x128xf32, #tpu.memory_space<vmem_shared>>) target_semaphore(%run_scoped3A : memref<!tpu.dma_semaphore, #tpu.memory_space<semaphore_mem>>)
      %dma_wait3A = arith.constant 0 : i32
      %dma_wait3A_43 = arith.constant 0 : i32
      %dma_wait3A_44 = tpu.memref_slice %arg15[%dma_wait3A, %dma_wait3A_43] : memref<48x128xf32, #tpu.memory_space<vmem>> -> memref<16x128xf32, #tpu.memory_space<vmem>>
      %dma_wait3A_45 = arith.constant 0 : i32
      %dma_wait3A_46 = tpu.memref_slice %arg9[%add3A_23, %dma_wait3A_45] : memref<10240x128xf32, #tpu.memory_space<vmem_shared>> -> memref<16x128xf32, #tpu.memory_space<vmem_shared>>
      %dma_wait3A_47 = arith.constant 0 : i32
      %dma_wait3A_48 = tpu.memref_slice %arg9[%add3A_23, %dma_wait3A_47] : memref<10240x128xf32, #tpu.memory_space<vmem_shared>> -> memref<16x128xf32, #tpu.memory_space<vmem_shared>>
      %dma_wait3A_49 = arith.constant 0 : i32
      %dma_wait3A_50 = arith.constant 0 : i32
      %dma_wait3A_51 = tpu.memref_slice %arg15[%dma_wait3A_49, %dma_wait3A_50] : memref<48x128xf32, #tpu.memory_space<vmem>> -> memref<16x128xf32, #tpu.memory_space<vmem>>
      tpu.wait_dma2 semaphore(%run_scoped3A : memref<!tpu.dma_semaphore, #tpu.memory_space<semaphore_mem>>) src(%dma_wait3A_51 : memref<16x128xf32, #tpu.memory_space<vmem>>) dst(%dma_wait3A_48 : memref<16x128xf32, #tpu.memory_space<vmem_shared>>)
      tpu.yield
    }) : () -> ()
    %add3A_24 = arith.constant 624 : i32
    %add3A_25 = arith.addi %mul3A_2, %add3A_24 : i32
    "tpu.region"() ({
      %run_scoped3A = tpu.sem_alloc : memref<!tpu.dma_semaphore, #tpu.memory_space<semaphore_mem>>
      %dma_start3A = arith.constant 0 : i32
      %dma_start3A_34 = tpu.memref_slice %arg18[%dma_start3A] : memref<48xf32, #tpu.memory_space<vmem>> -> memref<16xf32, #tpu.memory_space<vmem>>
      %dma_start3A_35 = tpu.memref_slice %arg10[%add3A_25] : memref<10240xf32, #tpu.memory_space<vmem_shared>> -> memref<16xf32, #tpu.memory_space<vmem_shared>>
      %dma_start3A_36 = tpu.memref_slice %arg10[%add3A_25] : memref<10240xf32, #tpu.memory_space<vmem_shared>> -> memref<16xf32, #tpu.memory_space<vmem_shared>>
      %dma_start3A_37 = arith.constant 0 : i32
      %dma_start3A_38 = tpu.memref_slice %arg18[%dma_start3A_37] : memref<48xf32, #tpu.memory_space<vmem>> -> memref<16xf32, #tpu.memory_space<vmem>>
      tpu.enqueue_dma source(%dma_start3A_38 : memref<16xf32, #tpu.memory_space<vmem>>) target(%dma_start3A_36 : memref<16xf32, #tpu.memory_space<vmem_shared>>) target_semaphore(%run_scoped3A : memref<!tpu.dma_semaphore, #tpu.memory_space<semaphore_mem>>)
      %dma_wait3A = arith.constant 0 : i32
      %dma_wait3A_39 = tpu.memref_slice %arg18[%dma_wait3A] : memref<48xf32, #tpu.memory_space<vmem>> -> memref<16xf32, #tpu.memory_space<vmem>>
      %dma_wait3A_40 = tpu.memref_slice %arg10[%add3A_25] : memref<10240xf32, #tpu.memory_space<vmem_shared>> -> memref<16xf32, #tpu.memory_space<vmem_shared>>
      %dma_wait3A_41 = tpu.memref_slice %arg10[%add3A_25] : memref<10240xf32, #tpu.memory_space<vmem_shared>> -> memref<16xf32, #tpu.memory_space<vmem_shared>>
      %dma_wait3A_42 = arith.constant 0 : i32
      %dma_wait3A_43 = tpu.memref_slice %arg18[%dma_wait3A_42] : memref<48xf32, #tpu.memory_space<vmem>> -> memref<16xf32, #tpu.memory_space<vmem>>
      tpu.wait_dma2 semaphore(%run_scoped3A : memref<!tpu.dma_semaphore, #tpu.memory_space<semaphore_mem>>) src(%dma_wait3A_43 : memref<16xf32, #tpu.memory_space<vmem>>) dst(%dma_wait3A_41 : memref<16xf32, #tpu.memory_space<vmem_shared>>)
      tpu.yield
    }) : () -> ()
    %barrier3A = arith.constant 0 : index
    tpu.barrier barrier_id(%barrier3A)
    %scan3A_26 = arith.constant 0 : i32
    %scan3A_27 = arith.constant 0 : i32
    %scan3A_28 = arith.constant 9 : i32
    %scan3A_29 = arith.addi %scan3A_27, %scan3A_28 : i32
    %scan3A_30 = arith.constant 1 : i32
    %scan3A_31 = scf.for %scan3A_34 = %scan3A_27 to %scan3A_29 step %scan3A_30 iter_args(%scan3A_35 = %scan3A_26) -> (i32)  : i32 {
      %ge3A = arith.constant 1 : i32
      %ge3A_36 = arith.cmpi sge, %scan3A_34, %ge3A : i32
      %convert_element_type3A = arith.extui %ge3A_36 : i1 to i32
      %cond3A = arith.constant 0 : i32
      %cond3A_37 = arith.cmpi ne, %convert_element_type3A, %cond3A : i32
      scf.if %cond3A_37 {
      } else {
      }
      "tpu.region"() ({
        %run_scoped3A = tpu.sem_alloc : memref<!tpu.dma_semaphore, #tpu.memory_space<semaphore_mem>>
        %dma_start3A = arith.constant 0 : i32
        %dma_start3A_46 = arith.constant 0 : i32
        %dma_start3A_47 = tpu.memref_slice %arg5[%add3A, %scan3A_34, %dma_start3A, %dma_start3A_46] : memref<32x9x24x48xi32, #tpu.memory_space<hbm>> -> memref<1x1x24x48xi32, #tpu.memory_space<hbm>>
        %dma_start3A_48 = tpu.memref_squeeze %dma_start3A_47 : memref<1x1x24x48xi32, #tpu.memory_space<hbm>> -> memref<24x48xi32, #tpu.memory_space<hbm>>
        %dma_start3A_49 = arith.constant 0 : i32
        %dma_start3A_50 = arith.constant 0 : i32
        %dma_start3A_51 = tpu.memref_slice %arg5[%add3A, %scan3A_34, %dma_start3A_49, %dma_start3A_50] : memref<32x9x24x48xi32, #tpu.memory_space<hbm>> -> memref<1x1x24x48xi32, #tpu.memory_space<hbm>>
        %dma_start3A_52 = tpu.memref_squeeze %dma_start3A_51 : memref<1x1x24x48xi32, #tpu.memory_space<hbm>> -> memref<24x48xi32, #tpu.memory_space<hbm>>
        tpu.enqueue_dma source(%dma_start3A_52 : memref<24x48xi32, #tpu.memory_space<hbm>>) target(%arg13 : memref<24x48xi32, #tpu.memory_space<vmem>>) target_semaphore(%run_scoped3A : memref<!tpu.dma_semaphore, #tpu.memory_space<semaphore_mem>>)
        %dma_wait3A = arith.constant 0 : i32
        %dma_wait3A_53 = arith.constant 0 : i32
        %dma_wait3A_54 = tpu.memref_slice %arg5[%add3A, %scan3A_34, %dma_wait3A, %dma_wait3A_53] : memref<32x9x24x48xi32, #tpu.memory_space<hbm>> -> memref<1x1x24x48xi32, #tpu.memory_space<hbm>>
        %dma_wait3A_55 = tpu.memref_squeeze %dma_wait3A_54 : memref<1x1x24x48xi32, #tpu.memory_space<hbm>> -> memref<24x48xi32, #tpu.memory_space<hbm>>
        %dma_wait3A_56 = arith.constant 0 : i32
        %dma_wait3A_57 = arith.constant 0 : i32
        %dma_wait3A_58 = tpu.memref_slice %arg5[%add3A, %scan3A_34, %dma_wait3A_56, %dma_wait3A_57] : memref<32x9x24x48xi32, #tpu.memory_space<hbm>> -> memref<1x1x24x48xi32, #tpu.memory_space<hbm>>
        %dma_wait3A_59 = tpu.memref_squeeze %dma_wait3A_58 : memref<1x1x24x48xi32, #tpu.memory_space<hbm>> -> memref<24x48xi32, #tpu.memory_space<hbm>>
        tpu.wait_dma2 semaphore(%run_scoped3A : memref<!tpu.dma_semaphore, #tpu.memory_space<semaphore_mem>>) src(%dma_wait3A_59 : memref<24x48xi32, #tpu.memory_space<hbm>>) dst(%arg13 : memref<24x48xi32, #tpu.memory_space<vmem>>)
        tpu.yield
      }) : () -> ()
      "tpu.region"() ({
        %run_scoped3A = tpu.sem_alloc : memref<!tpu.dma_semaphore, #tpu.memory_space<semaphore_mem>>
        %dma_start3A = arith.constant 0 : i32
        %dma_start3A_46 = arith.constant 0 : i32
        %dma_start3A_47 = tpu.memref_slice %arg6[%add3A, %scan3A_34, %dma_start3A, %dma_start3A_46] : memref<32x9x24x48xi32, #tpu.memory_space<hbm>> -> memref<1x1x24x48xi32, #tpu.memory_space<hbm>>
        %dma_start3A_48 = tpu.memref_squeeze %dma_start3A_47 : memref<1x1x24x48xi32, #tpu.memory_space<hbm>> -> memref<24x48xi32, #tpu.memory_space<hbm>>
        %dma_start3A_49 = arith.constant 0 : i32
        %dma_start3A_50 = arith.constant 0 : i32
        %dma_start3A_51 = tpu.memref_slice %arg6[%add3A, %scan3A_34, %dma_start3A_49, %dma_start3A_50] : memref<32x9x24x48xi32, #tpu.memory_space<hbm>> -> memref<1x1x24x48xi32, #tpu.memory_space<hbm>>
        %dma_start3A_52 = tpu.memref_squeeze %dma_start3A_51 : memref<1x1x24x48xi32, #tpu.memory_space<hbm>> -> memref<24x48xi32, #tpu.memory_space<hbm>>
        tpu.enqueue_dma source(%dma_start3A_52 : memref<24x48xi32, #tpu.memory_space<hbm>>) target(%arg14 : memref<24x48xi32, #tpu.memory_space<vmem>>) target_semaphore(%run_scoped3A : memref<!tpu.dma_semaphore, #tpu.memory_space<semaphore_mem>>)
        %dma_wait3A = arith.constant 0 : i32
        %dma_wait3A_53 = arith.constant 0 : i32
        %dma_wait3A_54 = tpu.memref_slice %arg6[%add3A, %scan3A_34, %dma_wait3A, %dma_wait3A_53] : memref<32x9x24x48xi32, #tpu.memory_space<hbm>> -> memref<1x1x24x48xi32, #tpu.memory_space<hbm>>
        %dma_wait3A_55 = tpu.memref_squeeze %dma_wait3A_54 : memref<1x1x24x48xi32, #tpu.memory_space<hbm>> -> memref<24x48xi32, #tpu.memory_space<hbm>>
        %dma_wait3A_56 = arith.constant 0 : i32
        %dma_wait3A_57 = arith.constant 0 : i32
        %dma_wait3A_58 = tpu.memref_slice %arg6[%add3A, %scan3A_34, %dma_wait3A_56, %dma_wait3A_57] : memref<32x9x24x48xi32, #tpu.memory_space<hbm>> -> memref<1x1x24x48xi32, #tpu.memory_space<hbm>>
        %dma_wait3A_59 = tpu.memref_squeeze %dma_wait3A_58 : memref<1x1x24x48xi32, #tpu.memory_space<hbm>> -> memref<24x48xi32, #tpu.memory_space<hbm>>
        tpu.wait_dma2 semaphore(%run_scoped3A : memref<!tpu.dma_semaphore, #tpu.memory_space<semaphore_mem>>) src(%dma_wait3A_59 : memref<24x48xi32, #tpu.memory_space<hbm>>) dst(%arg14 : memref<24x48xi32, #tpu.memory_space<vmem>>)
        tpu.yield
      }) : () -> ()
      %scan3A_38 = arith.constant 0 : i32
      %scan3A_39 = arith.constant 0 : i32
      %scan3A_40 = arith.constant 8 : i32
      %scan3A_41 = arith.addi %scan3A_39, %scan3A_40 : i32
      %scan3A_42 = arith.constant 1 : i32
      %scan3A_43 = scf.for %scan3A_46 = %scan3A_39 to %scan3A_41 step %scan3A_42 iter_args(%scan3A_47 = %scan3A_38) -> (i32)  : i32 {
        %mul3A_48 = arith.constant 3 : i32
        %mul3A_49 = arith.muli %mul3A_48, %scan3A_46 : i32
        %get3A = arith.index_cast %mul3A_49 : i32 to index
        %get3A_50 = arith.constant 0 : index
        %get3A_51 = tpu.vector_load %arg13[%get3A, %get3A_50] {strides = array<i32>} : memref<24x48xi32, #tpu.memory_space<vmem>>, vector<16xi32>,
        %get3A_52 = arith.index_cast %mul3A_49 : i32 to index
        %get3A_53 = arith.constant 0 : index
        %get3A_54 = tpu.vector_load %arg14[%get3A_52, %get3A_53] {strides = array<i32>} : memref<24x48xi32, #tpu.memory_space<vmem>>, vector<16xi32>,
        %gather3A = tpu.vector_load_idx %arg11[%get3A_51] : memref<10240xf32, #tpu.memory_space<vmem>>[vector<16xi32>], vector<16xf32>,
        %gather3A_55 = tpu.vector_load_idx %arg12[%get3A_54] : memref<10240xf32, #tpu.memory_space<vmem>>[vector<16xi32>], vector<16xf32>,
        %add3A_56 = arith.addf %gather3A, %gather3A_55 : vector<16xf32>
        %mul3A_57 = arith.constant 2.000000e-01 : f32
        %mul3A_58 = vector.broadcast %mul3A_57 : f32 to vector<16xf32>
        %mul3A_59 = arith.mulf %mul3A_58, %add3A_56 : vector<16xf32>
        %max3A = arith.maximumf %add3A_56, %mul3A_59 : vector<16xf32>
        %exp3A = math.exp %max3A : vector<16xf32>
        %swap3A_60 = arith.constant 0 : index
        %swap3A_61 = tpu.vector_load %arg18[%swap3A_60] {strides = array<i32>} : memref<48xf32, #tpu.memory_space<vmem>>, vector<16xf32>,
        tpu.vector_store %arg18[%swap3A_60], %exp3A {strides = array<i32>} : memref<48xf32, #tpu.memory_space<vmem>>, vector<16xf32>,
        %get3A_62 = arith.index_cast %mul3A_49 : i32 to index
        %get3A_63 = arith.constant 16 : index
        %get3A_64 = tpu.vector_load %arg13[%get3A_62, %get3A_63] {strides = array<i32>} : memref<24x48xi32, #tpu.memory_space<vmem>>, vector<16xi32>,
        %get3A_65 = arith.index_cast %mul3A_49 : i32 to index
        %get3A_66 = arith.constant 16 : index
        %get3A_67 = tpu.vector_load %arg14[%get3A_65, %get3A_66] {strides = array<i32>} : memref<24x48xi32, #tpu.memory_space<vmem>>, vector<16xi32>,
        %gather3A_68 = tpu.vector_load_idx %arg11[%get3A_64] : memref<10240xf32, #tpu.memory_space<vmem>>[vector<16xi32>], vector<16xf32>,
        %gather3A_69 = tpu.vector_load_idx %arg12[%get3A_67] : memref<10240xf32, #tpu.memory_space<vmem>>[vector<16xi32>], vector<16xf32>,
        %add3A_70 = arith.addf %gather3A_68, %gather3A_69 : vector<16xf32>
        %mul3A_71 = arith.constant 2.000000e-01 : f32
        %mul3A_72 = vector.broadcast %mul3A_71 : f32 to vector<16xf32>
        %mul3A_73 = arith.mulf %mul3A_72, %add3A_70 : vector<16xf32>
        %max3A_74 = arith.maximumf %add3A_70, %mul3A_73 : vector<16xf32>
        %exp3A_75 = math.exp %max3A_74 : vector<16xf32>
        %swap3A_76 = arith.constant 16 : index
        %swap3A_77 = tpu.vector_load %arg18[%swap3A_76] {strides = array<i32>} : memref<48xf32, #tpu.memory_space<vmem>>, vector<16xf32>,
        tpu.vector_store %arg18[%swap3A_76], %exp3A_75 {strides = array<i32>} : memref<48xf32, #tpu.memory_space<vmem>>, vector<16xf32>,
        %get3A_78 = arith.index_cast %mul3A_49 : i32 to index
        %get3A_79 = arith.constant 32 : index
        %get3A_80 = tpu.vector_load %arg13[%get3A_78, %get3A_79] {strides = array<i32>} : memref<24x48xi32, #tpu.memory_space<vmem>>, vector<16xi32>,
        %get3A_81 = arith.index_cast %mul3A_49 : i32 to index
        %get3A_82 = arith.constant 32 : index
        %get3A_83 = tpu.vector_load %arg14[%get3A_81, %get3A_82] {strides = array<i32>} : memref<24x48xi32, #tpu.memory_space<vmem>>, vector<16xi32>,
        %gather3A_84 = tpu.vector_load_idx %arg11[%get3A_80] : memref<10240xf32, #tpu.memory_space<vmem>>[vector<16xi32>], vector<16xf32>,
        %gather3A_85 = tpu.vector_load_idx %arg12[%get3A_83] : memref<10240xf32, #tpu.memory_space<vmem>>[vector<16xi32>], vector<16xf32>,
        %add3A_86 = arith.addf %gather3A_84, %gather3A_85 : vector<16xf32>
        %mul3A_87 = arith.constant 2.000000e-01 : f32
        %mul3A_88 = vector.broadcast %mul3A_87 : f32 to vector<16xf32>
        %mul3A_89 = arith.mulf %mul3A_88, %add3A_86 : vector<16xf32>
        %max3A_90 = arith.maximumf %add3A_86, %mul3A_89 : vector<16xf32>
        %exp3A_91 = math.exp %max3A_90 : vector<16xf32>
        %swap3A_92 = arith.constant 32 : index
        %swap3A_93 = tpu.vector_load %arg18[%swap3A_92] {strides = array<i32>} : memref<48xf32, #tpu.memory_space<vmem>>, vector<16xf32>,
        tpu.vector_store %arg18[%swap3A_92], %exp3A_91 {strides = array<i32>} : memref<48xf32, #tpu.memory_space<vmem>>, vector<16xf32>,
        %ge3A_94 = arith.constant 2 : i32
        %ge3A_95 = arith.cmpi sge, %mul3A_49, %ge3A_94 : i32
        %convert_element_type3A_96 = arith.extui %ge3A_95 : i1 to i32
        %cond3A_97 = arith.constant 0 : i32
        %cond3A_98 = arith.cmpi ne, %convert_element_type3A_96, %cond3A_97 : i32
        scf.if %cond3A_98 {
        } else {
        }
        %mul3A_99 = arith.constant 3 : i32
        %mul3A_100 = arith.muli %mul3A_99, %scan3A_46 : i32
        %add3A_101 = arith.constant 1 : i32
        %add3A_102 = arith.addi %mul3A_100, %add3A_101 : i32
        %get3A_103 = arith.index_cast %add3A_102 : i32 to index
        %get3A_104 = arith.constant 0 : index
        %get3A_105 = tpu.vector_load %arg13[%get3A_103, %get3A_104] {strides = array<i32>} : memref<24x48xi32, #tpu.memory_space<vmem>>, vector<16xi32>,
        %get3A_106 = arith.index_cast %add3A_102 : i32 to index
        %get3A_107 = arith.constant 0 : index
        %get3A_108 = tpu.vector_load %arg14[%get3A_106, %get3A_107] {strides = array<i32>} : memref<24x48xi32, #tpu.memory_space<vmem>>, vector<16xi32>,
        %gather3A_109 = tpu.vector_load_idx %arg11[%get3A_105] : memref<10240xf32, #tpu.memory_space<vmem>>[vector<16xi32>], vector<16xf32>,
        %gather3A_110 = tpu.vector_load_idx %arg12[%get3A_108] : memref<10240xf32, #tpu.memory_space<vmem>>[vector<16xi32>], vector<16xf32>,
        %add3A_111 = arith.addf %gather3A_109, %gather3A_110 : vector<16xf32>
        %mul3A_112 = arith.constant 2.000000e-01 : f32
        %mul3A_113 = vector.broadcast %mul3A_112 : f32 to vector<16xf32>
        %mul3A_114 = arith.mulf %mul3A_113, %add3A_111 : vector<16xf32>
        %max3A_115 = arith.maximumf %add3A_111, %mul3A_114 : vector<16xf32>
        %exp3A_116 = math.exp %max3A_115 : vector<16xf32>
        %swap3A_117 = arith.constant 0 : index
        %swap3A_118 = tpu.vector_load %arg19[%swap3A_117] {strides = array<i32>} : memref<48xf32, #tpu.memory_space<vmem>>, vector<16xf32>,
        tpu.vector_store %arg19[%swap3A_117], %exp3A_116 {strides = array<i32>} : memref<48xf32, #tpu.memory_space<vmem>>, vector<16xf32>,
        %get3A_119 = arith.index_cast %add3A_102 : i32 to index
        %get3A_120 = arith.constant 16 : index
        %get3A_121 = tpu.vector_load %arg13[%get3A_119, %get3A_120] {strides = array<i32>} : memref<24x48xi32, #tpu.memory_space<vmem>>, vector<16xi32>,
        %get3A_122 = arith.index_cast %add3A_102 : i32 to index
        %get3A_123 = arith.constant 16 : index
        %get3A_124 = tpu.vector_load %arg14[%get3A_122, %get3A_123] {strides = array<i32>} : memref<24x48xi32, #tpu.memory_space<vmem>>, vector<16xi32>,
        %gather3A_125 = tpu.vector_load_idx %arg11[%get3A_121] : memref<10240xf32, #tpu.memory_space<vmem>>[vector<16xi32>], vector<16xf32>,
        %gather3A_126 = tpu.vector_load_idx %arg12[%get3A_124] : memref<10240xf32, #tpu.memory_space<vmem>>[vector<16xi32>], vector<16xf32>,
        %add3A_127 = arith.addf %gather3A_125, %gather3A_126 : vector<16xf32>
        %mul3A_128 = arith.constant 2.000000e-01 : f32
        %mul3A_129 = vector.broadcast %mul3A_128 : f32 to vector<16xf32>
        %mul3A_130 = arith.mulf %mul3A_129, %add3A_127 : vector<16xf32>
        %max3A_131 = arith.maximumf %add3A_127, %mul3A_130 : vector<16xf32>
        %exp3A_132 = math.exp %max3A_131 : vector<16xf32>
        %swap3A_133 = arith.constant 16 : index
        %swap3A_134 = tpu.vector_load %arg19[%swap3A_133] {strides = array<i32>} : memref<48xf32, #tpu.memory_space<vmem>>, vector<16xf32>,
        tpu.vector_store %arg19[%swap3A_133], %exp3A_132 {strides = array<i32>} : memref<48xf32, #tpu.memory_space<vmem>>, vector<16xf32>,
        %get3A_135 = arith.index_cast %add3A_102 : i32 to index
        %get3A_136 = arith.constant 32 : index
        %get3A_137 = tpu.vector_load %arg13[%get3A_135, %get3A_136] {strides = array<i32>} : memref<24x48xi32, #tpu.memory_space<vmem>>, vector<16xi32>,
        %get3A_138 = arith.index_cast %add3A_102 : i32 to index
        %get3A_139 = arith.constant 32 : index
        %get3A_140 = tpu.vector_load %arg14[%get3A_138, %get3A_139] {strides = array<i32>} : memref<24x48xi32, #tpu.memory_space<vmem>>, vector<16xi32>,
        %gather3A_141 = tpu.vector_load_idx %arg11[%get3A_137] : memref<10240xf32, #tpu.memory_space<vmem>>[vector<16xi32>], vector<16xf32>,
        %gather3A_142 = tpu.vector_load_idx %arg12[%get3A_140] : memref<10240xf32, #tpu.memory_space<vmem>>[vector<16xi32>], vector<16xf32>,
        %add3A_143 = arith.addf %gather3A_141, %gather3A_142 : vector<16xf32>
        %mul3A_144 = arith.constant 2.000000e-01 : f32
        %mul3A_145 = vector.broadcast %mul3A_144 : f32 to vector<16xf32>
        %mul3A_146 = arith.mulf %mul3A_145, %add3A_143 : vector<16xf32>
        %max3A_147 = arith.maximumf %add3A_143, %mul3A_146 : vector<16xf32>
        %exp3A_148 = math.exp %max3A_147 : vector<16xf32>
        %swap3A_149 = arith.constant 32 : index
        %swap3A_150 = tpu.vector_load %arg19[%swap3A_149] {strides = array<i32>} : memref<48xf32, #tpu.memory_space<vmem>>, vector<16xf32>,
        tpu.vector_store %arg19[%swap3A_149], %exp3A_148 {strides = array<i32>} : memref<48xf32, #tpu.memory_space<vmem>>, vector<16xf32>,
        %ge3A_151 = arith.constant 2 : i32
        %ge3A_152 = arith.cmpi sge, %add3A_102, %ge3A_151 : i32
        %convert_element_type3A_153 = arith.extui %ge3A_152 : i1 to i32
        %cond3A_154 = arith.constant 0 : i32
        %cond3A_155 = arith.cmpi ne, %convert_element_type3A_153, %cond3A_154 : i32
        scf.if %cond3A_155 {
        } else {
        }
        %mul3A_156 = arith.constant 3 : i32
        %mul3A_157 = arith.muli %mul3A_156, %scan3A_46 : i32
        %add3A_158 = arith.constant 2 : i32
        %add3A_159 = arith.addi %mul3A_157, %add3A_158 : i32
        %get3A_160 = arith.index_cast %add3A_159 : i32 to index
        %get3A_161 = arith.constant 0 : index
        %get3A_162 = tpu.vector_load %arg13[%get3A_160, %get3A_161] {strides = array<i32>} : memref<24x48xi32, #tpu.memory_space<vmem>>, vector<16xi32>,
        %get3A_163 = arith.index_cast %add3A_159 : i32 to index
        %get3A_164 = arith.constant 0 : index
        %get3A_165 = tpu.vector_load %arg14[%get3A_163, %get3A_164] {strides = array<i32>} : memref<24x48xi32, #tpu.memory_space<vmem>>, vector<16xi32>,
        %gather3A_166 = tpu.vector_load_idx %arg11[%get3A_162] : memref<10240xf32, #tpu.memory_space<vmem>>[vector<16xi32>], vector<16xf32>,
        %gather3A_167 = tpu.vector_load_idx %arg12[%get3A_165] : memref<10240xf32, #tpu.memory_space<vmem>>[vector<16xi32>], vector<16xf32>,
        %add3A_168 = arith.addf %gather3A_166, %gather3A_167 : vector<16xf32>
        %mul3A_169 = arith.constant 2.000000e-01 : f32
        %mul3A_170 = vector.broadcast %mul3A_169 : f32 to vector<16xf32>
        %mul3A_171 = arith.mulf %mul3A_170, %add3A_168 : vector<16xf32>
        %max3A_172 = arith.maximumf %add3A_168, %mul3A_171 : vector<16xf32>
        %exp3A_173 = math.exp %max3A_172 : vector<16xf32>
        %swap3A_174 = arith.constant 0 : index
        %swap3A_175 = tpu.vector_load %arg20[%swap3A_174] {strides = array<i32>} : memref<48xf32, #tpu.memory_space<vmem>>, vector<16xf32>,
        tpu.vector_store %arg20[%swap3A_174], %exp3A_173 {strides = array<i32>} : memref<48xf32, #tpu.memory_space<vmem>>, vector<16xf32>,
        %get3A_176 = arith.index_cast %add3A_159 : i32 to index
        %get3A_177 = arith.constant 16 : index
        %get3A_178 = tpu.vector_load %arg13[%get3A_176, %get3A_177] {strides = array<i32>} : memref<24x48xi32, #tpu.memory_space<vmem>>, vector<16xi32>,
        %get3A_179 = arith.index_cast %add3A_159 : i32 to index
        %get3A_180 = arith.constant 16 : index
        %get3A_181 = tpu.vector_load %arg14[%get3A_179, %get3A_180] {strides = array<i32>} : memref<24x48xi32, #tpu.memory_space<vmem>>, vector<16xi32>,
        %gather3A_182 = tpu.vector_load_idx %arg11[%get3A_178] : memref<10240xf32, #tpu.memory_space<vmem>>[vector<16xi32>], vector<16xf32>,
        %gather3A_183 = tpu.vector_load_idx %arg12[%get3A_181] : memref<10240xf32, #tpu.memory_space<vmem>>[vector<16xi32>], vector<16xf32>,
        %add3A_184 = arith.addf %gather3A_182, %gather3A_183 : vector<16xf32>
        %mul3A_185 = arith.constant 2.000000e-01 : f32
        %mul3A_186 = vector.broadcast %mul3A_185 : f32 to vector<16xf32>
        %mul3A_187 = arith.mulf %mul3A_186, %add3A_184 : vector<16xf32>
        %max3A_188 = arith.maximumf %add3A_184, %mul3A_187 : vector<16xf32>
        %exp3A_189 = math.exp %max3A_188 : vector<16xf32>
        %swap3A_190 = arith.constant 16 : index
        %swap3A_191 = tpu.vector_load %arg20[%swap3A_190] {strides = array<i32>} : memref<48xf32, #tpu.memory_space<vmem>>, vector<16xf32>,
        tpu.vector_store %arg20[%swap3A_190], %exp3A_189 {strides = array<i32>} : memref<48xf32, #tpu.memory_space<vmem>>, vector<16xf32>,
        %get3A_192 = arith.index_cast %add3A_159 : i32 to index
        %get3A_193 = arith.constant 32 : index
        %get3A_194 = tpu.vector_load %arg13[%get3A_192, %get3A_193] {strides = array<i32>} : memref<24x48xi32, #tpu.memory_space<vmem>>, vector<16xi32>,
        %get3A_195 = arith.index_cast %add3A_159 : i32 to index
        %get3A_196 = arith.constant 32 : index
        %get3A_197 = tpu.vector_load %arg14[%get3A_195, %get3A_196] {strides = array<i32>} : memref<24x48xi32, #tpu.memory_space<vmem>>, vector<16xi32>,
        %gather3A_198 = tpu.vector_load_idx %arg11[%get3A_194] : memref<10240xf32, #tpu.memory_space<vmem>>[vector<16xi32>], vector<16xf32>,
        %gather3A_199 = tpu.vector_load_idx %arg12[%get3A_197] : memref<10240xf32, #tpu.memory_space<vmem>>[vector<16xi32>], vector<16xf32>,
        %add3A_200 = arith.addf %gather3A_198, %gather3A_199 : vector<16xf32>
        %mul3A_201 = arith.constant 2.000000e-01 : f32
        %mul3A_202 = vector.broadcast %mul3A_201 : f32 to vector<16xf32>
        %mul3A_203 = arith.mulf %mul3A_202, %add3A_200 : vector<16xf32>
        %max3A_204 = arith.maximumf %add3A_200, %mul3A_203 : vector<16xf32>
        %exp3A_205 = math.exp %max3A_204 : vector<16xf32>
        %swap3A_206 = arith.constant 32 : index
        %swap3A_207 = tpu.vector_load %arg20[%swap3A_206] {strides = array<i32>} : memref<48xf32, #tpu.memory_space<vmem>>, vector<16xf32>,
        tpu.vector_store %arg20[%swap3A_206], %exp3A_205 {strides = array<i32>} : memref<48xf32, #tpu.memory_space<vmem>>, vector<16xf32>,
        %ge3A_208 = arith.constant 2 : i32
        %ge3A_209 = arith.cmpi sge, %add3A_159, %ge3A_208 : i32
        %convert_element_type3A_210 = arith.extui %ge3A_209 : i1 to i32
        %cond3A_211 = arith.constant 0 : i32
        %cond3A_212 = arith.cmpi ne, %convert_element_type3A_210, %cond3A_211 : i32
        scf.if %cond3A_212 {
        } else {
        }
        %scan3A_213 = arith.constant 0 : i32
        scf.yield %scan3A_213 : i32
      }
      %scan3A_44 = arith.constant 8 : i32
      %scan3A_45 = arith.constant 0 : i32
      scf.yield %scan3A_45 : i32
    }
    %scan3A_32 = arith.constant 9 : i32
    %barrier3A_33 = arith.constant 0 : index
    tpu.barrier barrier_id(%barrier3A_33)
    "tpu.region"() ({
      %run_scoped3A = tpu.sem_alloc : memref<!tpu.dma_semaphore, #tpu.memory_space<semaphore_mem>>
      %dma_start3A = arith.constant 0 : i32
      %dma_start3A_34 = tpu.memref_slice %arg7[%arg0, %mul3A_2, %dma_start3A] : memref<2x10240x128xf32, #tpu.memory_space<hbm>> -> memref<1x640x128xf32, #tpu.memory_space<hbm>>
      %dma_start3A_35 = tpu.memref_squeeze %dma_start3A_34 : memref<1x640x128xf32, #tpu.memory_space<hbm>> -> memref<640x128xf32, #tpu.memory_space<hbm>>
      %dma_start3A_36 = arith.constant 0 : i32
      %dma_start3A_37 = tpu.memref_slice %arg9[%mul3A_2, %dma_start3A_36] : memref<10240x128xf32, #tpu.memory_space<vmem_shared>> -> memref<640x128xf32, #tpu.memory_space<vmem_shared>>
      tpu.enqueue_dma source(%dma_start3A_37 : memref<640x128xf32, #tpu.memory_space<vmem_shared>>) target(%dma_start3A_35 : memref<640x128xf32, #tpu.memory_space<hbm>>) target_semaphore(%run_scoped3A : memref<!tpu.dma_semaphore, #tpu.memory_space<semaphore_mem>>)
      %dma_wait3A = arith.constant 0 : i32
      %dma_wait3A_38 = tpu.memref_slice %arg7[%arg0, %mul3A_2, %dma_wait3A] : memref<2x10240x128xf32, #tpu.memory_space<hbm>> -> memref<1x640x128xf32, #tpu.memory_space<hbm>>
      %dma_wait3A_39 = tpu.memref_squeeze %dma_wait3A_38 : memref<1x640x128xf32, #tpu.memory_space<hbm>> -> memref<640x128xf32, #tpu.memory_space<hbm>>
      %dma_wait3A_40 = arith.constant 0 : i32
      %dma_wait3A_41 = tpu.memref_slice %arg9[%mul3A_2, %dma_wait3A_40] : memref<10240x128xf32, #tpu.memory_space<vmem_shared>> -> memref<640x128xf32, #tpu.memory_space<vmem_shared>>
      tpu.wait_dma2 semaphore(%run_scoped3A : memref<!tpu.dma_semaphore, #tpu.memory_space<semaphore_mem>>) src(%dma_wait3A_41 : memref<640x128xf32, #tpu.memory_space<vmem_shared>>) dst(%dma_wait3A_39 : memref<640x128xf32, #tpu.memory_space<hbm>>)
      tpu.yield
    }) : () -> ()
    "tpu.region"() ({
      %run_scoped3A = tpu.sem_alloc : memref<!tpu.dma_semaphore, #tpu.memory_space<semaphore_mem>>
      %dma_start3A = tpu.memref_slice %arg8[%arg0, %mul3A_2] : memref<2x10240xf32, #tpu.memory_space<hbm>> -> memref<1x640xf32, #tpu.memory_space<hbm>>
      %dma_start3A_34 = tpu.memref_squeeze %dma_start3A : memref<1x640xf32, #tpu.memory_space<hbm>> -> memref<640xf32, #tpu.memory_space<hbm>>
      %dma_start3A_35 = tpu.memref_slice %arg10[%mul3A_2] : memref<10240xf32, #tpu.memory_space<vmem_shared>> -> memref<640xf32, #tpu.memory_space<vmem_shared>>
      tpu.enqueue_dma source(%dma_start3A_35 : memref<640xf32, #tpu.memory_space<vmem_shared>>) target(%dma_start3A_34 : memref<640xf32, #tpu.memory_space<hbm>>) target_semaphore(%run_scoped3A : memref<!tpu.dma_semaphore, #tpu.memory_space<semaphore_mem>>)
      %dma_wait3A = tpu.memref_slice %arg8[%arg0, %mul3A_2] : memref<2x10240xf32, #tpu.memory_space<hbm>> -> memref<1x640xf32, #tpu.memory_space<hbm>>
      %dma_wait3A_36 = tpu.memref_squeeze %dma_wait3A : memref<1x640xf32, #tpu.memory_space<hbm>> -> memref<640xf32, #tpu.memory_space<hbm>>
      %dma_wait3A_37 = tpu.memref_slice %arg10[%mul3A_2] : memref<10240xf32, #tpu.memory_space<vmem_shared>> -> memref<640xf32, #tpu.memory_space<vmem_shared>>
      tpu.wait_dma2 semaphore(%run_scoped3A : memref<!tpu.dma_semaphore, #tpu.memory_space<semaphore_mem>>) src(%dma_wait3A_37 : memref<640xf32, #tpu.memory_space<vmem_shared>>) dst(%dma_wait3A_36 : memref<640xf32, #tpu.memory_space<hbm>>)
      tpu.yield
    }) : () -> ()
    return
  }
}

#map = affine_map<(d0, d1) -> (0, 0)>
#map1 = affine_map<(d0, d1) -> (0)>
#map2 = affine_map<(d0, d1) -> (0, 0, 0, 0)>
#map3 = affine_map<(d0, d1) -> (0, 0, 0)>
module attributes {stable_mosaic.version = 14 : i64} {
  func.func @_sc_edge_body(%arg0: i32, %arg1: i32, %arg2: memref<10240x128xf32, #tpu.memory_space<hbm>>, %arg3: memref<10240xf32, #tpu.memory_space<hbm>>, %arg4: memref<10240xf32, #tpu.memory_space<hbm>>, %arg5: memref<32x9x24x48xi32, #tpu.memory_space<hbm>>, %arg6: memref<32x9x24x48xi32, #tpu.memory_space<hbm>>, %arg7: memref<2x10240x128xf32, #tpu.memory_space<hbm>>, %arg8: memref<2x10240xf32, #tpu.memory_space<hbm>>, %arg9: memref<10240x128xf32, #tpu.memory_space<vmem_shared>>, %arg10: memref<10240xf32, #tpu.memory_space<vmem_shared>>, %arg11: memref<10240xf32, #tpu.memory_space<vmem>>, %arg12: memref<10240xf32, #tpu.memory_space<vmem>>, %arg13: memref<24x48xi32, #tpu.memory_space<vmem>>, %arg14: memref<24x48xi32, #tpu.memory_space<vmem>>, %arg15: memref<48x128xf32, #tpu.memory_space<vmem>>, %arg16: memref<48x128xf32, #tpu.memory_space<vmem>>, %arg17: memref<48x128xf32, #tpu.memory_space<vmem>>, %arg18: memref<48xf32, #tpu.memory_space<vmem>>, %arg19: memref<48xf32, #tpu.memory_space<vmem>>, %arg20: memref<48xf32, #tpu.memory_space<vmem>>, %arg21: memref<!tpu.dma_semaphore, #tpu.memory_space<semaphore_mem>>, %arg22: memref<!tpu.dma_semaphore, #tpu.memory_space<semaphore_mem>>, %arg23: memref<!tpu.dma_semaphore, #tpu.memory_space<semaphore_mem>>, %arg24: memref<!tpu.dma_semaphore, #tpu.memory_space<semaphore_mem>>, %arg25: memref<!tpu.dma_semaphore, #tpu.memory_space<semaphore_mem>>, %arg26: memref<!tpu.dma_semaphore, #tpu.memory_space<semaphore_mem>>) attributes {dimension_semantics = [#tpu.dimension_semantics<core_parallel>, #tpu.dimension_semantics<subcore_parallel>], iteration_bounds = array<i64: 2, 16>, scalar_prefetch = 0 : i64, scratch_operands = 18 : i64, tpu.core_type = #tpu.core_type<sc_vector_subcore>, window_params = [{transform_indices = #map}, {transform_indices = #map1}, {transform_indices = #map1}, {transform_indices = #map2}, {transform_indices = #map2}, {transform_indices = #map3}, {transform_indices = #map}]} {
    %mul3A = arith.constant 2 : i32
    %mul3A_0 = arith.muli %arg1, %mul3A : i32
    %add3A = arith.addi %mul3A_0, %arg0 : i32
    %mul3A_1 = arith.constant 640 : i32
    %mul3A_2 = arith.muli %arg1, %mul3A_1 : i32
    "tpu.region"() ({
      %run_scoped3A = tpu.sem_alloc : memref<!tpu.dma_semaphore, #tpu.memory_space<semaphore_mem>>
      tpu.enqueue_dma source(%arg3 : memref<10240xf32, #tpu.memory_space<hbm>>) target(%arg11 : memref<10240xf32, #tpu.memory_space<vmem>>) target_semaphore(%run_scoped3A : memref<!tpu.dma_semaphore, #tpu.memory_space<semaphore_mem>>)
      tpu.wait_dma2 semaphore(%run_scoped3A : memref<!tpu.dma_semaphore, #tpu.memory_space<semaphore_mem>>) src(%arg3 : memref<10240xf32, #tpu.memory_space<hbm>>) dst(%arg11 : memref<10240xf32, #tpu.memory_space<vmem>>)
      tpu.yield
    }) : () -> ()
    "tpu.region"() ({
      %run_scoped3A = tpu.sem_alloc : memref<!tpu.dma_semaphore, #tpu.memory_space<semaphore_mem>>
      tpu.enqueue_dma source(%arg4 : memref<10240xf32, #tpu.memory_space<hbm>>) target(%arg12 : memref<10240xf32, #tpu.memory_space<vmem>>) target_semaphore(%run_scoped3A : memref<!tpu.dma_semaphore, #tpu.memory_space<semaphore_mem>>)
      tpu.wait_dma2 semaphore(%run_scoped3A : memref<!tpu.dma_semaphore, #tpu.memory_space<semaphore_mem>>) src(%arg4 : memref<10240xf32, #tpu.memory_space<hbm>>) dst(%arg12 : memref<10240xf32, #tpu.memory_space<vmem>>)
      tpu.yield
    }) : () -> ()
    %broadcast_in_dim3A = arith.constant 0.000000e+00 : f32
    %broadcast_in_dim3A_3 = vector.broadcast %broadcast_in_dim3A : f32 to vector<16xf32>
    %scan3A = arith.constant 0 : i32
    %scan3A_4 = arith.constant 0 : i32
    %scan3A_5 = arith.constant 48 : i32
    %scan3A_6 = arith.addi %scan3A_4, %scan3A_5 : i32
    %scan3A_7 = arith.constant 1 : i32
    %scan3A_8 = scf.for %scan3A_34 = %scan3A_4 to %scan3A_6 step %scan3A_7 iter_args(%scan3A_35 = %scan3A) -> (i32)  : i32 {
      %swap3A_36 = arith.index_cast %scan3A_34 : i32 to index
      %swap3A_37 = arith.constant 0 : index
      %swap3A_38 = tpu.vector_load %arg15[%swap3A_36, %swap3A_37] {strides = array<i32>} : memref<48x128xf32, #tpu.memory_space<vmem>>, vector<16xf32>,
      tpu.vector_store %arg15[%swap3A_36, %swap3A_37], %broadcast_in_dim3A_3 {strides = array<i32>} : memref<48x128xf32, #tpu.memory_space<vmem>>, vector<16xf32>,
      %swap3A_39 = arith.index_cast %scan3A_34 : i32 to index
      %swap3A_40 = arith.constant 16 : index
      %swap3A_41 = tpu.vector_load %arg15[%swap3A_39, %swap3A_40] {strides = array<i32>} : memref<48x128xf32, #tpu.memory_space<vmem>>, vector<16xf32>,
      tpu.vector_store %arg15[%swap3A_39, %swap3A_40], %broadcast_in_dim3A_3 {strides = array<i32>} : memref<48x128xf32, #tpu.memory_space<vmem>>, vector<16xf32>,
      %swap3A_42 = arith.index_cast %scan3A_34 : i32 to index
      %swap3A_43 = arith.constant 32 : index
      %swap3A_44 = tpu.vector_load %arg15[%swap3A_42, %swap3A_43] {strides = array<i32>} : memref<48x128xf32, #tpu.memory_space<vmem>>, vector<16xf32>,
      tpu.vector_store %arg15[%swap3A_42, %swap3A_43], %broadcast_in_dim3A_3 {strides = array<i32>} : memref<48x128xf32, #tpu.memory_space<vmem>>, vector<16xf32>,
      %swap3A_45 = arith.index_cast %scan3A_34 : i32 to index
      %swap3A_46 = arith.constant 48 : index
      %swap3A_47 = tpu.vector_load %arg15[%swap3A_45, %swap3A_46] {strides = array<i32>} : memref<48x128xf32, #tpu.memory_space<vmem>>, vector<16xf32>,
      tpu.vector_store %arg15[%swap3A_45, %swap3A_46], %broadcast_in_dim3A_3 {strides = array<i32>} : memref<48x128xf32, #tpu.memory_space<vmem>>, vector<16xf32>,
      %swap3A_48 = arith.index_cast %scan3A_34 : i32 to index
      %swap3A_49 = arith.constant 64 : index
      %swap3A_50 = tpu.vector_load %arg15[%swap3A_48, %swap3A_49] {strides = array<i32>} : memref<48x128xf32, #tpu.memory_space<vmem>>, vector<16xf32>,
      tpu.vector_store %arg15[%swap3A_48, %swap3A_49], %broadcast_in_dim3A_3 {strides = array<i32>} : memref<48x128xf32, #tpu.memory_space<vmem>>, vector<16xf32>,
      %swap3A_51 = arith.index_cast %scan3A_34 : i32 to index
      %swap3A_52 = arith.constant 80 : index
      %swap3A_53 = tpu.vector_load %arg15[%swap3A_51, %swap3A_52] {strides = array<i32>} : memref<48x128xf32, #tpu.memory_space<vmem>>, vector<16xf32>,
      tpu.vector_store %arg15[%swap3A_51, %swap3A_52], %broadcast_in_dim3A_3 {strides = array<i32>} : memref<48x128xf32, #tpu.memory_space<vmem>>, vector<16xf32>,
      %swap3A_54 = arith.index_cast %scan3A_34 : i32 to index
      %swap3A_55 = arith.constant 96 : index
      %swap3A_56 = tpu.vector_load %arg15[%swap3A_54, %swap3A_55] {strides = array<i32>} : memref<48x128xf32, #tpu.memory_space<vmem>>, vector<16xf32>,
      tpu.vector_store %arg15[%swap3A_54, %swap3A_55], %broadcast_in_dim3A_3 {strides = array<i32>} : memref<48x128xf32, #tpu.memory_space<vmem>>, vector<16xf32>,
      %swap3A_57 = arith.index_cast %scan3A_34 : i32 to index
      %swap3A_58 = arith.constant 112 : index
      %swap3A_59 = tpu.vector_load %arg15[%swap3A_57, %swap3A_58] {strides = array<i32>} : memref<48x128xf32, #tpu.memory_space<vmem>>, vector<16xf32>,
      tpu.vector_store %arg15[%swap3A_57, %swap3A_58], %broadcast_in_dim3A_3 {strides = array<i32>} : memref<48x128xf32, #tpu.memory_space<vmem>>, vector<16xf32>,
      %scan3A_60 = arith.constant 0 : i32
      scf.yield %scan3A_60 : i32
    }
    %scan3A_9 = arith.constant 48 : i32
    %swap3A = arith.constant 0 : index
    %swap3A_10 = tpu.vector_load %arg18[%swap3A] {strides = array<i32>} : memref<48xf32, #tpu.memory_space<vmem>>, vector<16xf32>,
    tpu.vector_store %arg18[%swap3A], %broadcast_in_dim3A_3 {strides = array<i32>} : memref<48xf32, #tpu.memory_space<vmem>>, vector<16xf32>,
    %swap3A_11 = arith.constant 16 : index
    %swap3A_12 = tpu.vector_load %arg18[%swap3A_11] {strides = array<i32>} : memref<48xf32, #tpu.memory_space<vmem>>, vector<16xf32>,
    tpu.vector_store %arg18[%swap3A_11], %broadcast_in_dim3A_3 {strides = array<i32>} : memref<48xf32, #tpu.memory_space<vmem>>, vector<16xf32>,
    %swap3A_13 = arith.constant 32 : index
    %swap3A_14 = tpu.vector_load %arg18[%swap3A_13] {strides = array<i32>} : memref<48xf32, #tpu.memory_space<vmem>>, vector<16xf32>,
    tpu.vector_store %arg18[%swap3A_13], %broadcast_in_dim3A_3 {strides = array<i32>} : memref<48xf32, #tpu.memory_space<vmem>>, vector<16xf32>,
    %scan3A_15 = arith.constant 0 : i32
    %scan3A_16 = arith.constant 0 : i32
    %scan3A_17 = arith.constant 13 : i32
    %scan3A_18 = arith.addi %scan3A_16, %scan3A_17 : i32
    %scan3A_19 = arith.constant 1 : i32
    %scan3A_20 = scf.for %scan3A_34 = %scan3A_16 to %scan3A_18 step %scan3A_19 iter_args(%scan3A_35 = %scan3A_15) -> (i32)  : i32 {
      %mul3A_36 = arith.constant 48 : i32
      %mul3A_37 = arith.muli %scan3A_34, %mul3A_36 : i32
      %add3A_38 = arith.addi %mul3A_2, %mul3A_37 : i32
      "tpu.region"() ({
        %run_scoped3A = tpu.sem_alloc : memref<!tpu.dma_semaphore, #tpu.memory_space<semaphore_mem>>
        %dma_start3A = arith.constant 0 : i32
        %dma_start3A_43 = tpu.memref_slice %arg9[%add3A_38, %dma_start3A] : memref<10240x128xf32, #tpu.memory_space<vmem_shared>> -> memref<48x128xf32, #tpu.memory_space<vmem_shared>>
        %dma_start3A_44 = arith.constant 0 : i32
        %dma_start3A_45 = tpu.memref_slice %arg9[%add3A_38, %dma_start3A_44] : memref<10240x128xf32, #tpu.memory_space<vmem_shared>> -> memref<48x128xf32, #tpu.memory_space<vmem_shared>>
        tpu.enqueue_dma source(%arg15 : memref<48x128xf32, #tpu.memory_space<vmem>>) target(%dma_start3A_45 : memref<48x128xf32, #tpu.memory_space<vmem_shared>>) target_semaphore(%run_scoped3A : memref<!tpu.dma_semaphore, #tpu.memory_space<semaphore_mem>>)
        %dma_wait3A = arith.constant 0 : i32
        %dma_wait3A_46 = tpu.memref_slice %arg9[%add3A_38, %dma_wait3A] : memref<10240x128xf32, #tpu.memory_space<vmem_shared>> -> memref<48x128xf32, #tpu.memory_space<vmem_shared>>
        %dma_wait3A_47 = arith.constant 0 : i32
        %dma_wait3A_48 = tpu.memref_slice %arg9[%add3A_38, %dma_wait3A_47] : memref<10240x128xf32, #tpu.memory_space<vmem_shared>> -> memref<48x128xf32, #tpu.memory_space<vmem_shared>>
        tpu.wait_dma2 semaphore(%run_scoped3A : memref<!tpu.dma_semaphore, #tpu.memory_space<semaphore_mem>>) src(%arg15 : memref<48x128xf32, #tpu.memory_space<vmem>>) dst(%dma_wait3A_48 : memref<48x128xf32, #tpu.memory_space<vmem_shared>>)
        tpu.yield
      }) : () -> ()
      %mul3A_39 = arith.constant 48 : i32
      %mul3A_40 = arith.muli %scan3A_34, %mul3A_39 : i32
      %add3A_41 = arith.addi %mul3A_2, %mul3A_40 : i32
      "tpu.region"() ({
        %run_scoped3A = tpu.sem_alloc : memref<!tpu.dma_semaphore, #tpu.memory_space<semaphore_mem>>
        %dma_start3A = tpu.memref_slice %arg10[%add3A_41] : memref<10240xf32, #tpu.memory_space<vmem_shared>> -> memref<48xf32, #tpu.memory_space<vmem_shared>>
        %dma_start3A_43 = tpu.memref_slice %arg10[%add3A_41] : memref<10240xf32, #tpu.memory_space<vmem_shared>> -> memref<48xf32, #tpu.memory_space<vmem_shared>>
        tpu.enqueue_dma source(%arg18 : memref<48xf32, #tpu.memory_space<vmem>>) target(%dma_start3A_43 : memref<48xf32, #tpu.memory_space<vmem_shared>>) target_semaphore(%run_scoped3A : memref<!tpu.dma_semaphore, #tpu.memory_space<semaphore_mem>>)
        %dma_wait3A = tpu.memref_slice %arg10[%add3A_41] : memref<10240xf32, #tpu.memory_space<vmem_shared>> -> memref<48xf32, #tpu.memory_space<vmem_shared>>
        %dma_wait3A_44 = tpu.memref_slice %arg10[%add3A_41] : memref<10240xf32, #tpu.memory_space<vmem_shared>> -> memref<48xf32, #tpu.memory_space<vmem_shared>>
        tpu.wait_dma2 semaphore(%run_scoped3A : memref<!tpu.dma_semaphore, #tpu.memory_space<semaphore_mem>>) src(%arg18 : memref<48xf32, #tpu.memory_space<vmem>>) dst(%dma_wait3A_44 : memref<48xf32, #tpu.memory_space<vmem_shared>>)
        tpu.yield
      }) : () -> ()
      %scan3A_42 = arith.constant 0 : i32
      scf.yield %scan3A_42 : i32
    }
    %scan3A_21 = arith.constant 13 : i32
    %add3A_22 = arith.constant 624 : i32
    %add3A_23 = arith.addi %mul3A_2, %add3A_22 : i32
    "tpu.region"() ({
      %run_scoped3A = tpu.sem_alloc : memref<!tpu.dma_semaphore, #tpu.memory_space<semaphore_mem>>
      %dma_start3A = arith.constant 0 : i32
      %dma_start3A_34 = arith.constant 0 : i32
      %dma_start3A_35 = tpu.memref_slice %arg15[%dma_start3A, %dma_start3A_34] : memref<48x128xf32, #tpu.memory_space<vmem>> -> memref<16x128xf32, #tpu.memory_space<vmem>>
      %dma_start3A_36 = arith.constant 0 : i32
      %dma_start3A_37 = tpu.memref_slice %arg9[%add3A_23, %dma_start3A_36] : memref<10240x128xf32, #tpu.memory_space<vmem_shared>> -> memref<16x128xf32, #tpu.memory_space<vmem_shared>>
      %dma_start3A_38 = arith.constant 0 : i32
      %dma_start3A_39 = tpu.memref_slice %arg9[%add3A_23, %dma_start3A_38] : memref<10240x128xf32, #tpu.memory_space<vmem_shared>> -> memref<16x128xf32, #tpu.memory_space<vmem_shared>>
      %dma_start3A_40 = arith.constant 0 : i32
      %dma_start3A_41 = arith.constant 0 : i32
      %dma_start3A_42 = tpu.memref_slice %arg15[%dma_start3A_40, %dma_start3A_41] : memref<48x128xf32, #tpu.memory_space<vmem>> -> memref<16x128xf32, #tpu.memory_space<vmem>>
      tpu.enqueue_dma source(%dma_start3A_42 : memref<16x128xf32, #tpu.memory_space<vmem>>) target(%dma_start3A_39 : memref<16x128xf32, #tpu.memory_space<vmem_shared>>) target_semaphore(%run_scoped3A : memref<!tpu.dma_semaphore, #tpu.memory_space<semaphore_mem>>)
      %dma_wait3A = arith.constant 0 : i32
      %dma_wait3A_43 = arith.constant 0 : i32
      %dma_wait3A_44 = tpu.memref_slice %arg15[%dma_wait3A, %dma_wait3A_43] : memref<48x128xf32, #tpu.memory_space<vmem>> -> memref<16x128xf32, #tpu.memory_space<vmem>>
      %dma_wait3A_45 = arith.constant 0 : i32
      %dma_wait3A_46 = tpu.memref_slice %arg9[%add3A_23, %dma_wait3A_45] : memref<10240x128xf32, #tpu.memory_space<vmem_shared>> -> memref<16x128xf32, #tpu.memory_space<vmem_shared>>
      %dma_wait3A_47 = arith.constant 0 : i32
      %dma_wait3A_48 = tpu.memref_slice %arg9[%add3A_23, %dma_wait3A_47] : memref<10240x128xf32, #tpu.memory_space<vmem_shared>> -> memref<16x128xf32, #tpu.memory_space<vmem_shared>>
      %dma_wait3A_49 = arith.constant 0 : i32
      %dma_wait3A_50 = arith.constant 0 : i32
      %dma_wait3A_51 = tpu.memref_slice %arg15[%dma_wait3A_49, %dma_wait3A_50] : memref<48x128xf32, #tpu.memory_space<vmem>> -> memref<16x128xf32, #tpu.memory_space<vmem>>
      tpu.wait_dma2 semaphore(%run_scoped3A : memref<!tpu.dma_semaphore, #tpu.memory_space<semaphore_mem>>) src(%dma_wait3A_51 : memref<16x128xf32, #tpu.memory_space<vmem>>) dst(%dma_wait3A_48 : memref<16x128xf32, #tpu.memory_space<vmem_shared>>)
      tpu.yield
    }) : () -> ()
    %add3A_24 = arith.constant 624 : i32
    %add3A_25 = arith.addi %mul3A_2, %add3A_24 : i32
    "tpu.region"() ({
      %run_scoped3A = tpu.sem_alloc : memref<!tpu.dma_semaphore, #tpu.memory_space<semaphore_mem>>
      %dma_start3A = arith.constant 0 : i32
      %dma_start3A_34 = tpu.memref_slice %arg18[%dma_start3A] : memref<48xf32, #tpu.memory_space<vmem>> -> memref<16xf32, #tpu.memory_space<vmem>>
      %dma_start3A_35 = tpu.memref_slice %arg10[%add3A_25] : memref<10240xf32, #tpu.memory_space<vmem_shared>> -> memref<16xf32, #tpu.memory_space<vmem_shared>>
      %dma_start3A_36 = tpu.memref_slice %arg10[%add3A_25] : memref<10240xf32, #tpu.memory_space<vmem_shared>> -> memref<16xf32, #tpu.memory_space<vmem_shared>>
      %dma_start3A_37 = arith.constant 0 : i32
      %dma_start3A_38 = tpu.memref_slice %arg18[%dma_start3A_37] : memref<48xf32, #tpu.memory_space<vmem>> -> memref<16xf32, #tpu.memory_space<vmem>>
      tpu.enqueue_dma source(%dma_start3A_38 : memref<16xf32, #tpu.memory_space<vmem>>) target(%dma_start3A_36 : memref<16xf32, #tpu.memory_space<vmem_shared>>) target_semaphore(%run_scoped3A : memref<!tpu.dma_semaphore, #tpu.memory_space<semaphore_mem>>)
      %dma_wait3A = arith.constant 0 : i32
      %dma_wait3A_39 = tpu.memref_slice %arg18[%dma_wait3A] : memref<48xf32, #tpu.memory_space<vmem>> -> memref<16xf32, #tpu.memory_space<vmem>>
      %dma_wait3A_40 = tpu.memref_slice %arg10[%add3A_25] : memref<10240xf32, #tpu.memory_space<vmem_shared>> -> memref<16xf32, #tpu.memory_space<vmem_shared>>
      %dma_wait3A_41 = tpu.memref_slice %arg10[%add3A_25] : memref<10240xf32, #tpu.memory_space<vmem_shared>> -> memref<16xf32, #tpu.memory_space<vmem_shared>>
      %dma_wait3A_42 = arith.constant 0 : i32
      %dma_wait3A_43 = tpu.memref_slice %arg18[%dma_wait3A_42] : memref<48xf32, #tpu.memory_space<vmem>> -> memref<16xf32, #tpu.memory_space<vmem>>
      tpu.wait_dma2 semaphore(%run_scoped3A : memref<!tpu.dma_semaphore, #tpu.memory_space<semaphore_mem>>) src(%dma_wait3A_43 : memref<16xf32, #tpu.memory_space<vmem>>) dst(%dma_wait3A_41 : memref<16xf32, #tpu.memory_space<vmem_shared>>)
      tpu.yield
    }) : () -> ()
    %barrier3A = arith.constant 0 : index
    tpu.barrier barrier_id(%barrier3A)
    %scan3A_26 = arith.constant 0 : i32
    %scan3A_27 = arith.constant 0 : i32
    %scan3A_28 = arith.constant 9 : i32
    %scan3A_29 = arith.addi %scan3A_27, %scan3A_28 : i32
    %scan3A_30 = arith.constant 1 : i32
    %scan3A_31 = scf.for %scan3A_34 = %scan3A_27 to %scan3A_29 step %scan3A_30 iter_args(%scan3A_35 = %scan3A_26) -> (i32)  : i32 {
      %ge3A = arith.constant 1 : i32
      %ge3A_36 = arith.cmpi sge, %scan3A_34, %ge3A : i32
      %convert_element_type3A = arith.extui %ge3A_36 : i1 to i32
      %cond3A = arith.constant 0 : i32
      %cond3A_37 = arith.cmpi ne, %convert_element_type3A, %cond3A : i32
      scf.if %cond3A_37 {
      } else {
      }
      "tpu.region"() ({
        %run_scoped3A = tpu.sem_alloc : memref<!tpu.dma_semaphore, #tpu.memory_space<semaphore_mem>>
        %dma_start3A = arith.constant 0 : i32
        %dma_start3A_46 = arith.constant 0 : i32
        %dma_start3A_47 = tpu.memref_slice %arg5[%add3A, %scan3A_34, %dma_start3A, %dma_start3A_46] : memref<32x9x24x48xi32, #tpu.memory_space<hbm>> -> memref<1x1x24x48xi32, #tpu.memory_space<hbm>>
        %dma_start3A_48 = tpu.memref_squeeze %dma_start3A_47 : memref<1x1x24x48xi32, #tpu.memory_space<hbm>> -> memref<24x48xi32, #tpu.memory_space<hbm>>
        %dma_start3A_49 = arith.constant 0 : i32
        %dma_start3A_50 = arith.constant 0 : i32
        %dma_start3A_51 = tpu.memref_slice %arg5[%add3A, %scan3A_34, %dma_start3A_49, %dma_start3A_50] : memref<32x9x24x48xi32, #tpu.memory_space<hbm>> -> memref<1x1x24x48xi32, #tpu.memory_space<hbm>>
        %dma_start3A_52 = tpu.memref_squeeze %dma_start3A_51 : memref<1x1x24x48xi32, #tpu.memory_space<hbm>> -> memref<24x48xi32, #tpu.memory_space<hbm>>
        tpu.enqueue_dma source(%dma_start3A_52 : memref<24x48xi32, #tpu.memory_space<hbm>>) target(%arg13 : memref<24x48xi32, #tpu.memory_space<vmem>>) target_semaphore(%run_scoped3A : memref<!tpu.dma_semaphore, #tpu.memory_space<semaphore_mem>>)
        %dma_wait3A = arith.constant 0 : i32
        %dma_wait3A_53 = arith.constant 0 : i32
        %dma_wait3A_54 = tpu.memref_slice %arg5[%add3A, %scan3A_34, %dma_wait3A, %dma_wait3A_53] : memref<32x9x24x48xi32, #tpu.memory_space<hbm>> -> memref<1x1x24x48xi32, #tpu.memory_space<hbm>>
        %dma_wait3A_55 = tpu.memref_squeeze %dma_wait3A_54 : memref<1x1x24x48xi32, #tpu.memory_space<hbm>> -> memref<24x48xi32, #tpu.memory_space<hbm>>
        %dma_wait3A_56 = arith.constant 0 : i32
        %dma_wait3A_57 = arith.constant 0 : i32
        %dma_wait3A_58 = tpu.memref_slice %arg5[%add3A, %scan3A_34, %dma_wait3A_56, %dma_wait3A_57] : memref<32x9x24x48xi32, #tpu.memory_space<hbm>> -> memref<1x1x24x48xi32, #tpu.memory_space<hbm>>
        %dma_wait3A_59 = tpu.memref_squeeze %dma_wait3A_58 : memref<1x1x24x48xi32, #tpu.memory_space<hbm>> -> memref<24x48xi32, #tpu.memory_space<hbm>>
        tpu.wait_dma2 semaphore(%run_scoped3A : memref<!tpu.dma_semaphore, #tpu.memory_space<semaphore_mem>>) src(%dma_wait3A_59 : memref<24x48xi32, #tpu.memory_space<hbm>>) dst(%arg13 : memref<24x48xi32, #tpu.memory_space<vmem>>)
        tpu.yield
      }) : () -> ()
      "tpu.region"() ({
        %run_scoped3A = tpu.sem_alloc : memref<!tpu.dma_semaphore, #tpu.memory_space<semaphore_mem>>
        %dma_start3A = arith.constant 0 : i32
        %dma_start3A_46 = arith.constant 0 : i32
        %dma_start3A_47 = tpu.memref_slice %arg6[%add3A, %scan3A_34, %dma_start3A, %dma_start3A_46] : memref<32x9x24x48xi32, #tpu.memory_space<hbm>> -> memref<1x1x24x48xi32, #tpu.memory_space<hbm>>
        %dma_start3A_48 = tpu.memref_squeeze %dma_start3A_47 : memref<1x1x24x48xi32, #tpu.memory_space<hbm>> -> memref<24x48xi32, #tpu.memory_space<hbm>>
        %dma_start3A_49 = arith.constant 0 : i32
        %dma_start3A_50 = arith.constant 0 : i32
        %dma_start3A_51 = tpu.memref_slice %arg6[%add3A, %scan3A_34, %dma_start3A_49, %dma_start3A_50] : memref<32x9x24x48xi32, #tpu.memory_space<hbm>> -> memref<1x1x24x48xi32, #tpu.memory_space<hbm>>
        %dma_start3A_52 = tpu.memref_squeeze %dma_start3A_51 : memref<1x1x24x48xi32, #tpu.memory_space<hbm>> -> memref<24x48xi32, #tpu.memory_space<hbm>>
        tpu.enqueue_dma source(%dma_start3A_52 : memref<24x48xi32, #tpu.memory_space<hbm>>) target(%arg14 : memref<24x48xi32, #tpu.memory_space<vmem>>) target_semaphore(%run_scoped3A : memref<!tpu.dma_semaphore, #tpu.memory_space<semaphore_mem>>)
        %dma_wait3A = arith.constant 0 : i32
        %dma_wait3A_53 = arith.constant 0 : i32
        %dma_wait3A_54 = tpu.memref_slice %arg6[%add3A, %scan3A_34, %dma_wait3A, %dma_wait3A_53] : memref<32x9x24x48xi32, #tpu.memory_space<hbm>> -> memref<1x1x24x48xi32, #tpu.memory_space<hbm>>
        %dma_wait3A_55 = tpu.memref_squeeze %dma_wait3A_54 : memref<1x1x24x48xi32, #tpu.memory_space<hbm>> -> memref<24x48xi32, #tpu.memory_space<hbm>>
        %dma_wait3A_56 = arith.constant 0 : i32
        %dma_wait3A_57 = arith.constant 0 : i32
        %dma_wait3A_58 = tpu.memref_slice %arg6[%add3A, %scan3A_34, %dma_wait3A_56, %dma_wait3A_57] : memref<32x9x24x48xi32, #tpu.memory_space<hbm>> -> memref<1x1x24x48xi32, #tpu.memory_space<hbm>>
        %dma_wait3A_59 = tpu.memref_squeeze %dma_wait3A_58 : memref<1x1x24x48xi32, #tpu.memory_space<hbm>> -> memref<24x48xi32, #tpu.memory_space<hbm>>
        tpu.wait_dma2 semaphore(%run_scoped3A : memref<!tpu.dma_semaphore, #tpu.memory_space<semaphore_mem>>) src(%dma_wait3A_59 : memref<24x48xi32, #tpu.memory_space<hbm>>) dst(%arg14 : memref<24x48xi32, #tpu.memory_space<vmem>>)
        tpu.yield
      }) : () -> ()
      %scan3A_38 = arith.constant 0 : i32
      %scan3A_39 = arith.constant 0 : i32
      %scan3A_40 = arith.constant 8 : i32
      %scan3A_41 = arith.addi %scan3A_39, %scan3A_40 : i32
      %scan3A_42 = arith.constant 1 : i32
      %scan3A_43 = scf.for %scan3A_46 = %scan3A_39 to %scan3A_41 step %scan3A_42 iter_args(%scan3A_47 = %scan3A_38) -> (i32)  : i32 {
        %mul3A_48 = arith.constant 3 : i32
        %mul3A_49 = arith.muli %mul3A_48, %scan3A_46 : i32
        %get3A = arith.index_cast %mul3A_49 : i32 to index
        %get3A_50 = arith.constant 0 : index
        %get3A_51 = tpu.vector_load %arg13[%get3A, %get3A_50] {strides = array<i32>} : memref<24x48xi32, #tpu.memory_space<vmem>>, vector<16xi32>,
        %get3A_52 = arith.index_cast %mul3A_49 : i32 to index
        %get3A_53 = arith.constant 0 : index
        %get3A_54 = tpu.vector_load %arg14[%get3A_52, %get3A_53] {strides = array<i32>} : memref<24x48xi32, #tpu.memory_space<vmem>>, vector<16xi32>,
        %gather3A = tpu.vector_load_idx %arg11[%get3A_51] : memref<10240xf32, #tpu.memory_space<vmem>>[vector<16xi32>], vector<16xf32>,
        %gather3A_55 = tpu.vector_load_idx %arg12[%get3A_54] : memref<10240xf32, #tpu.memory_space<vmem>>[vector<16xi32>], vector<16xf32>,
        %add3A_56 = arith.addf %gather3A, %gather3A_55 : vector<16xf32>
        %mul3A_57 = arith.constant 2.000000e-01 : f32
        %mul3A_58 = vector.broadcast %mul3A_57 : f32 to vector<16xf32>
        %mul3A_59 = arith.mulf %mul3A_58, %add3A_56 : vector<16xf32>
        %max3A = arith.maximumf %add3A_56, %mul3A_59 : vector<16xf32>
        %exp3A = math.exp %max3A : vector<16xf32>
        %swap3A_60 = arith.constant 0 : index
        %swap3A_61 = tpu.vector_load %arg18[%swap3A_60] {strides = array<i32>} : memref<48xf32, #tpu.memory_space<vmem>>, vector<16xf32>,
        tpu.vector_store %arg18[%swap3A_60], %exp3A {strides = array<i32>} : memref<48xf32, #tpu.memory_space<vmem>>, vector<16xf32>,
        %get3A_62 = arith.index_cast %mul3A_49 : i32 to index
        %get3A_63 = arith.constant 16 : index
        %get3A_64 = tpu.vector_load %arg13[%get3A_62, %get3A_63] {strides = array<i32>} : memref<24x48xi32, #tpu.memory_space<vmem>>, vector<16xi32>,
        %get3A_65 = arith.index_cast %mul3A_49 : i32 to index
        %get3A_66 = arith.constant 16 : index
        %get3A_67 = tpu.vector_load %arg14[%get3A_65, %get3A_66] {strides = array<i32>} : memref<24x48xi32, #tpu.memory_space<vmem>>, vector<16xi32>,
        %gather3A_68 = tpu.vector_load_idx %arg11[%get3A_64] : memref<10240xf32, #tpu.memory_space<vmem>>[vector<16xi32>], vector<16xf32>,
        %gather3A_69 = tpu.vector_load_idx %arg12[%get3A_67] : memref<10240xf32, #tpu.memory_space<vmem>>[vector<16xi32>], vector<16xf32>,
        %add3A_70 = arith.addf %gather3A_68, %gather3A_69 : vector<16xf32>
        %mul3A_71 = arith.constant 2.000000e-01 : f32
        %mul3A_72 = vector.broadcast %mul3A_71 : f32 to vector<16xf32>
        %mul3A_73 = arith.mulf %mul3A_72, %add3A_70 : vector<16xf32>
        %max3A_74 = arith.maximumf %add3A_70, %mul3A_73 : vector<16xf32>
        %exp3A_75 = math.exp %max3A_74 : vector<16xf32>
        %swap3A_76 = arith.constant 16 : index
        %swap3A_77 = tpu.vector_load %arg18[%swap3A_76] {strides = array<i32>} : memref<48xf32, #tpu.memory_space<vmem>>, vector<16xf32>,
        tpu.vector_store %arg18[%swap3A_76], %exp3A_75 {strides = array<i32>} : memref<48xf32, #tpu.memory_space<vmem>>, vector<16xf32>,
        %get3A_78 = arith.index_cast %mul3A_49 : i32 to index
        %get3A_79 = arith.constant 32 : index
        %get3A_80 = tpu.vector_load %arg13[%get3A_78, %get3A_79] {strides = array<i32>} : memref<24x48xi32, #tpu.memory_space<vmem>>, vector<16xi32>,
        %get3A_81 = arith.index_cast %mul3A_49 : i32 to index
        %get3A_82 = arith.constant 32 : index
        %get3A_83 = tpu.vector_load %arg14[%get3A_81, %get3A_82] {strides = array<i32>} : memref<24x48xi32, #tpu.memory_space<vmem>>, vector<16xi32>,
        %gather3A_84 = tpu.vector_load_idx %arg11[%get3A_80] : memref<10240xf32, #tpu.memory_space<vmem>>[vector<16xi32>], vector<16xf32>,
        %gather3A_85 = tpu.vector_load_idx %arg12[%get3A_83] : memref<10240xf32, #tpu.memory_space<vmem>>[vector<16xi32>], vector<16xf32>,
        %add3A_86 = arith.addf %gather3A_84, %gather3A_85 : vector<16xf32>
        %mul3A_87 = arith.constant 2.000000e-01 : f32
        %mul3A_88 = vector.broadcast %mul3A_87 : f32 to vector<16xf32>
        %mul3A_89 = arith.mulf %mul3A_88, %add3A_86 : vector<16xf32>
        %max3A_90 = arith.maximumf %add3A_86, %mul3A_89 : vector<16xf32>
        %exp3A_91 = math.exp %max3A_90 : vector<16xf32>
        %swap3A_92 = arith.constant 32 : index
        %swap3A_93 = tpu.vector_load %arg18[%swap3A_92] {strides = array<i32>} : memref<48xf32, #tpu.memory_space<vmem>>, vector<16xf32>,
        tpu.vector_store %arg18[%swap3A_92], %exp3A_91 {strides = array<i32>} : memref<48xf32, #tpu.memory_space<vmem>>, vector<16xf32>,
        %ge3A_94 = arith.constant 2 : i32
        %ge3A_95 = arith.cmpi sge, %mul3A_49, %ge3A_94 : i32
        %convert_element_type3A_96 = arith.extui %ge3A_95 : i1 to i32
        %cond3A_97 = arith.constant 0 : i32
        %cond3A_98 = arith.cmpi ne, %convert_element_type3A_96, %cond3A_97 : i32
        scf.if %cond3A_98 {
        } else {
        }
        %mul3A_99 = arith.constant 3 : i32
        %mul3A_100 = arith.muli %mul3A_99, %scan3A_46 : i32
        %add3A_101 = arith.constant 1 : i32
        %add3A_102 = arith.addi %mul3A_100, %add3A_101 : i32
        %get3A_103 = arith.index_cast %add3A_102 : i32 to index
        %get3A_104 = arith.constant 0 : index
        %get3A_105 = tpu.vector_load %arg13[%get3A_103, %get3A_104] {strides = array<i32>} : memref<24x48xi32, #tpu.memory_space<vmem>>, vector<16xi32>,
        %get3A_106 = arith.index_cast %add3A_102 : i32 to index
        %get3A_107 = arith.constant 0 : index
        %get3A_108 = tpu.vector_load %arg14[%get3A_106, %get3A_107] {strides = array<i32>} : memref<24x48xi32, #tpu.memory_space<vmem>>, vector<16xi32>,
        %gather3A_109 = tpu.vector_load_idx %arg11[%get3A_105] : memref<10240xf32, #tpu.memory_space<vmem>>[vector<16xi32>], vector<16xf32>,
        %gather3A_110 = tpu.vector_load_idx %arg12[%get3A_108] : memref<10240xf32, #tpu.memory_space<vmem>>[vector<16xi32>], vector<16xf32>,
        %add3A_111 = arith.addf %gather3A_109, %gather3A_110 : vector<16xf32>
        %mul3A_112 = arith.constant 2.000000e-01 : f32
        %mul3A_113 = vector.broadcast %mul3A_112 : f32 to vector<16xf32>
        %mul3A_114 = arith.mulf %mul3A_113, %add3A_111 : vector<16xf32>
        %max3A_115 = arith.maximumf %add3A_111, %mul3A_114 : vector<16xf32>
        %exp3A_116 = math.exp %max3A_115 : vector<16xf32>
        %swap3A_117 = arith.constant 0 : index
        %swap3A_118 = tpu.vector_load %arg19[%swap3A_117] {strides = array<i32>} : memref<48xf32, #tpu.memory_space<vmem>>, vector<16xf32>,
        tpu.vector_store %arg19[%swap3A_117], %exp3A_116 {strides = array<i32>} : memref<48xf32, #tpu.memory_space<vmem>>, vector<16xf32>,
        %get3A_119 = arith.index_cast %add3A_102 : i32 to index
        %get3A_120 = arith.constant 16 : index
        %get3A_121 = tpu.vector_load %arg13[%get3A_119, %get3A_120] {strides = array<i32>} : memref<24x48xi32, #tpu.memory_space<vmem>>, vector<16xi32>,
        %get3A_122 = arith.index_cast %add3A_102 : i32 to index
        %get3A_123 = arith.constant 16 : index
        %get3A_124 = tpu.vector_load %arg14[%get3A_122, %get3A_123] {strides = array<i32>} : memref<24x48xi32, #tpu.memory_space<vmem>>, vector<16xi32>,
        %gather3A_125 = tpu.vector_load_idx %arg11[%get3A_121] : memref<10240xf32, #tpu.memory_space<vmem>>[vector<16xi32>], vector<16xf32>,
        %gather3A_126 = tpu.vector_load_idx %arg12[%get3A_124] : memref<10240xf32, #tpu.memory_space<vmem>>[vector<16xi32>], vector<16xf32>,
        %add3A_127 = arith.addf %gather3A_125, %gather3A_126 : vector<16xf32>
        %mul3A_128 = arith.constant 2.000000e-01 : f32
        %mul3A_129 = vector.broadcast %mul3A_128 : f32 to vector<16xf32>
        %mul3A_130 = arith.mulf %mul3A_129, %add3A_127 : vector<16xf32>
        %max3A_131 = arith.maximumf %add3A_127, %mul3A_130 : vector<16xf32>
        %exp3A_132 = math.exp %max3A_131 : vector<16xf32>
        %swap3A_133 = arith.constant 16 : index
        %swap3A_134 = tpu.vector_load %arg19[%swap3A_133] {strides = array<i32>} : memref<48xf32, #tpu.memory_space<vmem>>, vector<16xf32>,
        tpu.vector_store %arg19[%swap3A_133], %exp3A_132 {strides = array<i32>} : memref<48xf32, #tpu.memory_space<vmem>>, vector<16xf32>,
        %get3A_135 = arith.index_cast %add3A_102 : i32 to index
        %get3A_136 = arith.constant 32 : index
        %get3A_137 = tpu.vector_load %arg13[%get3A_135, %get3A_136] {strides = array<i32>} : memref<24x48xi32, #tpu.memory_space<vmem>>, vector<16xi32>,
        %get3A_138 = arith.index_cast %add3A_102 : i32 to index
        %get3A_139 = arith.constant 32 : index
        %get3A_140 = tpu.vector_load %arg14[%get3A_138, %get3A_139] {strides = array<i32>} : memref<24x48xi32, #tpu.memory_space<vmem>>, vector<16xi32>,
        %gather3A_141 = tpu.vector_load_idx %arg11[%get3A_137] : memref<10240xf32, #tpu.memory_space<vmem>>[vector<16xi32>], vector<16xf32>,
        %gather3A_142 = tpu.vector_load_idx %arg12[%get3A_140] : memref<10240xf32, #tpu.memory_space<vmem>>[vector<16xi32>], vector<16xf32>,
        %add3A_143 = arith.addf %gather3A_141, %gather3A_142 : vector<16xf32>
        %mul3A_144 = arith.constant 2.000000e-01 : f32
        %mul3A_145 = vector.broadcast %mul3A_144 : f32 to vector<16xf32>
        %mul3A_146 = arith.mulf %mul3A_145, %add3A_143 : vector<16xf32>
        %max3A_147 = arith.maximumf %add3A_143, %mul3A_146 : vector<16xf32>
        %exp3A_148 = math.exp %max3A_147 : vector<16xf32>
        %swap3A_149 = arith.constant 32 : index
        %swap3A_150 = tpu.vector_load %arg19[%swap3A_149] {strides = array<i32>} : memref<48xf32, #tpu.memory_space<vmem>>, vector<16xf32>,
        tpu.vector_store %arg19[%swap3A_149], %exp3A_148 {strides = array<i32>} : memref<48xf32, #tpu.memory_space<vmem>>, vector<16xf32>,
        %ge3A_151 = arith.constant 2 : i32
        %ge3A_152 = arith.cmpi sge, %add3A_102, %ge3A_151 : i32
        %convert_element_type3A_153 = arith.extui %ge3A_152 : i1 to i32
        %cond3A_154 = arith.constant 0 : i32
        %cond3A_155 = arith.cmpi ne, %convert_element_type3A_153, %cond3A_154 : i32
        scf.if %cond3A_155 {
        } else {
        }
        %mul3A_156 = arith.constant 3 : i32
        %mul3A_157 = arith.muli %mul3A_156, %scan3A_46 : i32
        %add3A_158 = arith.constant 2 : i32
        %add3A_159 = arith.addi %mul3A_157, %add3A_158 : i32
        %get3A_160 = arith.index_cast %add3A_159 : i32 to index
        %get3A_161 = arith.constant 0 : index
        %get3A_162 = tpu.vector_load %arg13[%get3A_160, %get3A_161] {strides = array<i32>} : memref<24x48xi32, #tpu.memory_space<vmem>>, vector<16xi32>,
        %get3A_163 = arith.index_cast %add3A_159 : i32 to index
        %get3A_164 = arith.constant 0 : index
        %get3A_165 = tpu.vector_load %arg14[%get3A_163, %get3A_164] {strides = array<i32>} : memref<24x48xi32, #tpu.memory_space<vmem>>, vector<16xi32>,
        %gather3A_166 = tpu.vector_load_idx %arg11[%get3A_162] : memref<10240xf32, #tpu.memory_space<vmem>>[vector<16xi32>], vector<16xf32>,
        %gather3A_167 = tpu.vector_load_idx %arg12[%get3A_165] : memref<10240xf32, #tpu.memory_space<vmem>>[vector<16xi32>], vector<16xf32>,
        %add3A_168 = arith.addf %gather3A_166, %gather3A_167 : vector<16xf32>
        %mul3A_169 = arith.constant 2.000000e-01 : f32
        %mul3A_170 = vector.broadcast %mul3A_169 : f32 to vector<16xf32>
        %mul3A_171 = arith.mulf %mul3A_170, %add3A_168 : vector<16xf32>
        %max3A_172 = arith.maximumf %add3A_168, %mul3A_171 : vector<16xf32>
        %exp3A_173 = math.exp %max3A_172 : vector<16xf32>
        %swap3A_174 = arith.constant 0 : index
        %swap3A_175 = tpu.vector_load %arg20[%swap3A_174] {strides = array<i32>} : memref<48xf32, #tpu.memory_space<vmem>>, vector<16xf32>,
        tpu.vector_store %arg20[%swap3A_174], %exp3A_173 {strides = array<i32>} : memref<48xf32, #tpu.memory_space<vmem>>, vector<16xf32>,
        %get3A_176 = arith.index_cast %add3A_159 : i32 to index
        %get3A_177 = arith.constant 16 : index
        %get3A_178 = tpu.vector_load %arg13[%get3A_176, %get3A_177] {strides = array<i32>} : memref<24x48xi32, #tpu.memory_space<vmem>>, vector<16xi32>,
        %get3A_179 = arith.index_cast %add3A_159 : i32 to index
        %get3A_180 = arith.constant 16 : index
        %get3A_181 = tpu.vector_load %arg14[%get3A_179, %get3A_180] {strides = array<i32>} : memref<24x48xi32, #tpu.memory_space<vmem>>, vector<16xi32>,
        %gather3A_182 = tpu.vector_load_idx %arg11[%get3A_178] : memref<10240xf32, #tpu.memory_space<vmem>>[vector<16xi32>], vector<16xf32>,
        %gather3A_183 = tpu.vector_load_idx %arg12[%get3A_181] : memref<10240xf32, #tpu.memory_space<vmem>>[vector<16xi32>], vector<16xf32>,
        %add3A_184 = arith.addf %gather3A_182, %gather3A_183 : vector<16xf32>
        %mul3A_185 = arith.constant 2.000000e-01 : f32
        %mul3A_186 = vector.broadcast %mul3A_185 : f32 to vector<16xf32>
        %mul3A_187 = arith.mulf %mul3A_186, %add3A_184 : vector<16xf32>
        %max3A_188 = arith.maximumf %add3A_184, %mul3A_187 : vector<16xf32>
        %exp3A_189 = math.exp %max3A_188 : vector<16xf32>
        %swap3A_190 = arith.constant 16 : index
        %swap3A_191 = tpu.vector_load %arg20[%swap3A_190] {strides = array<i32>} : memref<48xf32, #tpu.memory_space<vmem>>, vector<16xf32>,
        tpu.vector_store %arg20[%swap3A_190], %exp3A_189 {strides = array<i32>} : memref<48xf32, #tpu.memory_space<vmem>>, vector<16xf32>,
        %get3A_192 = arith.index_cast %add3A_159 : i32 to index
        %get3A_193 = arith.constant 32 : index
        %get3A_194 = tpu.vector_load %arg13[%get3A_192, %get3A_193] {strides = array<i32>} : memref<24x48xi32, #tpu.memory_space<vmem>>, vector<16xi32>,
        %get3A_195 = arith.index_cast %add3A_159 : i32 to index
        %get3A_196 = arith.constant 32 : index
        %get3A_197 = tpu.vector_load %arg14[%get3A_195, %get3A_196] {strides = array<i32>} : memref<24x48xi32, #tpu.memory_space<vmem>>, vector<16xi32>,
        %gather3A_198 = tpu.vector_load_idx %arg11[%get3A_194] : memref<10240xf32, #tpu.memory_space<vmem>>[vector<16xi32>], vector<16xf32>,
        %gather3A_199 = tpu.vector_load_idx %arg12[%get3A_197] : memref<10240xf32, #tpu.memory_space<vmem>>[vector<16xi32>], vector<16xf32>,
        %add3A_200 = arith.addf %gather3A_198, %gather3A_199 : vector<16xf32>
        %mul3A_201 = arith.constant 2.000000e-01 : f32
        %mul3A_202 = vector.broadcast %mul3A_201 : f32 to vector<16xf32>
        %mul3A_203 = arith.mulf %mul3A_202, %add3A_200 : vector<16xf32>
        %max3A_204 = arith.maximumf %add3A_200, %mul3A_203 : vector<16xf32>
        %exp3A_205 = math.exp %max3A_204 : vector<16xf32>
        %swap3A_206 = arith.constant 32 : index
        %swap3A_207 = tpu.vector_load %arg20[%swap3A_206] {strides = array<i32>} : memref<48xf32, #tpu.memory_space<vmem>>, vector<16xf32>,
        tpu.vector_store %arg20[%swap3A_206], %exp3A_205 {strides = array<i32>} : memref<48xf32, #tpu.memory_space<vmem>>, vector<16xf32>,
        %ge3A_208 = arith.constant 2 : i32
        %ge3A_209 = arith.cmpi sge, %add3A_159, %ge3A_208 : i32
        %convert_element_type3A_210 = arith.extui %ge3A_209 : i1 to i32
        %cond3A_211 = arith.constant 0 : i32
        %cond3A_212 = arith.cmpi ne, %convert_element_type3A_210, %cond3A_211 : i32
        scf.if %cond3A_212 {
        } else {
        }
        %scan3A_213 = arith.constant 0 : i32
        scf.yield %scan3A_213 : i32
      }
      %scan3A_44 = arith.constant 8 : i32
      %scan3A_45 = arith.constant 0 : i32
      scf.yield %scan3A_45 : i32
    }
    %scan3A_32 = arith.constant 9 : i32
    %barrier3A_33 = arith.constant 0 : index
    tpu.barrier barrier_id(%barrier3A_33)
    "tpu.region"() ({
      %run_scoped3A = tpu.sem_alloc : memref<!tpu.dma_semaphore, #tpu.memory_space<semaphore_mem>>
      %dma_start3A = arith.constant 0 : i32
      %dma_start3A_34 = tpu.memref_slice %arg7[%arg0, %mul3A_2, %dma_start3A] : memref<2x10240x128xf32, #tpu.memory_space<hbm>> -> memref<1x640x128xf32, #tpu.memory_space<hbm>>
      %dma_start3A_35 = tpu.memref_squeeze %dma_start3A_34 : memref<1x640x128xf32, #tpu.memory_space<hbm>> -> memref<640x128xf32, #tpu.memory_space<hbm>>
      %dma_start3A_36 = arith.constant 0 : i32
      %dma_start3A_37 = tpu.memref_slice %arg9[%mul3A_2, %dma_start3A_36] : memref<10240x128xf32, #tpu.memory_space<vmem_shared>> -> memref<640x128xf32, #tpu.memory_space<vmem_shared>>
      tpu.enqueue_dma source(%dma_start3A_37 : memref<640x128xf32, #tpu.memory_space<vmem_shared>>) target(%dma_start3A_35 : memref<640x128xf32, #tpu.memory_space<hbm>>) target_semaphore(%run_scoped3A : memref<!tpu.dma_semaphore, #tpu.memory_space<semaphore_mem>>)
      %dma_wait3A = arith.constant 0 : i32
      %dma_wait3A_38 = tpu.memref_slice %arg7[%arg0, %mul3A_2, %dma_wait3A] : memref<2x10240x128xf32, #tpu.memory_space<hbm>> -> memref<1x640x128xf32, #tpu.memory_space<hbm>>
      %dma_wait3A_39 = tpu.memref_squeeze %dma_wait3A_38 : memref<1x640x128xf32, #tpu.memory_space<hbm>> -> memref<640x128xf32, #tpu.memory_space<hbm>>
      %dma_wait3A_40 = arith.constant 0 : i32
      %dma_wait3A_41 = tpu.memref_slice %arg9[%mul3A_2, %dma_wait3A_40] : memref<10240x128xf32, #tpu.memory_space<vmem_shared>> -> memref<640x128xf32, #tpu.memory_space<vmem_shared>>
      tpu.wait_dma2 semaphore(%run_scoped3A : memref<!tpu.dma_semaphore, #tpu.memory_space<semaphore_mem>>) src(%dma_wait3A_41 : memref<640x128xf32, #tpu.memory_space<vmem_shared>>) dst(%dma_wait3A_39 : memref<640x128xf32, #tpu.memory_space<hbm>>)
      tpu.yield
    }) : () -> ()
    "tpu.region"() ({
      %run_scoped3A = tpu.sem_alloc : memref<!tpu.dma_semaphore, #tpu.memory_space<semaphore_mem>>
      %dma_start3A = tpu.memref_slice %arg8[%arg0, %mul3A_2] : memref<2x10240xf32, #tpu.memory_space<hbm>> -> memref<1x640xf32, #tpu.memory_space<hbm>>
      %dma_start3A_34 = tpu.memref_squeeze %dma_start3A : memref<1x640xf32, #tpu.memory_space<hbm>> -> memref<640xf32, #tpu.memory_space<hbm>>
      %dma_start3A_35 = tpu.memref_slice %arg10[%mul3A_2] : memref<10240xf32, #tpu.memory_space<vmem_shared>> -> memref<640xf32, #tpu.memory_space<vmem_shared>>
      tpu.enqueue_dma source(%dma_start3A_35 : memref<640xf32, #tpu.memory_space<vmem_shared>>) target(%dma_start3A_34 : memref<640xf32, #tpu.memory_space<hbm>>) target_semaphore(%run_scoped3A : memref<!tpu.dma_semaphore, #tpu.memory_space<semaphore_mem>>)
      %dma_wait3A = tpu.memref_slice %arg8[%arg0, %mul3A_2] : memref<2x10240xf32, #tpu.memory_space<hbm>> -> memref<1x640xf32, #tpu.memory_space<hbm>>
      %dma_wait3A_36 = tpu.memref_squeeze %dma_wait3A : memref<1x640xf32, #tpu.memory_space<hbm>> -> memref<640xf32, #tpu.memory_space<hbm>>
      %dma_wait3A_37 = tpu.memref_slice %arg10[%mul3A_2] : memref<10240xf32, #tpu.memory_space<vmem_shared>> -> memref<640xf32, #tpu.memory_space<vmem_shared>>
      tpu.wait_dma2 semaphore(%run_scoped3A : memref<!tpu.dma_semaphore, #tpu.memory_space<semaphore_mem>>) src(%dma_wait3A_37 : memref<640xf32, #tpu.memory_space<vmem_shared>>) dst(%dma_wait3A_36 : memref<640xf32, #tpu.memory_space<hbm>>)
      tpu.yield
    }) : () -> ()
    return
  }
}

module attributes {stable_mosaic.version = 14 : i64} {
  func.func @_tc_first_body(%arg0: i32, %arg1: memref<640x128xf32, #tpu.memory_space<vmem>>, %arg2: memref<128x128xf32, #tpu.memory_space<vmem>>, %arg3: memref<1x128xf32, #tpu.memory_space<vmem>>, %arg4: memref<1x128xf32, #tpu.memory_space<vmem>>, %arg5: memref<640x128xf32, #tpu.memory_space<vmem>>, %arg6: memref<640x1xf32, #tpu.memory_space<vmem>>, %arg7: memref<640x1xf32, #tpu.memory_space<vmem>>) attributes {dimension_semantics = [#tpu.dimension_semantics<arbitrary>], iteration_bounds = array<i64: 16>, scalar_prefetch = 0 : i64, scratch_operands = 0 : i64, tpu.core_type = #tpu.core_type<tc>, window_params = [{transform_indices = @transform_0, window_bounds = array<i64: 640, 128>}, {pipeline_mode = #tpu.pipeline_mode<synchronous>, transform_indices = @transform_1, window_bounds = array<i64: 128, 128>}, {pipeline_mode = #tpu.pipeline_mode<synchronous>, transform_indices = @transform_2, window_bounds = array<i64: 1, 128>}, {pipeline_mode = #tpu.pipeline_mode<synchronous>, transform_indices = @transform_3, window_bounds = array<i64: 1, 128>}, {transform_indices = @transform_4, window_bounds = array<i64: 640, 128>}, {transform_indices = @transform_5, window_bounds = array<i64: 640, 1>}, {transform_indices = @transform_6, window_bounds = array<i64: 640, 1>}]} {
    %get3A = arith.constant 0 : index
    %get3A_0 = arith.constant 0 : index
    %get3A_1 = vector.load %arg1[%get3A, %get3A_0] : memref<640x128xf32, #tpu.memory_space<vmem>>, vector<640x128xf32>
    %get3A_2 = arith.constant 0 : index
    %get3A_3 = arith.constant 0 : index
    %get3A_4 = vector.load %arg2[%get3A_2, %get3A_3] : memref<128x128xf32, #tpu.memory_space<vmem>>, vector<128x128xf32>
    %dot_general3A = arith.constant dense<0.000000e+00> : vector<640x128xf32>
    %dot_general3A_5 = tpu.matmul %get3A_1, %get3A_4, %dot_general3A {dimension_numbers = #tpu.dot_dimension_numbers<[1], [0], [0], [1], [0, 0, 1, 1], [], []>, transpose_lhs_hint = false} : vector<640x128xf32>, vector<128x128xf32>, vector<640x128xf32> -> vector<640x128xf32>
    %swap3A = arith.constant 0 : index
    %swap3A_6 = arith.constant 0 : index
    %swap3A_7 = vector.load %arg5[%swap3A, %swap3A_6] : memref<640x128xf32, #tpu.memory_space<vmem>>, vector<640x128xf32>
    tpu.vector_store %arg5[%swap3A, %swap3A_6], %dot_general3A_5 {strides = array<i32>} : memref<640x128xf32, #tpu.memory_space<vmem>>, vector<640x128xf32>,
    %get3A_8 = arith.constant 0 : index
    %get3A_9 = arith.constant 0 : index
    %get3A_10 = vector.load %arg3[%get3A_8, %get3A_9] : memref<1x128xf32, #tpu.memory_space<vmem>>, vector<1x128xf32>
    %mul3A = vector.broadcast %get3A_10 : vector<1x128xf32> to vector<640x128xf32>
    %mul3A_11 = arith.mulf %dot_general3A_5, %mul3A : vector<640x128xf32>
    %reduce_sum3A = arith.constant dense<0.000000e+00> : vector<640xf32>
    %reduce_sum3A_12 = vector.multi_reduction <add>, %mul3A_11, %reduce_sum3A [1] : vector<640x128xf32> to vector<640xf32>
    %broadcast_in_dim3A = vector.shape_cast %reduce_sum3A_12 : vector<640xf32> to vector<640x1xf32>
    %swap3A_13 = arith.constant 0 : index
    %swap3A_14 = arith.constant 0 : index
    %swap3A_15 = vector.load %arg6[%swap3A_13, %swap3A_14] : memref<640x1xf32, #tpu.memory_space<vmem>>, vector<640x1xf32>
    tpu.vector_store %arg6[%swap3A_13, %swap3A_14], %broadcast_in_dim3A {strides = array<i32>} : memref<640x1xf32, #tpu.memory_space<vmem>>, vector<640x1xf32>,
    %get3A_16 = arith.constant 0 : index
    %get3A_17 = arith.constant 0 : index
    %get3A_18 = vector.load %arg4[%get3A_16, %get3A_17] : memref<1x128xf32, #tpu.memory_space<vmem>>, vector<1x128xf32>
    %mul3A_19 = vector.broadcast %get3A_18 : vector<1x128xf32> to vector<640x128xf32>
    %mul3A_20 = arith.mulf %dot_general3A_5, %mul3A_19 : vector<640x128xf32>
    %reduce_sum3A_21 = arith.constant dense<0.000000e+00> : vector<640xf32>
    %reduce_sum3A_22 = vector.multi_reduction <add>, %mul3A_20, %reduce_sum3A_21 [1] : vector<640x128xf32> to vector<640xf32>
    %broadcast_in_dim3A_23 = vector.shape_cast %reduce_sum3A_22 : vector<640xf32> to vector<640x1xf32>
    %swap3A_24 = arith.constant 0 : index
    %swap3A_25 = arith.constant 0 : index
    %swap3A_26 = vector.load %arg7[%swap3A_24, %swap3A_25] : memref<640x1xf32, #tpu.memory_space<vmem>>, vector<640x1xf32>
    tpu.vector_store %arg7[%swap3A_24, %swap3A_25], %broadcast_in_dim3A_23 {strides = array<i32>} : memref<640x1xf32, #tpu.memory_space<vmem>>, vector<640x1xf32>,
    return
  }
  func.func @transform_0(%arg0: i32) -> (i32, i32) {
    %c0_i32 = arith.constant 0 : i32
    %c0_i32_0 = arith.constant 0 : i32
    return %arg0, %c0_i32 : i32, i32
  }
  func.func @transform_1(%arg0: i32) -> (i32, i32) {
    %c0_i32 = arith.constant 0 : i32
    %c0_i32_0 = arith.constant 0 : i32
    %c0_i32_1 = arith.constant 0 : i32
    return %c0_i32, %c0_i32_0 : i32, i32
  }
  func.func @transform_2(%arg0: i32) -> (i32, i32) {
    %c0_i32 = arith.constant 0 : i32
    %c0_i32_0 = arith.constant 0 : i32
    %c0_i32_1 = arith.constant 0 : i32
    return %c0_i32, %c0_i32_0 : i32, i32
  }
  func.func @transform_3(%arg0: i32) -> (i32, i32) {
    %c0_i32 = arith.constant 0 : i32
    %c0_i32_0 = arith.constant 0 : i32
    %c0_i32_1 = arith.constant 0 : i32
    return %c0_i32, %c0_i32_0 : i32, i32
  }
  func.func @transform_4(%arg0: i32) -> (i32, i32) {
    %c0_i32 = arith.constant 0 : i32
    %c0_i32_0 = arith.constant 0 : i32
    return %arg0, %c0_i32 : i32, i32
  }
  func.func @transform_5(%arg0: i32) -> (i32, i32) {
    %c0_i32 = arith.constant 0 : i32
    %c0_i32_0 = arith.constant 0 : i32
    return %arg0, %c0_i32 : i32, i32
  }
  func.func @transform_6(%arg0: i32) -> (i32, i32) {
    %c0_i32 = arith.constant 0 : i32
    %c0_i32_0 = arith.constant 0 : i32
    return %arg0, %c0_i32 : i32, i32
  }
}

module attributes {stable_mosaic.version = 14 : i64} {
  func.func @_tc_mid_body(%arg0: i32, %arg1: memref<2x640x128xf32, #tpu.memory_space<vmem>>, %arg2: memref<640x1xf32, #tpu.memory_space<vmem>>, %arg3: memref<640x1xf32, #tpu.memory_space<vmem>>, %arg4: memref<1x128xf32, #tpu.memory_space<vmem>>, %arg5: memref<128x128xf32, #tpu.memory_space<vmem>>, %arg6: memref<1x128xf32, #tpu.memory_space<vmem>>, %arg7: memref<1x128xf32, #tpu.memory_space<vmem>>, %arg8: memref<640x128xf32, #tpu.memory_space<vmem>>, %arg9: memref<640x1xf32, #tpu.memory_space<vmem>>, %arg10: memref<640x1xf32, #tpu.memory_space<vmem>>) attributes {dimension_semantics = [#tpu.dimension_semantics<arbitrary>], iteration_bounds = array<i64: 16>, scalar_prefetch = 0 : i64, scratch_operands = 0 : i64, tpu.core_type = #tpu.core_type<tc>, window_params = [{transform_indices = @transform_0, window_bounds = array<i64: 2, 640, 128>}, {transform_indices = @transform_1, window_bounds = array<i64: 640, 1>}, {transform_indices = @transform_2, window_bounds = array<i64: 640, 1>}, {pipeline_mode = #tpu.pipeline_mode<synchronous>, transform_indices = @transform_3, window_bounds = array<i64: 1, 128>}, {pipeline_mode = #tpu.pipeline_mode<synchronous>, transform_indices = @transform_4, window_bounds = array<i64: 128, 128>}, {pipeline_mode = #tpu.pipeline_mode<synchronous>, transform_indices = @transform_5, window_bounds = array<i64: 1, 128>}, {pipeline_mode = #tpu.pipeline_mode<synchronous>, transform_indices = @transform_6, window_bounds = array<i64: 1, 128>}, {transform_indices = @transform_7, window_bounds = array<i64: 640, 128>}, {transform_indices = @transform_8, window_bounds = array<i64: 640, 1>}, {transform_indices = @transform_9, window_bounds = array<i64: 640, 1>}]} {
    %get3A = arith.constant 0 : index
    %get3A_0 = arith.constant 0 : index
    %get3A_1 = vector.load %arg2[%get3A, %get3A_0] : memref<640x1xf32, #tpu.memory_space<vmem>>, vector<640x1xf32>
    %get3A_2 = arith.constant 0 : index
    %get3A_3 = arith.constant 0 : index
    %get3A_4 = vector.load %arg3[%get3A_2, %get3A_3] : memref<640x1xf32, #tpu.memory_space<vmem>>, vector<640x1xf32>
    %add3A = arith.addf %get3A_1, %get3A_4 : vector<640x1xf32>
    %add3A_5 = arith.constant 1.000000e-16 : f32
    %add3A_6 = vector.broadcast %add3A_5 : f32 to vector<640x1xf32>
    %add3A_7 = arith.addf %add3A, %add3A_6 : vector<640x1xf32>
    %get3A_8 = arith.constant 0 : index
    %get3A_9 = arith.constant 0 : index
    %get3A_10 = arith.constant 0 : index
    %get3A_11 = vector.load %arg1[%get3A_8, %get3A_9, %get3A_10] : memref<2x640x128xf32, #tpu.memory_space<vmem>>, vector<1x640x128xf32>
    %get3A_12 = vector.shape_cast %get3A_11 : vector<1x640x128xf32> to vector<640x128xf32>
    %get3A_13 = arith.constant 1 : index
    %get3A_14 = arith.constant 0 : index
    %get3A_15 = arith.constant 0 : index
    %get3A_16 = vector.load %arg1[%get3A_13, %get3A_14, %get3A_15] : memref<2x640x128xf32, #tpu.memory_space<vmem>>, vector<1x640x128xf32>
    %get3A_17 = vector.shape_cast %get3A_16 : vector<1x640x128xf32> to vector<640x128xf32>
    %add3A_18 = arith.addf %get3A_12, %get3A_17 : vector<640x128xf32>
    %div3A = vector.broadcast %add3A_7 : vector<640x1xf32> to vector<640x128xf32>
    %div3A_19 = arith.divf %add3A_18, %div3A : vector<640x128xf32>
    %get3A_20 = arith.constant 0 : index
    %get3A_21 = arith.constant 0 : index
    %get3A_22 = vector.load %arg4[%get3A_20, %get3A_21] : memref<1x128xf32, #tpu.memory_space<vmem>>, vector<1x128xf32>
    %add3A_23 = vector.broadcast %get3A_22 : vector<1x128xf32> to vector<640x128xf32>
    %add3A_24 = arith.addf %div3A_19, %add3A_23 : vector<640x128xf32>
    %mul3A = arith.constant 0.00999999977 : f32
    %mul3A_25 = vector.broadcast %mul3A : f32 to vector<640x128xf32>
    %mul3A_26 = arith.mulf %mul3A_25, %add3A_24 : vector<640x128xf32>
    %max3A = arith.maximumf %add3A_24, %mul3A_26 : vector<640x128xf32>
    %get3A_27 = arith.constant 0 : index
    %get3A_28 = arith.constant 0 : index
    %get3A_29 = vector.load %arg5[%get3A_27, %get3A_28] : memref<128x128xf32, #tpu.memory_space<vmem>>, vector<128x128xf32>
    %dot_general3A = arith.constant dense<0.000000e+00> : vector<640x128xf32>
    %dot_general3A_30 = tpu.matmul %max3A, %get3A_29, %dot_general3A {dimension_numbers = #tpu.dot_dimension_numbers<[1], [0], [0], [1], [0, 0, 1, 1], [], []>, transpose_lhs_hint = false} : vector<640x128xf32>, vector<128x128xf32>, vector<640x128xf32> -> vector<640x128xf32>
    %swap3A = arith.constant 0 : index
    %swap3A_31 = arith.constant 0 : index
    %swap3A_32 = vector.load %arg8[%swap3A, %swap3A_31] : memref<640x128xf32, #tpu.memory_space<vmem>>, vector<640x128xf32>
    tpu.vector_store %arg8[%swap3A, %swap3A_31], %dot_general3A_30 {strides = array<i32>} : memref<640x128xf32, #tpu.memory_space<vmem>>, vector<640x128xf32>,
    %get3A_33 = arith.constant 0 : index
    %get3A_34 = arith.constant 0 : index
    %get3A_35 = vector.load %arg6[%get3A_33, %get3A_34] : memref<1x128xf32, #tpu.memory_space<vmem>>, vector<1x128xf32>
    %mul3A_36 = vector.broadcast %get3A_35 : vector<1x128xf32> to vector<640x128xf32>
    %mul3A_37 = arith.mulf %dot_general3A_30, %mul3A_36 : vector<640x128xf32>
    %reduce_sum3A = arith.constant dense<0.000000e+00> : vector<640xf32>
    %reduce_sum3A_38 = vector.multi_reduction <add>, %mul3A_37, %reduce_sum3A [1] : vector<640x128xf32> to vector<640xf32>
    %broadcast_in_dim3A = vector.shape_cast %reduce_sum3A_38 : vector<640xf32> to vector<640x1xf32>
    %swap3A_39 = arith.constant 0 : index
    %swap3A_40 = arith.constant 0 : index
    %swap3A_41 = vector.load %arg9[%swap3A_39, %swap3A_40] : memref<640x1xf32, #tpu.memory_space<vmem>>, vector<640x1xf32>
    tpu.vector_store %arg9[%swap3A_39, %swap3A_40], %broadcast_in_dim3A {strides = array<i32>} : memref<640x1xf32, #tpu.memory_space<vmem>>, vector<640x1xf32>,
    %get3A_42 = arith.constant 0 : index
    %get3A_43 = arith.constant 0 : index
    %get3A_44 = vector.load %arg7[%get3A_42, %get3A_43] : memref<1x128xf32, #tpu.memory_space<vmem>>, vector<1x128xf32>
    %mul3A_45 = vector.broadcast %get3A_44 : vector<1x128xf32> to vector<640x128xf32>
    %mul3A_46 = arith.mulf %dot_general3A_30, %mul3A_45 : vector<640x128xf32>
    %reduce_sum3A_47 = arith.constant dense<0.000000e+00> : vector<640xf32>
    %reduce_sum3A_48 = vector.multi_reduction <add>, %mul3A_46, %reduce_sum3A_47 [1] : vector<640x128xf32> to vector<640xf32>
    %broadcast_in_dim3A_49 = vector.shape_cast %reduce_sum3A_48 : vector<640xf32> to vector<640x1xf32>
    %swap3A_50 = arith.constant 0 : index
    %swap3A_51 = arith.constant 0 : index
    %swap3A_52 = vector.load %arg10[%swap3A_50, %swap3A_51] : memref<640x1xf32, #tpu.memory_space<vmem>>, vector<640x1xf32>
    tpu.vector_store %arg10[%swap3A_50, %swap3A_51], %broadcast_in_dim3A_49 {strides = array<i32>} : memref<640x1xf32, #tpu.memory_space<vmem>>, vector<640x1xf32>,
    return
  }
  func.func @transform_0(%arg0: i32) -> (i32, i32, i32) {
    %c0_i32 = arith.constant 0 : i32
    %c0_i32_0 = arith.constant 0 : i32
    %c0_i32_1 = arith.constant 0 : i32
    return %c0_i32, %arg0, %c0_i32_0 : i32, i32, i32
  }
  func.func @transform_1(%arg0: i32) -> (i32, i32) {
    %c0_i32 = arith.constant 0 : i32
    %c0_i32_0 = arith.constant 0 : i32
    return %arg0, %c0_i32 : i32, i32
  }
  func.func @transform_2(%arg0: i32) -> (i32, i32) {
    %c0_i32 = arith.constant 0 : i32
    %c0_i32_0 = arith.constant 0 : i32
    return %arg0, %c0_i32 : i32, i32
  }
  func.func @transform_3(%arg0: i32) -> (i32, i32) {
    %c0_i32 = arith.constant 0 : i32
    %c0_i32_0 = arith.constant 0 : i32
    %c0_i32_1 = arith.constant 0 : i32
    return %c0_i32, %c0_i32_0 : i32, i32
  }
  func.func @transform_4(%arg0: i32) -> (i32, i32) {
    %c0_i32 = arith.constant 0 : i32
    %c0_i32_0 = arith.constant 0 : i32
    %c0_i32_1 = arith.constant 0 : i32
    return %c0_i32, %c0_i32_0 : i32, i32
  }
  func.func @transform_5(%arg0: i32) -> (i32, i32) {
    %c0_i32 = arith.constant 0 : i32
    %c0_i32_0 = arith.constant 0 : i32
    %c0_i32_1 = arith.constant 0 : i32
    return %c0_i32, %c0_i32_0 : i32, i32
  }
  func.func @transform_6(%arg0: i32) -> (i32, i32) {
    %c0_i32 = arith.constant 0 : i32
    %c0_i32_0 = arith.constant 0 : i32
    %c0_i32_1 = arith.constant 0 : i32
    return %c0_i32, %c0_i32_0 : i32, i32
  }
  func.func @transform_7(%arg0: i32) -> (i32, i32) {
    %c0_i32 = arith.constant 0 : i32
    %c0_i32_0 = arith.constant 0 : i32
    return %arg0, %c0_i32 : i32, i32
  }
  func.func @transform_8(%arg0: i32) -> (i32, i32) {
    %c0_i32 = arith.constant 0 : i32
    %c0_i32_0 = arith.constant 0 : i32
    return %arg0, %c0_i32 : i32, i32
  }
  func.func @transform_9(%arg0: i32) -> (i32, i32) {
    %c0_i32 = arith.constant 0 : i32
    %c0_i32_0 = arith.constant 0 : i32
    return %arg0, %c0_i32 : i32, i32
  }
}

module attributes {stable_mosaic.version = 14 : i64} {
  func.func @_tc_last_body(%arg0: i32, %arg1: memref<2x640x128xf32, #tpu.memory_space<vmem>>, %arg2: memref<640x1xf32, #tpu.memory_space<vmem>>, %arg3: memref<640x1xf32, #tpu.memory_space<vmem>>, %arg4: memref<1x128xf32, #tpu.memory_space<vmem>>, %arg5: memref<640x128xf32, #tpu.memory_space<vmem>>) attributes {dimension_semantics = [#tpu.dimension_semantics<arbitrary>], iteration_bounds = array<i64: 16>, scalar_prefetch = 0 : i64, scratch_operands = 0 : i64, tpu.core_type = #tpu.core_type<tc>, window_params = [{transform_indices = @transform_0, window_bounds = array<i64: 2, 640, 128>}, {transform_indices = @transform_1, window_bounds = array<i64: 640, 1>}, {transform_indices = @transform_2, window_bounds = array<i64: 640, 1>}, {pipeline_mode = #tpu.pipeline_mode<synchronous>, transform_indices = @transform_3, window_bounds = array<i64: 1, 128>}, {transform_indices = @transform_4, window_bounds = array<i64: 640, 128>}]} {
    %get3A = arith.constant 0 : index
    %get3A_0 = arith.constant 0 : index
    %get3A_1 = vector.load %arg2[%get3A, %get3A_0] : memref<640x1xf32, #tpu.memory_space<vmem>>, vector<640x1xf32>
    %get3A_2 = arith.constant 0 : index
    %get3A_3 = arith.constant 0 : index
    %get3A_4 = vector.load %arg3[%get3A_2, %get3A_3] : memref<640x1xf32, #tpu.memory_space<vmem>>, vector<640x1xf32>
    %add3A = arith.addf %get3A_1, %get3A_4 : vector<640x1xf32>
    %add3A_5 = arith.constant 1.000000e-16 : f32
    %add3A_6 = vector.broadcast %add3A_5 : f32 to vector<640x1xf32>
    %add3A_7 = arith.addf %add3A, %add3A_6 : vector<640x1xf32>
    %get3A_8 = arith.constant 0 : index
    %get3A_9 = arith.constant 0 : index
    %get3A_10 = arith.constant 0 : index
    %get3A_11 = vector.load %arg1[%get3A_8, %get3A_9, %get3A_10] : memref<2x640x128xf32, #tpu.memory_space<vmem>>, vector<1x640x128xf32>
    %get3A_12 = vector.shape_cast %get3A_11 : vector<1x640x128xf32> to vector<640x128xf32>
    %get3A_13 = arith.constant 1 : index
    %get3A_14 = arith.constant 0 : index
    %get3A_15 = arith.constant 0 : index
    %get3A_16 = vector.load %arg1[%get3A_13, %get3A_14, %get3A_15] : memref<2x640x128xf32, #tpu.memory_space<vmem>>, vector<1x640x128xf32>
    %get3A_17 = vector.shape_cast %get3A_16 : vector<1x640x128xf32> to vector<640x128xf32>
    %add3A_18 = arith.addf %get3A_12, %get3A_17 : vector<640x128xf32>
    %div3A = vector.broadcast %add3A_7 : vector<640x1xf32> to vector<640x128xf32>
    %div3A_19 = arith.divf %add3A_18, %div3A : vector<640x128xf32>
    %get3A_20 = arith.constant 0 : index
    %get3A_21 = arith.constant 0 : index
    %get3A_22 = vector.load %arg4[%get3A_20, %get3A_21] : memref<1x128xf32, #tpu.memory_space<vmem>>, vector<1x128xf32>
    %add3A_23 = vector.broadcast %get3A_22 : vector<1x128xf32> to vector<640x128xf32>
    %add3A_24 = arith.addf %div3A_19, %add3A_23 : vector<640x128xf32>
    %swap3A = arith.constant 0 : index
    %swap3A_25 = arith.constant 0 : index
    %swap3A_26 = vector.load %arg5[%swap3A, %swap3A_25] : memref<640x128xf32, #tpu.memory_space<vmem>>, vector<640x128xf32>
    tpu.vector_store %arg5[%swap3A, %swap3A_25], %add3A_24 {strides = array<i32>} : memref<640x128xf32, #tpu.memory_space<vmem>>, vector<640x128xf32>,
    return
  }
  func.func @transform_0(%arg0: i32) -> (i32, i32, i32) {
    %c0_i32 = arith.constant 0 : i32
    %c0_i32_0 = arith.constant 0 : i32
    %c0_i32_1 = arith.constant 0 : i32
    return %c0_i32, %arg0, %c0_i32_0 : i32, i32, i32
  }
  func.func @transform_1(%arg0: i32) -> (i32, i32) {
    %c0_i32 = arith.constant 0 : i32
    %c0_i32_0 = arith.constant 0 : i32
    return %arg0, %c0_i32 : i32, i32
  }
  func.func @transform_2(%arg0: i32) -> (i32, i32) {
    %c0_i32 = arith.constant 0 : i32
    %c0_i32_0 = arith.constant 0 : i32
    return %arg0, %c0_i32 : i32, i32
  }
  func.func @transform_3(%arg0: i32) -> (i32, i32) {
    %c0_i32 = arith.constant 0 : i32
    %c0_i32_0 = arith.constant 0 : i32
    %c0_i32_1 = arith.constant 0 : i32
    return %c0_i32, %c0_i32_0 : i32, i32
  }
  func.func @transform_4(%arg0: i32) -> (i32, i32) {
    %c0_i32 = arith.constant 0 : i32
    %c0_i32_0 = arith.constant 0 : i32
    return %arg0, %c0_i32 : i32, i32
  }
}

</mosaic_0001>

<sc_bundles>
// kernel: kernel.12.cloned.1.call-start
scs
__scs_entry_jumppad:
0x0: {  	(pc) =	sbr.rel $0x88, $3  }
0x1: {  	(tag) =	ssettag $0x0;
	lr =	simm.s32 $0x1  }
0x2: {  	[smem:$0x3F93] =	sst lr;
	_ =	strace $0xD0000000  }
0x3: {  	_ = 	snop  }
0x4: {  	_ = 	snop  }
0x5: {  	_ = 	snop  }
0x6: {  	_ = 	snop  }
0x7: {  	_ = 	snop  }
__scs_overlays_trampoline_lowered:
0x8: {  	[smem:$0x3FA2] =	sst s0  }
0x9: {  	[smem:$0x3FA3] =	sst s1  }
0xa: {  	[smem:$0x3FA4] =	sst s2  }
0xb: {  	[smem:$0x3FA5] =	sst s3  }
0xc: {  	[smem:$0x3FA6] =	sst s4  }
0xd: {  	[smem:$0x3FA7] =	sst s5  }
0xe: {  	[smem:$0x3FA8] =	sst s6  }
0xf: {  	[smem:$0x3FA9] =	sst s7  }
0x10: {  	[smem:$0x3FAA] =	sst s8  }
0x11: {  	[smem:$0x3FAB] =	sst s9;
	s0 =	simm.s32 @!p0 $0x0  }
0x12: {  	s1 =	sld [smem:$0x3F91];
	s0 =	simm.s32 @p0 $0x1  }
0x13: {  	[smem:$0x3FAC] =	sst s0;
	s0 =	simm.s32 @!p1 $0x0  }
0x14: {  	s2 =	sld [smem:$0x3F90];
	s0 =	simm.s32 @p1 $0x1  }
0x15: {  	[smem:$0x3FAD] =	sst s0;
	s0 =	simm.s32 @!p2 $0x0  }
0x16: {  	s3 =	sld [smem:$0x3FDB];
	s0 =	simm.s32 @p2 $0x1  }
0x17: {  	s4 =	simm.s32 $0x1BF5;
	[smem:$0x3FAF] =	sst s0  }
0x18: {  	s0 =	sld [smem:$0x3F92];
	_ =	swait.ge [sflag:s4], $0x0  }
0x19: {  	s7 =	sld [smem:$0x3F93]  }
0x1a: {  	s8 =	sadd.s32 $0xFFFFE003, lr  }
0x1b: {  	s9 =	sadd.s32 $0xFFFFFEF7, lr;
	s5 =	simm.s32 $0xFFFFFFFF;
	p2 =	slt.u32 s8, $0xFFFFF086  }
0x1c: {  	p1 =	slt.u32 s9, $0xF7A;
	s5 =	simm.s32 @!p2 $0x0  }
0x1d: {  	s5 =	simm.s32 @p1 $0x1;
	p0 =	seq.s32 s7, s2  }
0x1e: {  	s7 =	smul.u32 @!p0 $0xF7A, s2;
	p2 =	seq.s32 @!p0 s5, $0x0  }
0x1f: {  	s9 =	smul.u32 $0xF7A, s1;
	s8 =	simm.s32 @!p0 $0x1BF5;
	p2 =	por !p2, p0  }
0x20: {  	[sflag:s8] =	ssyncset.s32 @!p0 $0xFFFFF086;
	s6 =	sadd.s32 @!p0 s3, s7;
	s7 =	simm.s32 @!p0 $0x108  }
0x21: {  	s3 =	sadd.s32 s3, s9;
	s6 =	sadd.s32 @!p0 $0x88, s6;
	s7 =	simm.s32 @p2 $0x1082  }
0x22: {  	[simem:s7], [sflag:s8] =	dma.local @!p0 [hbm:s6], $0xF7A  }
0x23: {  	s9 =	sor.u32 $0xD0000000, s2;
	s6 =	simm.s32 $0x108;
	_ =	swait.ge @!p0 [sflag:s8], $0x0  }
0x24: {  	s3 =	sadd.s32 $0x88, s3;
	s6 =	simm.s32 @!p1 $0x1082;
	[sflag:s4] =	ssyncset.s32 $0xFFFFF086  }
0x25: {  	[simem:s6], [sflag:s4] =	dma.local [hbm:s3], $0xF7A  }
0x26: {  	[smem:$0x3F93] =	sst s1;
	(tag) =	ssettag s2;
	_ =	strace s9  }
0x27: {  	s1 =	sld [smem:$0x3FA3]  }
0x28: {  	s2 =	sld [smem:$0x3FA4]  }
0x29: {  	s4 =	sld [smem:$0x3FA6]  }
0x2a: {  	p0 =	seq.s32 s5, $0x0;
	s5 =	sld [smem:$0x3FA7]  }
0x2b: {  	s6 =	sld [smem:$0x3FA8]  }
0x2c: {  	s7 =	sld [smem:$0x3FA9]  }
0x2d: {  	s3 =	simm.s32 $0x108;
	s8 =	sld [smem:$0x3FAA]  }
0x2e: {  	s3 =	simm.s32 @!p0 $0x1082;
	s9 =	sld [smem:$0x3FAB]  }
0x2f: {  	lr =	sadd.s32 s0, s3;
	s0 =	sld [smem:$0x3FA2]  }
0x30: {  	s3 =	sld [smem:$0x3FA5]  }
0x31: {  	[smem:$0x3FAE] =	sst s10  }
0x32: {  	s10 =	sld [smem:$0x3FAC];
	_ =	sdelay $0x3  }
0x33: {  	p0 =	seq.s32 s10, $0x1;
	s10 =	sld [smem:$0x3FAE];
	_ =	sdelay $0x3  }
0x34: {  	[smem:$0x3FAE] =	sst s10  }
0x35: {  	s10 =	sld [smem:$0x3FAD];
	_ =	sdelay $0x3  }
0x36: {  	p1 =	seq.s32 s10, $0x1;
	s10 =	sld [smem:$0x3FAE];
	_ =	sdelay $0x3  }
0x37: {  	[smem:$0x3FAE] =	sst s10  }
0x38: {  	s10 =	sld [smem:$0x3FAF]  }
0x39: {  	_ = 	snop;
	(pc) =	sbr.ind lr, $3  }
0x3a: {  	_ = 	snop  }
0x3b: {  	_ = 	snop  }
0x3c: {  	p2 =	seq.s32 s10, $0x1;
	s10 =	sld [smem:$0x3FAE]  }
0x3d: {  	_ =	shalt  }
0x3e: {  	_ =	shalt  }
0x3f: {  	_ =	shalt  }
0x40: {  	_ =	shalt  }
0x41: {  	_ =	shalt  }
0x42: {  	_ =	shalt  }
0x43: {  	_ =	shalt  }
0x44: {  	_ =	shalt  }
0x45: {  	_ =	shalt  }
0x46: {  	_ =	shalt  }
0x47: {  	_ =	shalt  }
0x48: {  	_ =	shalt  }
0x49: {  	_ =	shalt  }
0x4a: {  	_ =	shalt  }
0x4b: {  	_ =	shalt  }
0x4c: {  	_ =	shalt  }
0x4d: {  	_ =	shalt  }
0x4e: {  	_ =	shalt  }
0x4f: {  	_ =	shalt  }
0x50: {  	_ =	shalt  }
0x51: {  	_ =	shalt  }
0x52: {  	_ =	shalt  }
0x53: {  	_ =	shalt  }
0x54: {  	_ =	shalt  }
0x55: {  	_ =	shalt  }
0x56: {  	_ =	shalt  }
0x57: {  	_ =	shalt  }
0x58: {  	_ =	shalt  }
0x59: {  	_ =	shalt  }
0x5a: {  	_ =	shalt  }
0x5b: {  	_ =	shalt  }
0x5c: {  	_ =	shalt  }
0x5d: {  	_ =	shalt  }
0x5e: {  	_ =	shalt  }
0x5f: {  	_ =	shalt  }
0x60: {  	_ =	shalt  }
0x61: {  	_ =	shalt  }
0x62: {  	_ =	shalt  }
0x63: {  	_ =	shalt  }
0x64: {  	_ =	shalt  }
0x65: {  	_ =	shalt  }
0x66: {  	_ =	shalt  }
0x67: {  	_ =	shalt  }
0x68: {  	_ =	shalt  }
0x69: {  	_ =	shalt  }
0x6a: {  	_ =	shalt  }
0x6b: {  	_ =	shalt  }
0x6c: {  	_ =	shalt  }
0x6d: {  	_ =	shalt  }
0x6e: {  	_ =	shalt  }
0x6f: {  	_ =	shalt  }
0x70: {  	_ =	shalt  }
0x71: {  	_ =	shalt  }
0x72: {  	_ =	shalt  }
0x73: {  	_ =	shalt  }
0x74: {  	_ =	shalt  }
0x75: {  	_ =	shalt  }
0x76: {  	_ =	shalt  }
0x77: {  	_ =	shalt  }
0x78: {  	_ =	shalt  }
0x79: {  	_ =	shalt  }
0x7a: {  	_ =	shalt  }
0x7b: {  	_ =	shalt  }
0x7c: {  	_ =	shalt  }
0x7d: {  	_ =	shalt  }
0x7e: {  	_ =	shalt  }
0x7f: {  	_ =	shalt  }
0x80: {  	_ =	shalt  }
0x81: {  	_ =	shalt  }
0x82: {  	_ =	shalt  }
0x83: {  	_ =	shalt  }
0x84: {  	_ =	shalt  }
0x85: {  	_ =	shalt  }
0x86: {  	_ =	shalt  }
0x87: {  	_ =	shalt  }
.Lfunc_end0:
.L_simem_size_0:
called_computation.1_lowered:
.L_overlay_start_0:
0x88: {  	s2 =	sld [smem:$0x3FD9]  }
0x89: {  	s3 =	sld [smem:$0x3FFE];
	_ =	sdelay $0x1  }
0x8a: {  	s1 =	srdreg.scid  }
0x8b: {  	s0 =	sand.u32 $0x1, s1  }
0x8c: {  	s17 =	sshll.u32 s0, $0xA;
	s2 =	sadd.s32 s3, s2  }
0x8d: {  	s2 =	sadd.s32 s2, s17  }
0x8e: {  	[smem:$0x3FBA] =	sst s2  }
0x8f: {  	_ = 	snop  }
0x90: {  	s2 =	sld [smem:$0x3FD0];
	(tm) =	ssettm $0x1  }
0x91: {  	s18 =	sld [smem:$0x3FFB];
	_ =	sdelay $0x3  }
0x92: {  	_ =	strace s18  }
0x93: {  	s3 =	sld [smem:$0x3FFC];
	_ =	sdelay $0x3  }
0x94: {  	_ =	strace s3  }
0x95: {  	s3 =	sld [smem:$0x3FFD];
	_ =	sdelay $0x3  }
0x96: {  	_ =	strace s3  }
0x97: {  	_ =	strace $0x8FFFFFFF  }
0x98: {  	s19 =	sld [smem:$0x3FDB];
	_ =	sdelay $0x1  }
0x99: {  	s4 =	simm.s32 $_scs_section_size  }
0x9a: {  	s5 =	simm.s32 $_size__tile_overlayer_lowered;
	s6 =	simm.s32 $_tile_overlayer_lowered  }
0x9b: {  	s22 =	simm.s32 $0x1BFF;
	s21 =	sshll.u32 s6, $0x1;
	s3 =	sadd.s32 s4, s19  }
0x9c: {  	s7 =	simm.s32 $0x0;
	s20 =	sshll.u32 s5, $0x1;
	s5 =	sadd.s32 s21, s3  }
0x9d: {  	[timem:s7], [sflag:s22] =	dma.local [hbm:s5], s20  }
0x9e: {  	_ =	swait.ge [sflag:s22], s20  }
0x9f: {  	s4 =	ssub.s32 $0x0, s20;
	[sflag:s22] =	ssyncset.done $0x0  }
0xa0: {  	[sflag:s22] =	ssyncadd.s32 s4;
	_ =	sdelay $0x1  }
0xa1: {  	s23 =	simm.s32 $0x1B8B  }
0xa2: {  	_ =	swait.ge [sflag:s23], $0x1  }
0xa3: {  	[sflag:s23] =	ssyncset.done $0x0  }
0xa4: {  	s25 =	simm.s32 $0x1B8E;
	s24 =	sld [smem:$0x3FFE];
	[sflag:s23] =	ssyncadd.s32 $0xFFFFFFFF  }
0xa5: {  	s26 =	simm.s32 $execute0_lowered;
	[smem:$0x3FD2] =	sst s25  }
0xa6: {  	s5 =	sshll.u32 s26, $0x1;
	_ =	strace $0x80000049;
	[dreg:$0x1] =	wrdreg $0xFFFFFFFF  }
0xa7: {  	s28 =	simm.s32 $_size_execute0_lowered;
	s3 =	sadd.s32 s3, s5;
	[dreg:$0x0] =	wrdreg $0x0  }
0xa8: {  	s5 =	sshll.u32 s28, $0x1;
	[dreg:$0x2] =	wrdreg s3  }
0xa9: {  	[dreg:$0x3] =	wrdreg s5  }
0xaa: {  	[dreg:$0x4] =	wrdreg $0xC0  }
0xab: {  	_ =	task [dreg:s7], $0x5FFFF  }
0xac: {  	[dreg:$0x1] =	wrdreg $0xFFFFFFFF  }
0xad: {  	[dreg:$0x0] =	wrdreg $0x60  }
0xae: {  	[dreg:$0x2] =	wrdreg s24  }
0xaf: {  	[dreg:$0x3] =	wrdreg s2  }
0xb0: {  	[dreg:$0x4] =	wrdreg $0x0  }
0xb1: {  	[dreg:$0x5] =	wrdreg $0x140000  }
0xb2: {  	[dreg:$0x6] =	wrdreg $0x9  }
0xb3: {  	_ =	task.clear_ibuf [dreg:s7], $0x7FFFF;
	_ =	strace $0x90000049  }
0xb4: {  	s29 =	simm.s32 $0x9;
	_ =	strace $0x8000004B  }
0xb5: {  	_ =	swait.ge [sflag:s29], $0x1  }
0xb6: {  	[sflag:s29] =	ssyncadd.s32 $0xFFFFFFFF  }
0xb7: {  	_ =	strace $0x9000004B  }
0xb8: {  	_ =	sfence  }
0xb9: {  	s30 =	sld [smem:$0x0];
	_ =	sdelay $0x2  }
0xba: {  	s31 =	sshll.u32 s1, $0xD;
	s1 =	sshrl.u32 s1, $0x2  }
0xbb: {  	s3 =	sand.u32 $0x4000, s31;
	s1 =	sadd.s32 s1, s30  }
0xbc: {  	s0 =	sor.u32 s3, s0;
	s1 =	sshll.u32 s1, $0x11  }
0xbd: {  	s0 =	sor.u32 s1, s0  }
0xbe: {  	s0 =	sadd.s32 $0x8F2B, s0  }
0xbf: {  	[sflag:s0] =	ssyncadd.remote.s32 $0x1  }
0xc0: {  	_ =	sfence.sel $0xFFFF  }
0xc1: {  	[dreg:$0x0] =	wrdreg $0xFFFFFFFF;
	(pc) =	sbr.abs _section_cstart, $3  }
0xc2: {  	[dreg:$0x1] =	wrdreg $0xFFFFFFFF  }
0xc3: {  	_ =	task.clear_ibuf [dreg:s7], $0x2FFFF;
	_ =	strace $0x9FFFFFFF  }
0xc4: {  	(tm) =	ssettm $0x7FFFFFFF  }
0xc5: {  	_ =	shalt  }
tec
execute0_lowered:
.L_overlay_start_1:
0x0: {  	(tag) =	ssettag $0x1  }
0x1: {  	s7 =	rddreg [dreg:$0x0]  }
0x2: {  	s1 =	rddreg [dreg:$0x1]  }
0x3: {  	s11 =	rddreg [dreg:$0x2]  }
0x4: {  	s14 =	rddreg [dreg:$0x3];
	s2 =	srdreg.scid  }
0x5: {  	s0 =	rddreg [dreg:$0x4];
	s3 =	simm.s32 $0x0;
	s8 =	sand.u32 $0x1, s2  }
0x6: {  	s19 =	simm.s32 $0x1C280;
	s2 =	stileid.u32;
	s9 =	smul.u32 $0x140000, s8  }
0x7: {  	s20 =	simm.s32 $0x19280;
	[smem:$0x7FF] =	sst s3;
	s10 =	smul.u32 $0x14000, s2  }
0x8: {  	s4 =	sadd.s32 $0x44800, s7;
	s5 =	sadd.s32 $0x44E00, s7;
	s12 =	smul.u32 $0x500, s2  }
0x9: {  	s6 =	sadd.s32 $0x1800, s7;
	_ =	strace $0x8000004A;
	s22 =	smul.u32 $0x280, s2  }
0xa: {  	s13 =	sshll.u32 s8, $0x7;
	s24 =	ssub.s32 $0x2, s8;
	s17 =	smul.u32 $0x50000, s2  }
0xb: {  	s26 =	sshll.u32 s2, $0x1;
	s30 =	smul.u32 $0xA00, s2;
	s25 =	sshrl.u32 s24, $0x1  }
0xc: {  	s8 =	sor.u32 s8, s26;
	s9 =	sadd.s32 s10, s9;
	s21 =	sor.u32 s13, s12  }
0xd: {  	s16 =	sadd.s32 $0x270, s22;
	s18 =	ssub.s32 s24, s25;
	s8 =	smul.u32 $0x6C00, s8  }
0xe: {  	s29 =	sshrl.u32 s17, $0x2;
	s22 =	sadd.s32 s22, s14;
	s31 =	sshrl.u32 s30, $0x2  }
0xf: {  	s17 =	simm.s32 $0x16A80;
	s24 =	simm.s32 $0x10;
	s25 =	simm.s32 $0x0  }
0x10: {  	s9 =	sshrl.u32 s9, $0x3;
	s10 =	sshrl.u32 s21, $0x3;
	s28 =	sshll.u32 s16, $0x7  }
0x11: {  	s13 =	smax.u32 s18, $0x1;
	s18 =	simm.s32 $0x1AA80;
	s21 =	simm.s32 $0x19E80  }
0x12: {  	s22 =	sshrl.u32 s22, $0x3;
	s23 =	sadd.s32 s9, s7;
	s15 =	sadd.s32 s10, s7  }
0x13: {  	s7 =	sadd.s32 s28, s11;
	s9 =	sadd.s32 s16, s14;
	s11 =	sadd.s32 s29, s11  }
0x14: {  	s14 =	sadd.s32 s31, s14;
	s16 =	simm.s32 $0x1;
	s10 =	sadd.s32 $0x45E00, s23  }
0x15: {  	v0 =	vimm.f32 $0.0e+00;
	s12 =	sadd.s32 $0x45400, s15;
	s15 =	simm.s32 $0x14280;
	s23 =	simm.s32 $0x20  }
.LBB2_1:
0x16: {  	[tilespmem:s15], [sflag:$0x1] =	stream.linear.gather [hbm4b:s4+s3], $0x2800, $0x38;
	[tilespmem:$0x1C400] =	vst v63  }
0x17: {  	_ =	swait.ge [sflag:s16], $0x2800  }
0x18: {  	[sflag:s16] =	ssyncset.done $0x0  }
0x19: {  	[sflag:s16] =	ssyncadd.s32 $0xFFFFD800  }
0x1a: {  	[tilespmem:s17], [sflag:$0x1] =	stream.linear.gather [hbm4b:s5+s3], $0x2800, $0x38;
	[tilespmem:$0x1C400] =	vst v63  }
0x1b: {  	_ =	swait.ge [sflag:s16], $0x2800  }
0x1c: {  	[sflag:s16] =	ssyncset.done $0x0  }
0x1d: {  	s26 =	simm.s32 $0x0;
	s28 =	simm.s32 $0x200;
	[sflag:s16] =	ssyncadd.s32 $0xFFFFD800  }
.LBB2_2:
0x1e: {  	p0 =	sne.s32 s28, $0x5E00;
	[tilespmem:s26+$0x1AAF0] =	vst v0  }
0x1f: {  	[tilespmem:s26+$0x1AA80] =	vst v0  }
0x20: {  	[tilespmem:s26+$0x1AA90] =	vst v0  }
.Ltmp0:
0x21: {  	[tilespmem:s26+$0x1AAA0] =	vst v0;
	(pc) =	sbr.rel @p0 .LBB2_2-.Ltmp0, $4  }
0x22: {  	[tilespmem:s26+$0x1AAB0] =	vst v0  }
0x23: {  	[tilespmem:s26+$0x1AAC0] =	vst v0  }
0x24: {  	[tilespmem:s26+$0x1AAD0] =	vst v0  }
0x25: {  	[tilespmem:s26+$0x1AAE0] =	vst v0;
	s26 =	sshra.s32 s28, $0x2;
	s28 =	sadd.s32 $0x200, s28  }
0x26: {  	[tilespmem:s26+$0x1AAF0] =	vst v0  }
0x27: {  	[tilespmem:s26+$0x1AA80] =	vst v0  }
0x28: {  	[tilespmem:s26+$0x1AA90] =	vst v0  }
0x29: {  	[tilespmem:s26+$0x1AAA0] =	vst v0  }
0x2a: {  	[tilespmem:s26+$0x1AAB0] =	vst v0  }
0x2b: {  	[tilespmem:s26+$0x1AAC0] =	vst v0  }
0x2c: {  	[tilespmem:s26+$0x1AAD0] =	vst v0  }
0x2d: {  	[tilespmem:s26+$0x1AAE0] =	vst v0  }
0x2e: {  	[tilespmem:$0x1C280] =	vst v0  }
0x2f: {  	[tilespmem:$0x1C290] =	vst v0  }
0x30: {  	[tilespmem:$0x1C2A0] =	vst v0  }
0x31: {  	[spmem:s11] =	stream.linear.scatter [tilespmem:s18], [sflag:$0x1], $0x1800, $0x38;
	[tilespmem:$0x1C400] =	vst v63  }
0x32: {  	_ =	swait.ge [sflag:s16], $0x1800  }
0x33: {  	[sflag:s16] =	ssyncset.done $0x0  }
0x34: {  	s31 =	sadd.s32 $0x0, s14;
	[sflag:s16] =	ssyncadd.s32 $0xFFFFE800  }
0x35: {  	[spmem:s31] =	stream.linear.scatter [tilespmem:s19], [sflag:$0x1], $0x30, $0x38;
	[tilespmem:$0x1C400] =	vst v63  }
0x36: {  	_ =	swait.ge [sflag:s16], $0x30  }
0x37: {  	s26 =	simm.s32 $0xC0;
	s28 =	smov.u32 s11;
	[sflag:s16] =	ssyncset.done $0x0  }
.LBB2_4:
0x38: {  	p0 =	sne.s32 s26, $0x900;
	[sflag:s16] =	ssyncadd.s32 $0xFFFFFFD0;
	s28 =	sadd.s32 $0x1800, s28  }
0x39: {  	[spmem:s28] =	stream.linear.scatter [tilespmem:s18], [sflag:$0x1], $0x1800, $0x38;
	[tilespmem:$0x1C400] =	vst v63  }
0x3a: {  	s29 =	smov.u32 s26;
	s26 =	sadd.s32 $0xC0, s26;
	_ =	swait.ge [sflag:s16], $0x1800  }
.Ltmp1:
0x3b: {  	s29 =	sshra.s32 s29, $0x2;
	[sflag:s16] =	ssyncset.done $0x0;
	(pc) =	sbr.rel @p0 .LBB2_4-.Ltmp1, $4  }
0x3c: {  	s29 =	sadd.s32 s29, s14;
	[sflag:s16] =	ssyncadd.s32 $0xFFFFE800  }
0x3d: {  	[spmem:s29] =	stream.linear.scatter [tilespmem:s19], [sflag:$0x1], $0x30, $0x38;
	[tilespmem:$0x1C400] =	vst v63  }
0x3e: {  	_ =	swait.ge [sflag:s16], $0x30  }
0x3f: {  	[sflag:s16] =	ssyncset.done $0x0  }
0x40: {  	[sflag:s16] =	ssyncadd.s32 $0xFFFFFFD0  }
0x41: {  	[spmem:s7] =	stream.linear.scatter [tilespmem:s18], [sflag:$0x1], $0x800, $0x38;
	[tilespmem:$0x1C400] =	vst v63  }
0x42: {  	_ =	swait.ge [sflag:s16], $0x800  }
0x43: {  	[sflag:s16] =	ssyncset.done $0x0  }
0x44: {  	[sflag:s16] =	ssyncadd.s32 $0xFFFFF800  }
0x45: {  	[spmem:s9] =	stream.linear.scatter [tilespmem:s19], [sflag:$0x1], $0x10, $0x38;
	[tilespmem:$0x1C400] =	vst v63  }
0x46: {  	_ =	swait.ge [sflag:s16], $0x10  }
0x47: {  	[sflag:s16] =	ssyncset.done $0x0  }
0x48: {  	[sflag:s16] =	ssyncadd.s32 $0xFFFFFFF0  }
0x49: {  	s26 =	simm.s32 $0x0;
	[bflag:$0x0] =	sbarrier.arrive $0xFFFF  }
.LBB2_6:
0x4a: {  	s28 =	smul.u32 $0xC00, s26;
	_ =	sdelay $0x1  }
0x4b: {  	s28 =	sadd.s32 s8, s28  }
0x4c: {  	s28 =	sshrl.u32 s28, $0x3  }
0x4d: {  	s29 =	sadd.s32 s1, s28  }
0x4e: {  	[tilespmem:s20], [sflag:$0x1] =	stream.linear.gather [hbm4b:s29+s3], $0xC00, $0x38;
	[tilespmem:$0x1C400] =	vst v63  }
0x4f: {  	_ =	swait.ge [sflag:s16], $0xC00  }
0x50: {  	[sflag:s16] =	ssyncset.done $0x0  }
0x51: {  	s28 =	sadd.s32 s6, s28;
	[sflag:s16] =	ssyncadd.s32 $0xFFFFF400  }
0x52: {  	[tilespmem:s21], [sflag:$0x1] =	stream.linear.gather [hbm4b:s28+s3], $0xC00, $0x38;
	[tilespmem:$0x1C400] =	vst v63  }
0x53: {  	_ =	swait.ge [sflag:s16], $0xC00  }
0x54: {  	[sflag:s16] =	ssyncset.done $0x0  }
0x55: {  	s28 =	simm.s32 $0x480;
	[sflag:s16] =	ssyncadd.s32 $0xFFFFF400  }
.LBB2_7:
0x56: {  	s29 =	sshra.s32 s28, $0x2  }
0x57: {  	v1 =	vld [tilespmem:s29+$0x19160]  }
0x58: {  	v2 =	vld [tilespmem:s29+$0x19D60];
	_ =	sdelay $0x6  }
0x59: {  	v1 =	vld.idx.msk [tilespmem:v1+s15+$0x0], $0xffff  }
0x5a: {  	v2 =	vld.idx.msk [tilespmem:v2+s17+$0x0], $0xffff;
	_ =	sdelay $0x4  }
0x5b: {  	v1 =	vadd.f32 v2, v1;
	_ =	sdelay $0x1  }
0x5c: {  	v2 =	vmul.f32 $2.000000030e-01, v1;
	_ =	sdelay $0x1  }
0x5d: {  	v1 =	vmax.f32 v1, v2  }
0x5e: {  	v1 =	vmul.f32 $1.442695020e+00, v1;
	_ =	sdelay $0x1  }
0x5f: {  	(erf) = vpow2.f32 v1;
	_ =	sdelay $0x8  }
0x60: {  	v1 =	vpop (erf)  }
0x61: {  	[tilespmem:$0x1C280] =	vst v1  }
0x62: {  	v1 =	vld [tilespmem:s29+$0x19170]  }
0x63: {  	v2 =	vld [tilespmem:s29+$0x19D70];
	_ =	sdelay $0x6  }
0x64: {  	v1 =	vld.idx.msk [tilespmem:v1+s15+$0x0], $0xffff  }
0x65: {  	v2 =	vld.idx.msk [tilespmem:v2+s17+$0x0], $0xffff;
	_ =	sdelay $0x4  }
0x66: {  	v1 =	vadd.f32 v2, v1;
	_ =	sdelay $0x1  }
0x67: {  	v2 =	vmul.f32 $2.000000030e-01, v1;
	_ =	sdelay $0x1  }
0x68: {  	v1 =	vmax.f32 v1, v2  }
0x69: {  	v1 =	vmul.f32 $1.442695020e+00, v1;
	_ =	sdelay $0x1  }
0x6a: {  	(erf) = vpow2.f32 v1;
	_ =	sdelay $0x8  }
0x6b: {  	v1 =	vpop (erf)  }
0x6c: {  	[tilespmem:$0x1C290] =	vst v1  }
0x6d: {  	v1 =	vld [tilespmem:s29+$0x19180]  }
0x6e: {  	v2 =	vld [tilespmem:s29+$0x19D80];
	_ =	sdelay $0x6  }
0x6f: {  	v1 =	vld.idx.msk [tilespmem:v1+s15+$0x0], $0xffff  }
0x70: {  	v2 =	vld.idx.msk [tilespmem:v2+s17+$0x0], $0xffff;
	_ =	sdelay $0x4  }
0x71: {  	v1 =	vadd.f32 v2, v1;
	_ =	sdelay $0x1  }
0x72: {  	v2 =	vmul.f32 $2.000000030e-01, v1;
	_ =	sdelay $0x1  }
0x73: {  	v1 =	vmax.f32 v1, v2  }
0x74: {  	v1 =	vmul.f32 $1.442695020e+00, v1;
	_ =	sdelay $0x1  }
0x75: {  	(erf) = vpow2.f32 v1;
	_ =	sdelay $0x8  }
0x76: {  	v1 =	vpop (erf)  }
0x77: {  	[tilespmem:$0x1C2A0] =	vst v1  }
0x78: {  	v1 =	vld [tilespmem:s29+$0x191E0]  }
0x79: {  	v2 =	vld [tilespmem:s29+$0x19DE0];
	_ =	sdelay $0x6  }
0x7a: {  	v1 =	vld.idx.msk [tilespmem:v1+s15+$0x0], $0xffff  }
0x7b: {  	v2 =	vld.idx.msk [tilespmem:v2+s17+$0x0], $0xffff;
	_ =	sdelay $0x4  }
0x7c: {  	v1 =	vadd.f32 v2, v1;
	_ =	sdelay $0x1  }
0x7d: {  	v2 =	vmul.f32 $2.000000030e-01, v1;
	_ =	sdelay $0x1  }
0x7e: {  	v1 =	vmax.f32 v1, v2  }
0x7f: {  	v1 =	vmul.f32 $1.442695020e+00, v1;
	_ =	sdelay $0x1  }
0x80: {  	(erf) = vpow2.f32 v1;
	_ =	sdelay $0x8  }
0x81: {  	v1 =	vpop (erf)  }
0x82: {  	[tilespmem:$0x1C300] =	vst v1  }
0x83: {  	v1 =	vld [tilespmem:s29+$0x191F0]  }
0x84: {  	v2 =	vld [tilespmem:s29+$0x19DF0];
	_ =	sdelay $0x6  }
0x85: {  	v1 =	vld.idx.msk [tilespmem:v1+s15+$0x0], $0xffff  }
0x86: {  	v2 =	vld.idx.msk [tilespmem:v2+s17+$0x0], $0xffff;
	_ =	sdelay $0x4  }
0x87: {  	v1 =	vadd.f32 v2, v1;
	_ =	sdelay $0x1  }
0x88: {  	v2 =	vmul.f32 $2.000000030e-01, v1;
	_ =	sdelay $0x1  }
0x89: {  	v1 =	vmax.f32 v1, v2  }
0x8a: {  	v1 =	vmul.f32 $1.442695020e+00, v1;
	_ =	sdelay $0x1  }
0x8b: {  	(erf) = vpow2.f32 v1;
	_ =	sdelay $0x8  }
0x8c: {  	v1 =	vpop (erf)  }
0x8d: {  	[tilespmem:$0x1C310] =	vst v1  }
0x8e: {  	v1 =	vld [tilespmem:s29+$0x19200]  }
0x8f: {  	v2 =	vld [tilespmem:s29+$0x19E00];
	_ =	sdelay $0x6  }
0x90: {  	v1 =	vld.idx.msk [tilespmem:v1+s15+$0x0], $0xffff  }
0x91: {  	v2 =	vld.idx.msk [tilespmem:v2+s17+$0x0], $0xffff;
	_ =	sdelay $0x4  }
0x92: {  	v1 =	vadd.f32 v2, v1;
	_ =	sdelay $0x1  }
0x93: {  	v2 =	vmul.f32 $2.000000030e-01, v1;
	_ =	sdelay $0x1  }
0x94: {  	v1 =	vmax.f32 v1, v2  }
0x95: {  	v1 =	vmul.f32 $1.442695020e+00, v1;
	_ =	sdelay $0x1  }
0x96: {  	(erf) = vpow2.f32 v1;
	_ =	sdelay $0x8  }
0x97: {  	v1 =	vpop (erf)  }
0x98: {  	[tilespmem:$0x1C320] =	vst v1  }
0x99: {  	v1 =	vld [tilespmem:s29+$0x19260]  }
0x9a: {  	v2 =	vld [tilespmem:s29+$0x19E60];
	_ =	sdelay $0x6  }
0x9b: {  	v1 =	vld.idx.msk [tilespmem:v1+s15+$0x0], $0xffff  }
0x9c: {  	v2 =	vld.idx.msk [tilespmem:v2+s17+$0x0], $0xffff;
	_ =	sdelay $0x4  }
0x9d: {  	v1 =	vadd.f32 v2, v1;
	_ =	sdelay $0x1  }
0x9e: {  	v2 =	vmul.f32 $2.000000030e-01, v1;
	_ =	sdelay $0x1  }
0x9f: {  	v1 =	vmax.f32 v1, v2  }
0xa0: {  	v1 =	vmul.f32 $1.442695020e+00, v1;
	_ =	sdelay $0x1  }
0xa1: {  	(erf) = vpow2.f32 v1;
	_ =	sdelay $0x8  }
0xa2: {  	v1 =	vpop (erf)  }
0xa3: {  	[tilespmem:$0x1C380] =	vst v1  }
0xa4: {  	v1 =	vld [tilespmem:s29+$0x19270]  }
0xa5: {  	v2 =	vld [tilespmem:s29+$0x19E70];
	_ =	sdelay $0x6  }
0xa6: {  	v1 =	vld.idx.msk [tilespmem:v1+s15+$0x0], $0xffff  }
0xa7: {  	v2 =	vld.idx.msk [tilespmem:v2+s17+$0x0], $0xffff;
	_ =	sdelay $0x4  }
0xa8: {  	v1 =	vadd.f32 v2, v1;
	_ =	sdelay $0x1  }
0xa9: {  	v2 =	vmul.f32 $2.000000030e-01, v1;
	_ =	sdelay $0x1  }
0xaa: {  	v1 =	vmax.f32 v1, v2  }
0xab: {  	v1 =	vmul.f32 $1.442695020e+00, v1;
	_ =	sdelay $0x1  }
0xac: {  	(erf) = vpow2.f32 v1;
	_ =	sdelay $0x8  }
0xad: {  	v1 =	vpop (erf)  }
0xae: {  	[tilespmem:$0x1C390] =	vst v1  }
0xaf: {  	v1 =	vld [tilespmem:s29+$0x19280]  }
0xb0: {  	v2 =	vld [tilespmem:s29+$0x19E80];
	_ =	sdelay $0x6  }
0xb1: {  	v1 =	vld.idx.msk [tilespmem:v1+s15+$0x0], $0xffff  }
0xb2: {  	v2 =	vld.idx.msk [tilespmem:v2+s17+$0x0], $0xffff;
	_ =	sdelay $0x4  }
0xb3: {  	v1 =	vadd.f32 v2, v1;
	_ =	sdelay $0x1  }
0xb4: {  	v2 =	vmul.f32 $2.000000030e-01, v1;
	_ =	sdelay $0x1  }
0xb5: {  	v1 =	vmax.f32 v1, v2  }
0xb6: {  	v1 =	vmul.f32 $1.442695020e+00, v1;
	_ =	sdelay $0x1  }
0xb7: {  	(erf) = vpow2.f32 v1;
	_ =	sdelay $0x4  }
0xb8: {  	p0 =	sne.s32 s28, $0x2E80  }
.Ltmp2:
0xb9: {  	_ = 	snop;
	(pc) =	sbr.rel @p0 .LBB2_7-.Ltmp2, $3  }
0xba: {  	_ =	sdelay $0x1  }
0xbb: {  	v1 =	vpop (erf)  }
0xbc: {  	s28 =	sadd.s32 $0x600, s28;
	[tilespmem:$0x1C3A0] =	vst v1  }
0xbd: {  	s26 =	sadd.s32 $0x1, s26  }
0xbe: {  	p0 =	sne.s32 s26, $0x9  }
.Ltmp3:
0xbf: {  	_ = 	snop;
	(pc) =	sbr.rel @p0 .LBB2_6-.Ltmp3, $1  }
0xc0: {  	_ =	sdelay $0x3  }
0xc1: {  	s26 =	sshll.u32 s2, $0x6  }
0xc2: {  	[bflag:$0x0] =	sbarrier.arrive $0xFFFF;
	s28 =	sshrl.u32 s11, $0x3;
	s26 =	sor.u32 $0x1C01, s26  }
0xc3: {  	[hbm:s10], [sflag:s26] =	dma.local [spmem:s28], $0x2800  }
0xc4: {  	s25 =	sadd.s32 $0x1, s25;
	_ =	swait.ge [sflag:s16], $0x2800  }
0xc5: {  	p0 =	sne.s32 s25, s13;
	[sflag:s16] =	ssyncset.done $0x0  }
.Ltmp4:
0xc6: {  	[sflag:s16] =	ssyncadd.s32 $0xFFFFD800;
	(pc) =	sbr.rel @p0 .LBB2_1-.Ltmp4, $4  }
0xc7: {  	[hbm:s12@s23], [sflag:s26] =	dma.strided [spmem:s22@s24], $0x50, s16, $0x10   }
0xc8: {  	_ =	swait.ge [sflag:s16], $0x50  }
0xc9: {  	[sflag:s16] =	ssyncset.done $0x0  }
0xca: {  	[sflag:s16] =	ssyncadd.s32 $0xFFFFFFB0  }
0xcb: {  	_ =	sfence.sel $0x180000  }
0xcc: {  	[bflag:$0x0] =	sbarrier.arrive $0xFFFF  }
0xcd: {  	p0 =	sne.s32 s2, $0x0;
	_ =	strace $0x9000004A  }
0xce: {  	s0 =	sadd.s32 @!p0 $0x100000, s0;
	[bflag:$0x2] =	sbarrier.arrive $0xFFFF  }
0xcf: {  	[sflag:s0] =	ssyncadd.tile.s32 @!p0 $0x1;
	_ =	shalt  }
.Lfunc_end2:
_tile_overlayer_lowered:
.L_overlay_start_2:
0xd0: {  	(tag) =	ssettag $0x2  }
0xd1: {  	s0 =	rddreg [dreg:$0x0];
	s2 =	stileid.u32  }
0xd2: {  	s1 =	rddreg [dreg:$0x1];
	p0 =	sne.s32 s2, $0x0  }
0xd3: {  	s3 =	rddreg [dreg:$0x2];
	[bflag:$0x3] =	sbarrier.arrive $0xFFFF;
	s2 =	simm.s32 @!p0 $0x1C01  }
0xd4: {  	[timem:s3], [sflag:s2] =	dma.local @!p0 [hbm:s0], s1  }
0xd5: {  	s0 =	simm.s32 @!p0 $0x1  }
0xd6: {  	_ =	swait.ge @!p0 [sflag:s0], s1  }
0xd7: {  	s1 =	ssub.s32 @!p0 $0x0, s1;
	[sflag:s0] =	ssyncset.done @!p0 $0x0  }
0xd8: {  	[sflag:s0] =	ssyncadd.s32 @!p0 s1  }
0xd9: {  	[bflag:$0x3] =	sbarrier.arrive $0xFFFF  }
0xda: {  	_ =	shalt  }

// kernel: kernel.15.cloned.1.call-start
scs
__scs_entry_jumppad:
0x0: {  	(pc) =	sbr.rel $0x88, $3  }
0x1: {  	(tag) =	ssettag $0x0;
	lr =	simm.s32 $0x1  }
0x2: {  	[smem:$0x3F93] =	sst lr;
	_ =	strace $0xD0000000  }
0x3: {  	_ = 	snop  }
0x4: {  	_ = 	snop  }
0x5: {  	_ = 	snop  }
0x6: {  	_ = 	snop  }
0x7: {  	_ = 	snop  }
__scs_overlays_trampoline_lowered:
0x8: {  	[smem:$0x3FA2] =	sst s0  }
0x9: {  	[smem:$0x3FA3] =	sst s1  }
0xa: {  	[smem:$0x3FA4] =	sst s2  }
0xb: {  	[smem:$0x3FA5] =	sst s3  }
0xc: {  	[smem:$0x3FA6] =	sst s4  }
0xd: {  	[smem:$0x3FA7] =	sst s5  }
0xe: {  	[smem:$0x3FA8] =	sst s6  }
0xf: {  	[smem:$0x3FA9] =	sst s7  }
0x10: {  	[smem:$0x3FAA] =	sst s8  }
0x11: {  	[smem:$0x3FAB] =	sst s9;
	s0 =	simm.s32 @!p0 $0x0  }
0x12: {  	s1 =	sld [smem:$0x3F91];
	s0 =	simm.s32 @p0 $0x1  }
0x13: {  	[smem:$0x3FAC] =	sst s0;
	s0 =	simm.s32 @!p1 $0x0  }
0x14: {  	s2 =	sld [smem:$0x3F90];
	s0 =	simm.s32 @p1 $0x1  }
0x15: {  	[smem:$0x3FAD] =	sst s0;
	s0 =	simm.s32 @!p2 $0x0  }
0x16: {  	s3 =	sld [smem:$0x3FDB];
	s0 =	simm.s32 @p2 $0x1  }
0x17: {  	s4 =	simm.s32 $0x1BF5;
	[smem:$0x3FAF] =	sst s0  }
0x18: {  	s0 =	sld [smem:$0x3F92];
	_ =	swait.ge [sflag:s4], $0x0  }
0x19: {  	s7 =	sld [smem:$0x3F93]  }
0x1a: {  	s8 =	sadd.s32 $0xFFFFE003, lr  }
0x1b: {  	s9 =	sadd.s32 $0xFFFFFEF7, lr;
	s5 =	simm.s32 $0xFFFFFFFF;
	p2 =	slt.u32 s8, $0xFFFFF086  }
0x1c: {  	p1 =	slt.u32 s9, $0xF7A;
	s5 =	simm.s32 @!p2 $0x0  }
0x1d: {  	s5 =	simm.s32 @p1 $0x1;
	p0 =	seq.s32 s7, s2  }
0x1e: {  	s7 =	smul.u32 @!p0 $0xF7A, s2;
	p2 =	seq.s32 @!p0 s5, $0x0  }
0x1f: {  	s9 =	smul.u32 $0xF7A, s1;
	s8 =	simm.s32 @!p0 $0x1BF5;
	p2 =	por !p2, p0  }
0x20: {  	[sflag:s8] =	ssyncset.s32 @!p0 $0xFFFFF086;
	s6 =	sadd.s32 @!p0 s3, s7;
	s7 =	simm.s32 @!p0 $0x108  }
0x21: {  	s3 =	sadd.s32 s3, s9;
	s6 =	sadd.s32 @!p0 $0x88, s6;
	s7 =	simm.s32 @p2 $0x1082  }
0x22: {  	[simem:s7], [sflag:s8] =	dma.local @!p0 [hbm:s6], $0xF7A  }
0x23: {  	s9 =	sor.u32 $0xD0000000, s2;
	s6 =	simm.s32 $0x108;
	_ =	swait.ge @!p0 [sflag:s8], $0x0  }
0x24: {  	s3 =	sadd.s32 $0x88, s3;
	s6 =	simm.s32 @!p1 $0x1082;
	[sflag:s4] =	ssyncset.s32 $0xFFFFF086  }
0x25: {  	[simem:s6], [sflag:s4] =	dma.local [hbm:s3], $0xF7A  }
0x26: {  	[smem:$0x3F93] =	sst s1;
	(tag) =	ssettag s2;
	_ =	strace s9  }
0x27: {  	s1 =	sld [smem:$0x3FA3]  }
0x28: {  	s2 =	sld [smem:$0x3FA4]  }
0x29: {  	s4 =	sld [smem:$0x3FA6]  }
0x2a: {  	p0 =	seq.s32 s5, $0x0;
	s5 =	sld [smem:$0x3FA7]  }
0x2b: {  	s6 =	sld [smem:$0x3FA8]  }
0x2c: {  	s7 =	sld [smem:$0x3FA9]  }
0x2d: {  	s3 =	simm.s32 $0x108;
	s8 =	sld [smem:$0x3FAA]  }
0x2e: {  	s3 =	simm.s32 @!p0 $0x1082;
	s9 =	sld [smem:$0x3FAB]  }
0x2f: {  	lr =	sadd.s32 s0, s3;
	s0 =	sld [smem:$0x3FA2]  }
0x30: {  	s3 =	sld [smem:$0x3FA5]  }
0x31: {  	[smem:$0x3FAE] =	sst s10  }
0x32: {  	s10 =	sld [smem:$0x3FAC];
	_ =	sdelay $0x3  }
0x33: {  	p0 =	seq.s32 s10, $0x1;
	s10 =	sld [smem:$0x3FAE];
	_ =	sdelay $0x3  }
0x34: {  	[smem:$0x3FAE] =	sst s10  }
0x35: {  	s10 =	sld [smem:$0x3FAD];
	_ =	sdelay $0x3  }
0x36: {  	p1 =	seq.s32 s10, $0x1;
	s10 =	sld [smem:$0x3FAE];
	_ =	sdelay $0x3  }
0x37: {  	[smem:$0x3FAE] =	sst s10  }
0x38: {  	s10 =	sld [smem:$0x3FAF]  }
0x39: {  	_ = 	snop;
	(pc) =	sbr.ind lr, $3  }
0x3a: {  	_ = 	snop  }
0x3b: {  	_ = 	snop  }
0x3c: {  	p2 =	seq.s32 s10, $0x1;
	s10 =	sld [smem:$0x3FAE]  }
0x3d: {  	_ =	shalt  }
0x3e: {  	_ =	shalt  }
0x3f: {  	_ =	shalt  }
0x40: {  	_ =	shalt  }
0x41: {  	_ =	shalt  }
0x42: {  	_ =	shalt  }
0x43: {  	_ =	shalt  }
0x44: {  	_ =	shalt  }
0x45: {  	_ =	shalt  }
0x46: {  	_ =	shalt  }
0x47: {  	_ =	shalt  }
0x48: {  	_ =	shalt  }
0x49: {  	_ =	shalt  }
0x4a: {  	_ =	shalt  }
0x4b: {  	_ =	shalt  }
0x4c: {  	_ =	shalt  }
0x4d: {  	_ =	shalt  }
0x4e: {  	_ =	shalt  }
0x4f: {  	_ =	shalt  }
0x50: {  	_ =	shalt  }
0x51: {  	_ =	shalt  }
0x52: {  	_ =	shalt  }
0x53: {  	_ =	shalt  }
0x54: {  	_ =	shalt  }
0x55: {  	_ =	shalt  }
0x56: {  	_ =	shalt  }
0x57: {  	_ =	shalt  }
0x58: {  	_ =	shalt  }
0x59: {  	_ =	shalt  }
0x5a: {  	_ =	shalt  }
0x5b: {  	_ =	shalt  }
0x5c: {  	_ =	shalt  }
0x5d: {  	_ =	shalt  }
0x5e: {  	_ =	shalt  }
0x5f: {  	_ =	shalt  }
0x60: {  	_ =	shalt  }
0x61: {  	_ =	shalt  }
0x62: {  	_ =	shalt  }
0x63: {  	_ =	shalt  }
0x64: {  	_ =	shalt  }
0x65: {  	_ =	shalt  }
0x66: {  	_ =	shalt  }
0x67: {  	_ =	shalt  }
0x68: {  	_ =	shalt  }
0x69: {  	_ =	shalt  }
0x6a: {  	_ =	shalt  }
0x6b: {  	_ =	shalt  }
0x6c: {  	_ =	shalt  }
0x6d: {  	_ =	shalt  }
0x6e: {  	_ =	shalt  }
0x6f: {  	_ =	shalt  }
0x70: {  	_ =	shalt  }
0x71: {  	_ =	shalt  }
0x72: {  	_ =	shalt  }
0x73: {  	_ =	shalt  }
0x74: {  	_ =	shalt  }
0x75: {  	_ =	shalt  }
0x76: {  	_ =	shalt  }
0x77: {  	_ =	shalt  }
0x78: {  	_ =	shalt  }
0x79: {  	_ =	shalt  }
0x7a: {  	_ =	shalt  }
0x7b: {  	_ =	shalt  }
0x7c: {  	_ =	shalt  }
0x7d: {  	_ =	shalt  }
0x7e: {  	_ =	shalt  }
0x7f: {  	_ =	shalt  }
0x80: {  	_ =	shalt  }
0x81: {  	_ =	shalt  }
0x82: {  	_ =	shalt  }
0x83: {  	_ =	shalt  }
0x84: {  	_ =	shalt  }
0x85: {  	_ =	shalt  }
0x86: {  	_ =	shalt  }
0x87: {  	_ =	shalt  }
.Lfunc_end0:
.L_simem_size_0:
called_computation.2_lowered:
.L_overlay_start_0:
0x88: {  	s2 =	sld [smem:$0x3FD9]  }
0x89: {  	s3 =	sld [smem:$0x3FFE];
	_ =	sdelay $0x1  }
0x8a: {  	s1 =	srdreg.scid  }
0x8b: {  	s0 =	sand.u32 $0x1, s1  }
0x8c: {  	s17 =	sshll.u32 s0, $0xA;
	s2 =	sadd.s32 s3, s2  }
0x8d: {  	s2 =	sadd.s32 s2, s17  }
0x8e: {  	[smem:$0x3FBA] =	sst s2  }
0x8f: {  	_ = 	snop  }
0x90: {  	s2 =	sld [smem:$0x3FD0];
	(tm) =	ssettm $0x1  }
0x91: {  	s18 =	sld [smem:$0x3FFB];
	_ =	sdelay $0x3  }
0x92: {  	_ =	strace s18  }
0x93: {  	s3 =	sld [smem:$0x3FFC];
	_ =	sdelay $0x3  }
0x94: {  	_ =	strace s3  }
0x95: {  	s3 =	sld [smem:$0x3FFD];
	_ =	sdelay $0x3  }
0x96: {  	_ =	strace s3  }
0x97: {  	_ =	strace $0x8FFFFFFF  }
0x98: {  	s19 =	sld [smem:$0x3FDB];
	_ =	sdelay $0x1  }
0x99: {  	s4 =	simm.s32 $_scs_section_size  }
0x9a: {  	s5 =	simm.s32 $_size__tile_overlayer_lowered;
	s6 =	simm.s32 $_tile_overlayer_lowered  }
0x9b: {  	s22 =	simm.s32 $0x1BFF;
	s21 =	sshll.u32 s6, $0x1;
	s3 =	sadd.s32 s4, s19  }
0x9c: {  	s7 =	simm.s32 $0x0;
	s20 =	sshll.u32 s5, $0x1;
	s5 =	sadd.s32 s21, s3  }
0x9d: {  	[timem:s7], [sflag:s22] =	dma.local [hbm:s5], s20  }
0x9e: {  	_ =	swait.ge [sflag:s22], s20  }
0x9f: {  	s4 =	ssub.s32 $0x0, s20;
	[sflag:s22] =	ssyncset.done $0x0  }
0xa0: {  	[sflag:s22] =	ssyncadd.s32 s4;
	_ =	sdelay $0x1  }
0xa1: {  	s23 =	simm.s32 $0x1B8B  }
0xa2: {  	_ =	swait.ge [sflag:s23], $0x1  }
0xa3: {  	[sflag:s23] =	ssyncset.done $0x0  }
0xa4: {  	s25 =	simm.s32 $0x1B8E;
	s24 =	sld [smem:$0x3FFE];
	[sflag:s23] =	ssyncadd.s32 $0xFFFFFFFF  }
0xa5: {  	s26 =	simm.s32 $execute0_lowered;
	[smem:$0x3FD2] =	sst s25  }
0xa6: {  	s5 =	sshll.u32 s26, $0x1;
	_ =	strace $0x8000004C;
	[dreg:$0x1] =	wrdreg $0xFFFFFFFF  }
0xa7: {  	s28 =	simm.s32 $_size_execute0_lowered;
	s3 =	sadd.s32 s3, s5;
	[dreg:$0x0] =	wrdreg $0x0  }
0xa8: {  	s5 =	sshll.u32 s28, $0x1;
	[dreg:$0x2] =	wrdreg s3  }
0xa9: {  	[dreg:$0x3] =	wrdreg s5  }
0xaa: {  	[dreg:$0x4] =	wrdreg $0xC0  }
0xab: {  	_ =	task [dreg:s7], $0x5FFFF  }
0xac: {  	[dreg:$0x1] =	wrdreg $0xFFFFFFFF  }
0xad: {  	[dreg:$0x0] =	wrdreg $0x60  }
0xae: {  	[dreg:$0x2] =	wrdreg s24  }
0xaf: {  	[dreg:$0x3] =	wrdreg s2  }
0xb0: {  	[dreg:$0x4] =	wrdreg $0x0  }
0xb1: {  	[dreg:$0x5] =	wrdreg $0x140000  }
0xb2: {  	[dreg:$0x6] =	wrdreg $0x9  }
0xb3: {  	_ =	task.clear_ibuf [dreg:s7], $0x7FFFF;
	_ =	strace $0x9000004C  }
0xb4: {  	s29 =	simm.s32 $0x9;
	_ =	strace $0x8000004E  }
0xb5: {  	_ =	swait.ge [sflag:s29], $0x1  }
0xb6: {  	[sflag:s29] =	ssyncadd.s32 $0xFFFFFFFF  }
0xb7: {  	_ =	strace $0x9000004E  }
0xb8: {  	_ =	sfence  }
0xb9: {  	s30 =	sld [smem:$0x0];
	_ =	sdelay $0x2  }
0xba: {  	s31 =	sshll.u32 s1, $0xD;
	s1 =	sshrl.u32 s1, $0x2  }
0xbb: {  	s3 =	sand.u32 $0x4000, s31;
	s1 =	sadd.s32 s1, s30  }
0xbc: {  	s0 =	sor.u32 s3, s0;
	s1 =	sshll.u32 s1, $0x11  }
0xbd: {  	s0 =	sor.u32 s1, s0  }
0xbe: {  	s0 =	sadd.s32 $0x8F2B, s0  }
0xbf: {  	[sflag:s0] =	ssyncadd.remote.s32 $0x1  }
0xc0: {  	_ =	sfence.sel $0xFFFF  }
0xc1: {  	[dreg:$0x0] =	wrdreg $0xFFFFFFFF;
	(pc) =	sbr.abs _section_cstart, $3  }
0xc2: {  	[dreg:$0x1] =	wrdreg $0xFFFFFFFF  }
0xc3: {  	_ =	task.clear_ibuf [dreg:s7], $0x2FFFF;
	_ =	strace $0x9FFFFFFF  }
0xc4: {  	(tm) =	ssettm $0x7FFFFFFF  }
0xc5: {  	_ =	shalt  }
tec
execute0_lowered:
.L_overlay_start_1:
0x0: {  	(tag) =	ssettag $0x1  }
0x1: {  	s7 =	rddreg [dreg:$0x0]  }
0x2: {  	s1 =	rddreg [dreg:$0x1]  }
0x3: {  	s11 =	rddreg [dreg:$0x2]  }
0x4: {  	s14 =	rddreg [dreg:$0x3];
	s2 =	srdreg.scid  }
0x5: {  	s0 =	rddreg [dreg:$0x4];
	s3 =	simm.s32 $0x0;
	s8 =	sand.u32 $0x1, s2  }
0x6: {  	s19 =	simm.s32 $0x1C280;
	s2 =	stileid.u32;
	s9 =	smul.u32 $0x140000, s8  }
0x7: {  	s20 =	simm.s32 $0x19280;
	[smem:$0x7FF] =	sst s3;
	s10 =	smul.u32 $0x14000, s2  }
0x8: {  	s4 =	sadd.s32 $0x44800, s7;
	s5 =	sadd.s32 $0x44E00, s7;
	s12 =	smul.u32 $0x500, s2  }
0x9: {  	s6 =	sadd.s32 $0x1800, s7;
	_ =	strace $0x8000004D;
	s22 =	smul.u32 $0x280, s2  }
0xa: {  	s13 =	sshll.u32 s8, $0x7;
	s24 =	ssub.s32 $0x2, s8;
	s17 =	smul.u32 $0x50000, s2  }
0xb: {  	s26 =	sshll.u32 s2, $0x1;
	s30 =	smul.u32 $0xA00, s2;
	s25 =	sshrl.u32 s24, $0x1  }
0xc: {  	s8 =	sor.u32 s8, s26;
	s9 =	sadd.s32 s10, s9;
	s21 =	sor.u32 s13, s12  }
0xd: {  	s16 =	sadd.s32 $0x270, s22;
	s18 =	ssub.s32 s24, s25;
	s8 =	smul.u32 $0x6C00, s8  }
0xe: {  	s29 =	sshrl.u32 s17, $0x2;
	s22 =	sadd.s32 s22, s14;
	s31 =	sshrl.u32 s30, $0x2  }
0xf: {  	s17 =	simm.s32 $0x16A80;
	s24 =	simm.s32 $0x10;
	s25 =	simm.s32 $0x0  }
0x10: {  	s9 =	sshrl.u32 s9, $0x3;
	s10 =	sshrl.u32 s21, $0x3;
	s28 =	sshll.u32 s16, $0x7  }
0x11: {  	s13 =	smax.u32 s18, $0x1;
	s18 =	simm.s32 $0x1AA80;
	s21 =	simm.s32 $0x19E80  }
0x12: {  	s22 =	sshrl.u32 s22, $0x3;
	s23 =	sadd.s32 s9, s7;
	s15 =	sadd.s32 s10, s7  }
0x13: {  	s7 =	sadd.s32 s28, s11;
	s9 =	sadd.s32 s16, s14;
	s11 =	sadd.s32 s29, s11  }
0x14: {  	s14 =	sadd.s32 s31, s14;
	s16 =	simm.s32 $0x1;
	s10 =	sadd.s32 $0x45E00, s23  }
0x15: {  	v0 =	vimm.f32 $0.0e+00;
	s12 =	sadd.s32 $0x45400, s15;
	s15 =	simm.s32 $0x14280;
	s23 =	simm.s32 $0x20  }
.LBB2_1:
0x16: {  	[tilespmem:s15], [sflag:$0x1] =	stream.linear.gather [hbm4b:s4+s3], $0x2800, $0x38;
	[tilespmem:$0x1C400] =	vst v63  }
0x17: {  	_ =	swait.ge [sflag:s16], $0x2800  }
0x18: {  	[sflag:s16] =	ssyncset.done $0x0  }
0x19: {  	[sflag:s16] =	ssyncadd.s32 $0xFFFFD800  }
0x1a: {  	[tilespmem:s17], [sflag:$0x1] =	stream.linear.gather [hbm4b:s5+s3], $0x2800, $0x38;
	[tilespmem:$0x1C400] =	vst v63  }
0x1b: {  	_ =	swait.ge [sflag:s16], $0x2800  }
0x1c: {  	[sflag:s16] =	ssyncset.done $0x0  }
0x1d: {  	s26 =	simm.s32 $0x0;
	s28 =	simm.s32 $0x200;
	[sflag:s16] =	ssyncadd.s32 $0xFFFFD800  }
.LBB2_2:
0x1e: {  	p0 =	sne.s32 s28, $0x5E00;
	[tilespmem:s26+$0x1AAF0] =	vst v0  }
0x1f: {  	[tilespmem:s26+$0x1AA80] =	vst v0  }
0x20: {  	[tilespmem:s26+$0x1AA90] =	vst v0  }
.Ltmp0:
0x21: {  	[tilespmem:s26+$0x1AAA0] =	vst v0;
	(pc) =	sbr.rel @p0 .LBB2_2-.Ltmp0, $4  }
0x22: {  	[tilespmem:s26+$0x1AAB0] =	vst v0  }
0x23: {  	[tilespmem:s26+$0x1AAC0] =	vst v0  }
0x24: {  	[tilespmem:s26+$0x1AAD0] =	vst v0  }
0x25: {  	[tilespmem:s26+$0x1AAE0] =	vst v0;
	s26 =	sshra.s32 s28, $0x2;
	s28 =	sadd.s32 $0x200, s28  }
0x26: {  	[tilespmem:s26+$0x1AAF0] =	vst v0  }
0x27: {  	[tilespmem:s26+$0x1AA80] =	vst v0  }
0x28: {  	[tilespmem:s26+$0x1AA90] =	vst v0  }
0x29: {  	[tilespmem:s26+$0x1AAA0] =	vst v0  }
0x2a: {  	[tilespmem:s26+$0x1AAB0] =	vst v0  }
0x2b: {  	[tilespmem:s26+$0x1AAC0] =	vst v0  }
0x2c: {  	[tilespmem:s26+$0x1AAD0] =	vst v0  }
0x2d: {  	[tilespmem:s26+$0x1AAE0] =	vst v0  }
0x2e: {  	[tilespmem:$0x1C280] =	vst v0  }
0x2f: {  	[tilespmem:$0x1C290] =	vst v0  }
0x30: {  	[tilespmem:$0x1C2A0] =	vst v0  }
0x31: {  	[spmem:s11] =	stream.linear.scatter [tilespmem:s18], [sflag:$0x1], $0x1800, $0x38;
	[tilespmem:$0x1C400] =	vst v63  }
0x32: {  	_ =	swait.ge [sflag:s16], $0x1800  }
0x33: {  	[sflag:s16] =	ssyncset.done $0x0  }
0x34: {  	s31 =	sadd.s32 $0x0, s14;
	[sflag:s16] =	ssyncadd.s32 $0xFFFFE800  }
0x35: {  	[spmem:s31] =	stream.linear.scatter [tilespmem:s19], [sflag:$0x1], $0x30, $0x38;
	[tilespmem:$0x1C400] =	vst v63  }
0x36: {  	_ =	swait.ge [sflag:s16], $0x30  }
0x37: {  	s26 =	simm.s32 $0xC0;
	s28 =	smov.u32 s11;
	[sflag:s16] =	ssyncset.done $0x0  }
.LBB2_4:
0x38: {  	p0 =	sne.s32 s26, $0x900;
	[sflag:s16] =	ssyncadd.s32 $0xFFFFFFD0;
	s28 =	sadd.s32 $0x1800, s28  }
0x39: {  	[spmem:s28] =	stream.linear.scatter [tilespmem:s18], [sflag:$0x1], $0x1800, $0x38;
	[tilespmem:$0x1C400] =	vst v63  }
0x3a: {  	s29 =	smov.u32 s26;
	s26 =	sadd.s32 $0xC0, s26;
	_ =	swait.ge [sflag:s16], $0x1800  }
.Ltmp1:
0x3b: {  	s29 =	sshra.s32 s29, $0x2;
	[sflag:s16] =	ssyncset.done $0x0;
	(pc) =	sbr.rel @p0 .LBB2_4-.Ltmp1, $4  }
0x3c: {  	s29 =	sadd.s32 s29, s14;
	[sflag:s16] =	ssyncadd.s32 $0xFFFFE800  }
0x3d: {  	[spmem:s29] =	stream.linear.scatter [tilespmem:s19], [sflag:$0x1], $0x30, $0x38;
	[tilespmem:$0x1C400] =	vst v63  }
0x3e: {  	_ =	swait.ge [sflag:s16], $0x30  }
0x3f: {  	[sflag:s16] =	ssyncset.done $0x0  }
0x40: {  	[sflag:s16] =	ssyncadd.s32 $0xFFFFFFD0  }
0x41: {  	[spmem:s7] =	stream.linear.scatter [tilespmem:s18], [sflag:$0x1], $0x800, $0x38;
	[tilespmem:$0x1C400] =	vst v63  }
0x42: {  	_ =	swait.ge [sflag:s16], $0x800  }
0x43: {  	[sflag:s16] =	ssyncset.done $0x0  }
0x44: {  	[sflag:s16] =	ssyncadd.s32 $0xFFFFF800  }
0x45: {  	[spmem:s9] =	stream.linear.scatter [tilespmem:s19], [sflag:$0x1], $0x10, $0x38;
	[tilespmem:$0x1C400] =	vst v63  }
0x46: {  	_ =	swait.ge [sflag:s16], $0x10  }
0x47: {  	[sflag:s16] =	ssyncset.done $0x0  }
0x48: {  	[sflag:s16] =	ssyncadd.s32 $0xFFFFFFF0  }
0x49: {  	s26 =	simm.s32 $0x0;
	[bflag:$0x0] =	sbarrier.arrive $0xFFFF  }
.LBB2_6:
0x4a: {  	s28 =	smul.u32 $0xC00, s26;
	_ =	sdelay $0x1  }
0x4b: {  	s28 =	sadd.s32 s8, s28  }
0x4c: {  	s28 =	sshrl.u32 s28, $0x3  }
0x4d: {  	s29 =	sadd.s32 s1, s28  }
0x4e: {  	[tilespmem:s20], [sflag:$0x1] =	stream.linear.gather [hbm4b:s29+s3], $0xC00, $0x38;
	[tilespmem:$0x1C400] =	vst v63  }
0x4f: {  	_ =	swait.ge [sflag:s16], $0xC00  }
0x50: {  	[sflag:s16] =	ssyncset.done $0x0  }
0x51: {  	s28 =	sadd.s32 s6, s28;
	[sflag:s16] =	ssyncadd.s32 $0xFFFFF400  }
0x52: {  	[tilespmem:s21], [sflag:$0x1] =	stream.linear.gather [hbm4b:s28+s3], $0xC00, $0x38;
	[tilespmem:$0x1C400] =	vst v63  }
0x53: {  	_ =	swait.ge [sflag:s16], $0xC00  }
0x54: {  	[sflag:s16] =	ssyncset.done $0x0  }
0x55: {  	s28 =	simm.s32 $0x480;
	[sflag:s16] =	ssyncadd.s32 $0xFFFFF400  }
.LBB2_7:
0x56: {  	s29 =	sshra.s32 s28, $0x2  }
0x57: {  	v1 =	vld [tilespmem:s29+$0x19160]  }
0x58: {  	v2 =	vld [tilespmem:s29+$0x19D60];
	_ =	sdelay $0x6  }
0x59: {  	v1 =	vld.idx.msk [tilespmem:v1+s15+$0x0], $0xffff  }
0x5a: {  	v2 =	vld.idx.msk [tilespmem:v2+s17+$0x0], $0xffff;
	_ =	sdelay $0x4  }
0x5b: {  	v1 =	vadd.f32 v2, v1;
	_ =	sdelay $0x1  }
0x5c: {  	v2 =	vmul.f32 $2.000000030e-01, v1;
	_ =	sdelay $0x1  }
0x5d: {  	v1 =	vmax.f32 v1, v2  }
0x5e: {  	v1 =	vmul.f32 $1.442695020e+00, v1;
	_ =	sdelay $0x1  }
0x5f: {  	(erf) = vpow2.f32 v1;
	_ =	sdelay $0x8  }
0x60: {  	v1 =	vpop (erf)  }
0x61: {  	[tilespmem:$0x1C280] =	vst v1  }
0x62: {  	v1 =	vld [tilespmem:s29+$0x19170]  }
0x63: {  	v2 =	vld [tilespmem:s29+$0x19D70];
	_ =	sdelay $0x6  }
0x64: {  	v1 =	vld.idx.msk [tilespmem:v1+s15+$0x0], $0xffff  }
0x65: {  	v2 =	vld.idx.msk [tilespmem:v2+s17+$0x0], $0xffff;
	_ =	sdelay $0x4  }
0x66: {  	v1 =	vadd.f32 v2, v1;
	_ =	sdelay $0x1  }
0x67: {  	v2 =	vmul.f32 $2.000000030e-01, v1;
	_ =	sdelay $0x1  }
0x68: {  	v1 =	vmax.f32 v1, v2  }
0x69: {  	v1 =	vmul.f32 $1.442695020e+00, v1;
	_ =	sdelay $0x1  }
0x6a: {  	(erf) = vpow2.f32 v1;
	_ =	sdelay $0x8  }
0x6b: {  	v1 =	vpop (erf)  }
0x6c: {  	[tilespmem:$0x1C290] =	vst v1  }
0x6d: {  	v1 =	vld [tilespmem:s29+$0x19180]  }
0x6e: {  	v2 =	vld [tilespmem:s29+$0x19D80];
	_ =	sdelay $0x6  }
0x6f: {  	v1 =	vld.idx.msk [tilespmem:v1+s15+$0x0], $0xffff  }
0x70: {  	v2 =	vld.idx.msk [tilespmem:v2+s17+$0x0], $0xffff;
	_ =	sdelay $0x4  }
0x71: {  	v1 =	vadd.f32 v2, v1;
	_ =	sdelay $0x1  }
0x72: {  	v2 =	vmul.f32 $2.000000030e-01, v1;
	_ =	sdelay $0x1  }
0x73: {  	v1 =	vmax.f32 v1, v2  }
0x74: {  	v1 =	vmul.f32 $1.442695020e+00, v1;
	_ =	sdelay $0x1  }
0x75: {  	(erf) = vpow2.f32 v1;
	_ =	sdelay $0x8  }
0x76: {  	v1 =	vpop (erf)  }
0x77: {  	[tilespmem:$0x1C2A0] =	vst v1  }
0x78: {  	v1 =	vld [tilespmem:s29+$0x191E0]  }
0x79: {  	v2 =	vld [tilespmem:s29+$0x19DE0];
	_ =	sdelay $0x6  }
0x7a: {  	v1 =	vld.idx.msk [tilespmem:v1+s15+$0x0], $0xffff  }
0x7b: {  	v2 =	vld.idx.msk [tilespmem:v2+s17+$0x0], $0xffff;
	_ =	sdelay $0x4  }
0x7c: {  	v1 =	vadd.f32 v2, v1;
	_ =	sdelay $0x1  }
0x7d: {  	v2 =	vmul.f32 $2.000000030e-01, v1;
	_ =	sdelay $0x1  }
0x7e: {  	v1 =	vmax.f32 v1, v2  }
0x7f: {  	v1 =	vmul.f32 $1.442695020e+00, v1;
	_ =	sdelay $0x1  }
0x80: {  	(erf) = vpow2.f32 v1;
	_ =	sdelay $0x8  }
0x81: {  	v1 =	vpop (erf)  }
0x82: {  	[tilespmem:$0x1C300] =	vst v1  }
0x83: {  	v1 =	vld [tilespmem:s29+$0x191F0]  }
0x84: {  	v2 =	vld [tilespmem:s29+$0x19DF0];
	_ =	sdelay $0x6  }
0x85: {  	v1 =	vld.idx.msk [tilespmem:v1+s15+$0x0], $0xffff  }
0x86: {  	v2 =	vld.idx.msk [tilespmem:v2+s17+$0x0], $0xffff;
	_ =	sdelay $0x4  }
0x87: {  	v1 =	vadd.f32 v2, v1;
	_ =	sdelay $0x1  }
0x88: {  	v2 =	vmul.f32 $2.000000030e-01, v1;
	_ =	sdelay $0x1  }
0x89: {  	v1 =	vmax.f32 v1, v2  }
0x8a: {  	v1 =	vmul.f32 $1.442695020e+00, v1;
	_ =	sdelay $0x1  }
0x8b: {  	(erf) = vpow2.f32 v1;
	_ =	sdelay $0x8  }
0x8c: {  	v1 =	vpop (erf)  }
0x8d: {  	[tilespmem:$0x1C310] =	vst v1  }
0x8e: {  	v1 =	vld [tilespmem:s29+$0x19200]  }
0x8f: {  	v2 =	vld [tilespmem:s29+$0x19E00];
	_ =	sdelay $0x6  }
0x90: {  	v1 =	vld.idx.msk [tilespmem:v1+s15+$0x0], $0xffff  }
0x91: {  	v2 =	vld.idx.msk [tilespmem:v2+s17+$0x0], $0xffff;
	_ =	sdelay $0x4  }
0x92: {  	v1 =	vadd.f32 v2, v1;
	_ =	sdelay $0x1  }
0x93: {  	v2 =	vmul.f32 $2.000000030e-01, v1;
	_ =	sdelay $0x1  }
0x94: {  	v1 =	vmax.f32 v1, v2  }
0x95: {  	v1 =	vmul.f32 $1.442695020e+00, v1;
	_ =	sdelay $0x1  }
0x96: {  	(erf) = vpow2.f32 v1;
	_ =	sdelay $0x8  }
0x97: {  	v1 =	vpop (erf)  }
0x98: {  	[tilespmem:$0x1C320] =	vst v1  }
0x99: {  	v1 =	vld [tilespmem:s29+$0x19260]  }
0x9a: {  	v2 =	vld [tilespmem:s29+$0x19E60];
	_ =	sdelay $0x6  }
0x9b: {  	v1 =	vld.idx.msk [tilespmem:v1+s15+$0x0], $0xffff  }
0x9c: {  	v2 =	vld.idx.msk [tilespmem:v2+s17+$0x0], $0xffff;
	_ =	sdelay $0x4  }
0x9d: {  	v1 =	vadd.f32 v2, v1;
	_ =	sdelay $0x1  }
0x9e: {  	v2 =	vmul.f32 $2.000000030e-01, v1;
	_ =	sdelay $0x1  }
0x9f: {  	v1 =	vmax.f32 v1, v2  }
0xa0: {  	v1 =	vmul.f32 $1.442695020e+00, v1;
	_ =	sdelay $0x1  }
0xa1: {  	(erf) = vpow2.f32 v1;
	_ =	sdelay $0x8  }
0xa2: {  	v1 =	vpop (erf)  }
0xa3: {  	[tilespmem:$0x1C380] =	vst v1  }
0xa4: {  	v1 =	vld [tilespmem:s29+$0x19270]  }
0xa5: {  	v2 =	vld [tilespmem:s29+$0x19E70];
	_ =	sdelay $0x6  }
0xa6: {  	v1 =	vld.idx.msk [tilespmem:v1+s15+$0x0], $0xffff  }
0xa7: {  	v2 =	vld.idx.msk [tilespmem:v2+s17+$0x0], $0xffff;
	_ =	sdelay $0x4  }
0xa8: {  	v1 =	vadd.f32 v2, v1;
	_ =	sdelay $0x1  }
0xa9: {  	v2 =	vmul.f32 $2.000000030e-01, v1;
	_ =	sdelay $0x1  }
0xaa: {  	v1 =	vmax.f32 v1, v2  }
0xab: {  	v1 =	vmul.f32 $1.442695020e+00, v1;
	_ =	sdelay $0x1  }
0xac: {  	(erf) = vpow2.f32 v1;
	_ =	sdelay $0x8  }
0xad: {  	v1 =	vpop (erf)  }
0xae: {  	[tilespmem:$0x1C390] =	vst v1  }
0xaf: {  	v1 =	vld [tilespmem:s29+$0x19280]  }
0xb0: {  	v2 =	vld [tilespmem:s29+$0x19E80];
	_ =	sdelay $0x6  }
0xb1: {  	v1 =	vld.idx.msk [tilespmem:v1+s15+$0x0], $0xffff  }
0xb2: {  	v2 =	vld.idx.msk [tilespmem:v2+s17+$0x0], $0xffff;
	_ =	sdelay $0x4  }
0xb3: {  	v1 =	vadd.f32 v2, v1;
	_ =	sdelay $0x1  }
0xb4: {  	v2 =	vmul.f32 $2.000000030e-01, v1;
	_ =	sdelay $0x1  }
0xb5: {  	v1 =	vmax.f32 v1, v2  }
0xb6: {  	v1 =	vmul.f32 $1.442695020e+00, v1;
	_ =	sdelay $0x1  }
0xb7: {  	(erf) = vpow2.f32 v1;
	_ =	sdelay $0x4  }
0xb8: {  	p0 =	sne.s32 s28, $0x2E80  }
.Ltmp2:
0xb9: {  	_ = 	snop;
	(pc) =	sbr.rel @p0 .LBB2_7-.Ltmp2, $3  }
0xba: {  	_ =	sdelay $0x1  }
0xbb: {  	v1 =	vpop (erf)  }
0xbc: {  	s28 =	sadd.s32 $0x600, s28;
	[tilespmem:$0x1C3A0] =	vst v1  }
0xbd: {  	s26 =	sadd.s32 $0x1, s26  }
0xbe: {  	p0 =	sne.s32 s26, $0x9  }
.Ltmp3:
0xbf: {  	_ = 	snop;
	(pc) =	sbr.rel @p0 .LBB2_6-.Ltmp3, $1  }
0xc0: {  	_ =	sdelay $0x3  }
0xc1: {  	s26 =	sshll.u32 s2, $0x6  }
0xc2: {  	[bflag:$0x0] =	sbarrier.arrive $0xFFFF;
	s28 =	sshrl.u32 s11, $0x3;
	s26 =	sor.u32 $0x1C01, s26  }
0xc3: {  	[hbm:s10], [sflag:s26] =	dma.local [spmem:s28], $0x2800  }
0xc4: {  	s25 =	sadd.s32 $0x1, s25;
	_ =	swait.ge [sflag:s16], $0x2800  }
0xc5: {  	p0 =	sne.s32 s25, s13;
	[sflag:s16] =	ssyncset.done $0x0  }
.Ltmp4:
0xc6: {  	[sflag:s16] =	ssyncadd.s32 $0xFFFFD800;
	(pc) =	sbr.rel @p0 .LBB2_1-.Ltmp4, $4  }
0xc7: {  	[hbm:s12@s23], [sflag:s26] =	dma.strided [spmem:s22@s24], $0x50, s16, $0x10   }
0xc8: {  	_ =	swait.ge [sflag:s16], $0x50  }
0xc9: {  	[sflag:s16] =	ssyncset.done $0x0  }
0xca: {  	[sflag:s16] =	ssyncadd.s32 $0xFFFFFFB0  }
0xcb: {  	_ =	sfence.sel $0x180000  }
0xcc: {  	[bflag:$0x0] =	sbarrier.arrive $0xFFFF  }
0xcd: {  	p0 =	sne.s32 s2, $0x0;
	_ =	strace $0x9000004D  }
0xce: {  	s0 =	sadd.s32 @!p0 $0x100000, s0;
	[bflag:$0x2] =	sbarrier.arrive $0xFFFF  }
0xcf: {  	[sflag:s0] =	ssyncadd.tile.s32 @!p0 $0x1;
	_ =	shalt  }
.Lfunc_end2:
_tile_overlayer_lowered:
.L_overlay_start_2:
0xd0: {  	(tag) =	ssettag $0x2  }
0xd1: {  	s0 =	rddreg [dreg:$0x0];
	s2 =	stileid.u32  }
0xd2: {  	s1 =	rddreg [dreg:$0x1];
	p0 =	sne.s32 s2, $0x0  }
0xd3: {  	s3 =	rddreg [dreg:$0x2];
	[bflag:$0x3] =	sbarrier.arrive $0xFFFF;
	s2 =	simm.s32 @!p0 $0x1C01  }
0xd4: {  	[timem:s3], [sflag:s2] =	dma.local @!p0 [hbm:s0], s1  }
0xd5: {  	s0 =	simm.s32 @!p0 $0x1  }
0xd6: {  	_ =	swait.ge @!p0 [sflag:s0], s1  }
0xd7: {  	s1 =	ssub.s32 @!p0 $0x0, s1;
	[sflag:s0] =	ssyncset.done @!p0 $0x0  }
0xd8: {  	[sflag:s0] =	ssyncadd.s32 @!p0 s1  }
0xd9: {  	[bflag:$0x3] =	sbarrier.arrive $0xFFFF  }
0xda: {  	_ =	shalt  }

// kernel: kernel.9.cloned.1.call-start
scs
__scs_entry_jumppad:
0x0: {  	(pc) =	sbr.rel $0x88, $3  }
0x1: {  	(tag) =	ssettag $0x0;
	lr =	simm.s32 $0x1  }
0x2: {  	[smem:$0x3F93] =	sst lr;
	_ =	strace $0xD0000000  }
0x3: {  	_ = 	snop  }
0x4: {  	_ = 	snop  }
0x5: {  	_ = 	snop  }
0x6: {  	_ = 	snop  }
0x7: {  	_ = 	snop  }
__scs_overlays_trampoline_lowered:
0x8: {  	[smem:$0x3FA2] =	sst s0  }
0x9: {  	[smem:$0x3FA3] =	sst s1  }
0xa: {  	[smem:$0x3FA4] =	sst s2  }
0xb: {  	[smem:$0x3FA5] =	sst s3  }
0xc: {  	[smem:$0x3FA6] =	sst s4  }
0xd: {  	[smem:$0x3FA7] =	sst s5  }
0xe: {  	[smem:$0x3FA8] =	sst s6  }
0xf: {  	[smem:$0x3FA9] =	sst s7  }
0x10: {  	[smem:$0x3FAA] =	sst s8  }
0x11: {  	[smem:$0x3FAB] =	sst s9;
	s0 =	simm.s32 @!p0 $0x0  }
0x12: {  	s1 =	sld [smem:$0x3F91];
	s0 =	simm.s32 @p0 $0x1  }
0x13: {  	[smem:$0x3FAC] =	sst s0;
	s0 =	simm.s32 @!p1 $0x0  }
0x14: {  	s2 =	sld [smem:$0x3F90];
	s0 =	simm.s32 @p1 $0x1  }
0x15: {  	[smem:$0x3FAD] =	sst s0;
	s0 =	simm.s32 @!p2 $0x0  }
0x16: {  	s3 =	sld [smem:$0x3FDB];
	s0 =	simm.s32 @p2 $0x1  }
0x17: {  	s4 =	simm.s32 $0x1BF5;
	[smem:$0x3FAF] =	sst s0  }
0x18: {  	s0 =	sld [smem:$0x3F92];
	_ =	swait.ge [sflag:s4], $0x0  }
0x19: {  	s7 =	sld [smem:$0x3F93]  }
0x1a: {  	s8 =	sadd.s32 $0xFFFFE003, lr  }
0x1b: {  	s9 =	sadd.s32 $0xFFFFFEF7, lr;
	s5 =	simm.s32 $0xFFFFFFFF;
	p2 =	slt.u32 s8, $0xFFFFF086  }
0x1c: {  	p1 =	slt.u32 s9, $0xF7A;
	s5 =	simm.s32 @!p2 $0x0  }
0x1d: {  	s5 =	simm.s32 @p1 $0x1;
	p0 =	seq.s32 s7, s2  }
0x1e: {  	s7 =	smul.u32 @!p0 $0xF7A, s2;
	p2 =	seq.s32 @!p0 s5, $0x0  }
0x1f: {  	s9 =	smul.u32 $0xF7A, s1;
	s8 =	simm.s32 @!p0 $0x1BF5;
	p2 =	por !p2, p0  }
0x20: {  	[sflag:s8] =	ssyncset.s32 @!p0 $0xFFFFF086;
	s6 =	sadd.s32 @!p0 s3, s7;
	s7 =	simm.s32 @!p0 $0x108  }
0x21: {  	s3 =	sadd.s32 s3, s9;
	s6 =	sadd.s32 @!p0 $0x88, s6;
	s7 =	simm.s32 @p2 $0x1082  }
0x22: {  	[simem:s7], [sflag:s8] =	dma.local @!p0 [hbm:s6], $0xF7A  }
0x23: {  	s9 =	sor.u32 $0xD0000000, s2;
	s6 =	simm.s32 $0x108;
	_ =	swait.ge @!p0 [sflag:s8], $0x0  }
0x24: {  	s3 =	sadd.s32 $0x88, s3;
	s6 =	simm.s32 @!p1 $0x1082;
	[sflag:s4] =	ssyncset.s32 $0xFFFFF086  }
0x25: {  	[simem:s6], [sflag:s4] =	dma.local [hbm:s3], $0xF7A  }
0x26: {  	[smem:$0x3F93] =	sst s1;
	(tag) =	ssettag s2;
	_ =	strace s9  }
0x27: {  	s1 =	sld [smem:$0x3FA3]  }
0x28: {  	s2 =	sld [smem:$0x3FA4]  }
0x29: {  	s4 =	sld [smem:$0x3FA6]  }
0x2a: {  	p0 =	seq.s32 s5, $0x0;
	s5 =	sld [smem:$0x3FA7]  }
0x2b: {  	s6 =	sld [smem:$0x3FA8]  }
0x2c: {  	s7 =	sld [smem:$0x3FA9]  }
0x2d: {  	s3 =	simm.s32 $0x108;
	s8 =	sld [smem:$0x3FAA]  }
0x2e: {  	s3 =	simm.s32 @!p0 $0x1082;
	s9 =	sld [smem:$0x3FAB]  }
0x2f: {  	lr =	sadd.s32 s0, s3;
	s0 =	sld [smem:$0x3FA2]  }
0x30: {  	s3 =	sld [smem:$0x3FA5]  }
0x31: {  	[smem:$0x3FAE] =	sst s10  }
0x32: {  	s10 =	sld [smem:$0x3FAC];
	_ =	sdelay $0x3  }
0x33: {  	p0 =	seq.s32 s10, $0x1;
	s10 =	sld [smem:$0x3FAE];
	_ =	sdelay $0x3  }
0x34: {  	[smem:$0x3FAE] =	sst s10  }
0x35: {  	s10 =	sld [smem:$0x3FAD];
	_ =	sdelay $0x3  }
0x36: {  	p1 =	seq.s32 s10, $0x1;
	s10 =	sld [smem:$0x3FAE];
	_ =	sdelay $0x3  }
0x37: {  	[smem:$0x3FAE] =	sst s10  }
0x38: {  	s10 =	sld [smem:$0x3FAF]  }
0x39: {  	_ = 	snop;
	(pc) =	sbr.ind lr, $3  }
0x3a: {  	_ = 	snop  }
0x3b: {  	_ = 	snop  }
0x3c: {  	p2 =	seq.s32 s10, $0x1;
	s10 =	sld [smem:$0x3FAE]  }
0x3d: {  	_ =	shalt  }
0x3e: {  	_ =	shalt  }
0x3f: {  	_ =	shalt  }
0x40: {  	_ =	shalt  }
0x41: {  	_ =	shalt  }
0x42: {  	_ =	shalt  }
0x43: {  	_ =	shalt  }
0x44: {  	_ =	shalt  }
0x45: {  	_ =	shalt  }
0x46: {  	_ =	shalt  }
0x47: {  	_ =	shalt  }
0x48: {  	_ =	shalt  }
0x49: {  	_ =	shalt  }
0x4a: {  	_ =	shalt  }
0x4b: {  	_ =	shalt  }
0x4c: {  	_ =	shalt  }
0x4d: {  	_ =	shalt  }
0x4e: {  	_ =	shalt  }
0x4f: {  	_ =	shalt  }
0x50: {  	_ =	shalt  }
0x51: {  	_ =	shalt  }
0x52: {  	_ =	shalt  }
0x53: {  	_ =	shalt  }
0x54: {  	_ =	shalt  }
0x55: {  	_ =	shalt  }
0x56: {  	_ =	shalt  }
0x57: {  	_ =	shalt  }
0x58: {  	_ =	shalt  }
0x59: {  	_ =	shalt  }
0x5a: {  	_ =	shalt  }
0x5b: {  	_ =	shalt  }
0x5c: {  	_ =	shalt  }
0x5d: {  	_ =	shalt  }
0x5e: {  	_ =	shalt  }
0x5f: {  	_ =	shalt  }
0x60: {  	_ =	shalt  }
0x61: {  	_ =	shalt  }
0x62: {  	_ =	shalt  }
0x63: {  	_ =	shalt  }
0x64: {  	_ =	shalt  }
0x65: {  	_ =	shalt  }
0x66: {  	_ =	shalt  }
0x67: {  	_ =	shalt  }
0x68: {  	_ =	shalt  }
0x69: {  	_ =	shalt  }
0x6a: {  	_ =	shalt  }
0x6b: {  	_ =	shalt  }
0x6c: {  	_ =	shalt  }
0x6d: {  	_ =	shalt  }
0x6e: {  	_ =	shalt  }
0x6f: {  	_ =	shalt  }
0x70: {  	_ =	shalt  }
0x71: {  	_ =	shalt  }
0x72: {  	_ =	shalt  }
0x73: {  	_ =	shalt  }
0x74: {  	_ =	shalt  }
0x75: {  	_ =	shalt  }
0x76: {  	_ =	shalt  }
0x77: {  	_ =	shalt  }
0x78: {  	_ =	shalt  }
0x79: {  	_ =	shalt  }
0x7a: {  	_ =	shalt  }
0x7b: {  	_ =	shalt  }
0x7c: {  	_ =	shalt  }
0x7d: {  	_ =	shalt  }
0x7e: {  	_ =	shalt  }
0x7f: {  	_ =	shalt  }
0x80: {  	_ =	shalt  }
0x81: {  	_ =	shalt  }
0x82: {  	_ =	shalt  }
0x83: {  	_ =	shalt  }
0x84: {  	_ =	shalt  }
0x85: {  	_ =	shalt  }
0x86: {  	_ =	shalt  }
0x87: {  	_ =	shalt  }
.Lfunc_end0:
.L_simem_size_0:
called_computation_lowered:
.L_overlay_start_0:
0x88: {  	s2 =	sld [smem:$0x3FD9]  }
0x89: {  	s3 =	sld [smem:$0x3FFE];
	_ =	sdelay $0x1  }
0x8a: {  	s1 =	srdreg.scid  }
0x8b: {  	s0 =	sand.u32 $0x1, s1  }
0x8c: {  	s17 =	sshll.u32 s0, $0xA;
	s2 =	sadd.s32 s3, s2  }
0x8d: {  	s2 =	sadd.s32 s2, s17  }
0x8e: {  	[smem:$0x3FBA] =	sst s2  }
0x8f: {  	_ = 	snop  }
0x90: {  	s2 =	sld [smem:$0x3FD0];
	(tm) =	ssettm $0x1  }
0x91: {  	s18 =	sld [smem:$0x3FFB];
	_ =	sdelay $0x3  }
0x92: {  	_ =	strace s18  }
0x93: {  	s3 =	sld [smem:$0x3FFC];
	_ =	sdelay $0x3  }
0x94: {  	_ =	strace s3  }
0x95: {  	s3 =	sld [smem:$0x3FFD];
	_ =	sdelay $0x3  }
0x96: {  	_ =	strace s3  }
0x97: {  	_ =	strace $0x8FFFFFFF  }
0x98: {  	s19 =	sld [smem:$0x3FDB];
	_ =	sdelay $0x1  }
0x99: {  	s4 =	simm.s32 $_scs_section_size  }
0x9a: {  	s5 =	simm.s32 $_size__tile_overlayer_lowered;
	s6 =	simm.s32 $_tile_overlayer_lowered  }
0x9b: {  	s22 =	simm.s32 $0x1BFF;
	s21 =	sshll.u32 s6, $0x1;
	s3 =	sadd.s32 s4, s19  }
0x9c: {  	s7 =	simm.s32 $0x0;
	s20 =	sshll.u32 s5, $0x1;
	s5 =	sadd.s32 s21, s3  }
0x9d: {  	[timem:s7], [sflag:s22] =	dma.local [hbm:s5], s20  }
0x9e: {  	_ =	swait.ge [sflag:s22], s20  }
0x9f: {  	s4 =	ssub.s32 $0x0, s20;
	[sflag:s22] =	ssyncset.done $0x0  }
0xa0: {  	[sflag:s22] =	ssyncadd.s32 s4;
	_ =	sdelay $0x1  }
0xa1: {  	s23 =	simm.s32 $0x1B8B  }
0xa2: {  	_ =	swait.ge [sflag:s23], $0x1  }
0xa3: {  	[sflag:s23] =	ssyncset.done $0x0  }
0xa4: {  	s25 =	simm.s32 $0x1B8E;
	s24 =	sld [smem:$0x3FFE];
	[sflag:s23] =	ssyncadd.s32 $0xFFFFFFFF  }
0xa5: {  	s26 =	simm.s32 $execute0_lowered;
	[smem:$0x3FD2] =	sst s25  }
0xa6: {  	s5 =	sshll.u32 s26, $0x1;
	_ =	strace $0x80000046;
	[dreg:$0x1] =	wrdreg $0xFFFFFFFF  }
0xa7: {  	s28 =	simm.s32 $_size_execute0_lowered;
	s3 =	sadd.s32 s3, s5;
	[dreg:$0x0] =	wrdreg $0x0  }
0xa8: {  	s5 =	sshll.u32 s28, $0x1;
	[dreg:$0x2] =	wrdreg s3  }
0xa9: {  	[dreg:$0x3] =	wrdreg s5  }
0xaa: {  	[dreg:$0x4] =	wrdreg $0xC0  }
0xab: {  	_ =	task [dreg:s7], $0x5FFFF  }
0xac: {  	[dreg:$0x1] =	wrdreg $0xFFFFFFFF  }
0xad: {  	[dreg:$0x0] =	wrdreg $0x60  }
0xae: {  	[dreg:$0x2] =	wrdreg s24  }
0xaf: {  	[dreg:$0x3] =	wrdreg s2  }
0xb0: {  	[dreg:$0x4] =	wrdreg $0x0  }
0xb1: {  	[dreg:$0x5] =	wrdreg $0x140000  }
0xb2: {  	[dreg:$0x6] =	wrdreg $0x9  }
0xb3: {  	_ =	task.clear_ibuf [dreg:s7], $0x7FFFF;
	_ =	strace $0x90000046  }
0xb4: {  	s29 =	simm.s32 $0x9;
	_ =	strace $0x80000048  }
0xb5: {  	_ =	swait.ge [sflag:s29], $0x1  }
0xb6: {  	[sflag:s29] =	ssyncadd.s32 $0xFFFFFFFF  }
0xb7: {  	_ =	strace $0x90000048  }
0xb8: {  	_ =	sfence  }
0xb9: {  	s30 =	sld [smem:$0x0];
	_ =	sdelay $0x2  }
0xba: {  	s31 =	sshll.u32 s1, $0xD;
	s1 =	sshrl.u32 s1, $0x2  }
0xbb: {  	s3 =	sand.u32 $0x4000, s31;
	s1 =	sadd.s32 s1, s30  }
0xbc: {  	s0 =	sor.u32 s3, s0;
	s1 =	sshll.u32 s1, $0x11  }
0xbd: {  	s0 =	sor.u32 s1, s0  }
0xbe: {  	s0 =	sadd.s32 $0x8F2B, s0  }
0xbf: {  	[sflag:s0] =	ssyncadd.remote.s32 $0x1  }
0xc0: {  	_ =	sfence.sel $0xFFFF  }
0xc1: {  	[dreg:$0x0] =	wrdreg $0xFFFFFFFF;
	(pc) =	sbr.abs _section_cstart, $3  }
0xc2: {  	[dreg:$0x1] =	wrdreg $0xFFFFFFFF  }
0xc3: {  	_ =	task.clear_ibuf [dreg:s7], $0x2FFFF;
	_ =	strace $0x9FFFFFFF  }
0xc4: {  	(tm) =	ssettm $0x7FFFFFFF  }
0xc5: {  	_ =	shalt  }
tec
execute0_lowered:
.L_overlay_start_1:
0x0: {  	(tag) =	ssettag $0x1  }
0x1: {  	s7 =	rddreg [dreg:$0x0]  }
0x2: {  	s1 =	rddreg [dreg:$0x1]  }
0x3: {  	s11 =	rddreg [dreg:$0x2]  }
0x4: {  	s14 =	rddreg [dreg:$0x3];
	s2 =	srdreg.scid  }
0x5: {  	s0 =	rddreg [dreg:$0x4];
	s3 =	simm.s32 $0x0;
	s8 =	sand.u32 $0x1, s2  }
0x6: {  	s19 =	simm.s32 $0x1C280;
	s2 =	stileid.u32;
	s9 =	smul.u32 $0x140000, s8  }
0x7: {  	s20 =	simm.s32 $0x19280;
	[smem:$0x7FF] =	sst s3;
	s10 =	smul.u32 $0x14000, s2  }
0x8: {  	s4 =	sadd.s32 $0x44800, s7;
	s5 =	sadd.s32 $0x44E00, s7;
	s12 =	smul.u32 $0x500, s2  }
0x9: {  	s6 =	sadd.s32 $0x1800, s7;
	_ =	strace $0x80000047;
	s22 =	smul.u32 $0x280, s2  }
0xa: {  	s13 =	sshll.u32 s8, $0x7;
	s24 =	ssub.s32 $0x2, s8;
	s17 =	smul.u32 $0x50000, s2  }
0xb: {  	s26 =	sshll.u32 s2, $0x1;
	s30 =	smul.u32 $0xA00, s2;
	s25 =	sshrl.u32 s24, $0x1  }
0xc: {  	s8 =	sor.u32 s8, s26;
	s9 =	sadd.s32 s10, s9;
	s21 =	sor.u32 s13, s12  }
0xd: {  	s16 =	sadd.s32 $0x270, s22;
	s18 =	ssub.s32 s24, s25;
	s8 =	smul.u32 $0x6C00, s8  }
0xe: {  	s29 =	sshrl.u32 s17, $0x2;
	s22 =	sadd.s32 s22, s14;
	s31 =	sshrl.u32 s30, $0x2  }
0xf: {  	s17 =	simm.s32 $0x16A80;
	s24 =	simm.s32 $0x10;
	s25 =	simm.s32 $0x0  }
0x10: {  	s9 =	sshrl.u32 s9, $0x3;
	s10 =	sshrl.u32 s21, $0x3;
	s28 =	sshll.u32 s16, $0x7  }
0x11: {  	s13 =	smax.u32 s18, $0x1;
	s18 =	simm.s32 $0x1AA80;
	s21 =	simm.s32 $0x19E80  }
0x12: {  	s22 =	sshrl.u32 s22, $0x3;
	s23 =	sadd.s32 s9, s7;
	s15 =	sadd.s32 s10, s7  }
0x13: {  	s7 =	sadd.s32 s28, s11;
	s9 =	sadd.s32 s16, s14;
	s11 =	sadd.s32 s29, s11  }
0x14: {  	s14 =	sadd.s32 s31, s14;
	s16 =	simm.s32 $0x1;
	s10 =	sadd.s32 $0x45E00, s23  }
0x15: {  	v0 =	vimm.f32 $0.0e+00;
	s12 =	sadd.s32 $0x45400, s15;
	s15 =	simm.s32 $0x14280;
	s23 =	simm.s32 $0x20  }
.LBB2_1:
0x16: {  	[tilespmem:s15], [sflag:$0x1] =	stream.linear.gather [hbm4b:s4+s3], $0x2800, $0x38;
	[tilespmem:$0x1C400] =	vst v63  }
0x17: {  	_ =	swait.ge [sflag:s16], $0x2800  }
0x18: {  	[sflag:s16] =	ssyncset.done $0x0  }
0x19: {  	[sflag:s16] =	ssyncadd.s32 $0xFFFFD800  }
0x1a: {  	[tilespmem:s17], [sflag:$0x1] =	stream.linear.gather [hbm4b:s5+s3], $0x2800, $0x38;
	[tilespmem:$0x1C400] =	vst v63  }
0x1b: {  	_ =	swait.ge [sflag:s16], $0x2800  }
0x1c: {  	[sflag:s16] =	ssyncset.done $0x0  }
0x1d: {  	s26 =	simm.s32 $0x0;
	s28 =	simm.s32 $0x200;
	[sflag:s16] =	ssyncadd.s32 $0xFFFFD800  }
.LBB2_2:
0x1e: {  	p0 =	sne.s32 s28, $0x5E00;
	[tilespmem:s26+$0x1AAF0] =	vst v0  }
0x1f: {  	[tilespmem:s26+$0x1AA80] =	vst v0  }
0x20: {  	[tilespmem:s26+$0x1AA90] =	vst v0  }
.Ltmp0:
0x21: {  	[tilespmem:s26+$0x1AAA0] =	vst v0;
	(pc) =	sbr.rel @p0 .LBB2_2-.Ltmp0, $4  }
0x22: {  	[tilespmem:s26+$0x1AAB0] =	vst v0  }
0x23: {  	[tilespmem:s26+$0x1AAC0] =	vst v0  }
0x24: {  	[tilespmem:s26+$0x1AAD0] =	vst v0  }
0x25: {  	[tilespmem:s26+$0x1AAE0] =	vst v0;
	s26 =	sshra.s32 s28, $0x2;
	s28 =	sadd.s32 $0x200, s28  }
0x26: {  	[tilespmem:s26+$0x1AAF0] =	vst v0  }
0x27: {  	[tilespmem:s26+$0x1AA80] =	vst v0  }
0x28: {  	[tilespmem:s26+$0x1AA90] =	vst v0  }
0x29: {  	[tilespmem:s26+$0x1AAA0] =	vst v0  }
0x2a: {  	[tilespmem:s26+$0x1AAB0] =	vst v0  }
0x2b: {  	[tilespmem:s26+$0x1AAC0] =	vst v0  }
0x2c: {  	[tilespmem:s26+$0x1AAD0] =	vst v0  }
0x2d: {  	[tilespmem:s26+$0x1AAE0] =	vst v0  }
0x2e: {  	[tilespmem:$0x1C280] =	vst v0  }
0x2f: {  	[tilespmem:$0x1C290] =	vst v0  }
0x30: {  	[tilespmem:$0x1C2A0] =	vst v0  }
0x31: {  	[spmem:s11] =	stream.linear.scatter [tilespmem:s18], [sflag:$0x1], $0x1800, $0x38;
	[tilespmem:$0x1C400] =	vst v63  }
0x32: {  	_ =	swait.ge [sflag:s16], $0x1800  }
0x33: {  	[sflag:s16] =	ssyncset.done $0x0  }
0x34: {  	s31 =	sadd.s32 $0x0, s14;
	[sflag:s16] =	ssyncadd.s32 $0xFFFFE800  }
0x35: {  	[spmem:s31] =	stream.linear.scatter [tilespmem:s19], [sflag:$0x1], $0x30, $0x38;
	[tilespmem:$0x1C400] =	vst v63  }
0x36: {  	_ =	swait.ge [sflag:s16], $0x30  }
0x37: {  	s26 =	simm.s32 $0xC0;
	s28 =	smov.u32 s11;
	[sflag:s16] =	ssyncset.done $0x0  }
.LBB2_4:
0x38: {  	p0 =	sne.s32 s26, $0x900;
	[sflag:s16] =	ssyncadd.s32 $0xFFFFFFD0;
	s28 =	sadd.s32 $0x1800, s28  }
0x39: {  	[spmem:s28] =	stream.linear.scatter [tilespmem:s18], [sflag:$0x1], $0x1800, $0x38;
	[tilespmem:$0x1C400] =	vst v63  }
0x3a: {  	s29 =	smov.u32 s26;
	s26 =	sadd.s32 $0xC0, s26;
	_ =	swait.ge [sflag:s16], $0x1800  }
.Ltmp1:
0x3b: {  	s29 =	sshra.s32 s29, $0x2;
	[sflag:s16] =	ssyncset.done $0x0;
	(pc) =	sbr.rel @p0 .LBB2_4-.Ltmp1, $4  }
0x3c: {  	s29 =	sadd.s32 s29, s14;
	[sflag:s16] =	ssyncadd.s32 $0xFFFFE800  }
0x3d: {  	[spmem:s29] =	stream.linear.scatter [tilespmem:s19], [sflag:$0x1], $0x30, $0x38;
	[tilespmem:$0x1C400] =	vst v63  }
0x3e: {  	_ =	swait.ge [sflag:s16], $0x30  }
0x3f: {  	[sflag:s16] =	ssyncset.done $0x0  }
0x40: {  	[sflag:s16] =	ssyncadd.s32 $0xFFFFFFD0  }
0x41: {  	[spmem:s7] =	stream.linear.scatter [tilespmem:s18], [sflag:$0x1], $0x800, $0x38;
	[tilespmem:$0x1C400] =	vst v63  }
0x42: {  	_ =	swait.ge [sflag:s16], $0x800  }
0x43: {  	[sflag:s16] =	ssyncset.done $0x0  }
0x44: {  	[sflag:s16] =	ssyncadd.s32 $0xFFFFF800  }
0x45: {  	[spmem:s9] =	stream.linear.scatter [tilespmem:s19], [sflag:$0x1], $0x10, $0x38;
	[tilespmem:$0x1C400] =	vst v63  }
0x46: {  	_ =	swait.ge [sflag:s16], $0x10  }
0x47: {  	[sflag:s16] =	ssyncset.done $0x0  }
0x48: {  	[sflag:s16] =	ssyncadd.s32 $0xFFFFFFF0  }
0x49: {  	s26 =	simm.s32 $0x0;
	[bflag:$0x0] =	sbarrier.arrive $0xFFFF  }
.LBB2_6:
0x4a: {  	s28 =	smul.u32 $0xC00, s26;
	_ =	sdelay $0x1  }
0x4b: {  	s28 =	sadd.s32 s8, s28  }
0x4c: {  	s28 =	sshrl.u32 s28, $0x3  }
0x4d: {  	s29 =	sadd.s32 s1, s28  }
0x4e: {  	[tilespmem:s20], [sflag:$0x1] =	stream.linear.gather [hbm4b:s29+s3], $0xC00, $0x38;
	[tilespmem:$0x1C400] =	vst v63  }
0x4f: {  	_ =	swait.ge [sflag:s16], $0xC00  }
0x50: {  	[sflag:s16] =	ssyncset.done $0x0  }
0x51: {  	s28 =	sadd.s32 s6, s28;
	[sflag:s16] =	ssyncadd.s32 $0xFFFFF400  }
0x52: {  	[tilespmem:s21], [sflag:$0x1] =	stream.linear.gather [hbm4b:s28+s3], $0xC00, $0x38;
	[tilespmem:$0x1C400] =	vst v63  }
0x53: {  	_ =	swait.ge [sflag:s16], $0xC00  }
0x54: {  	[sflag:s16] =	ssyncset.done $0x0  }
0x55: {  	s28 =	simm.s32 $0x480;
	[sflag:s16] =	ssyncadd.s32 $0xFFFFF400  }
.LBB2_7:
0x56: {  	s29 =	sshra.s32 s28, $0x2  }
0x57: {  	v1 =	vld [tilespmem:s29+$0x19160]  }
0x58: {  	v2 =	vld [tilespmem:s29+$0x19D60];
	_ =	sdelay $0x6  }
0x59: {  	v1 =	vld.idx.msk [tilespmem:v1+s15+$0x0], $0xffff  }
0x5a: {  	v2 =	vld.idx.msk [tilespmem:v2+s17+$0x0], $0xffff;
	_ =	sdelay $0x4  }
0x5b: {  	v1 =	vadd.f32 v2, v1;
	_ =	sdelay $0x1  }
0x5c: {  	v2 =	vmul.f32 $2.000000030e-01, v1;
	_ =	sdelay $0x1  }
0x5d: {  	v1 =	vmax.f32 v1, v2  }
0x5e: {  	v1 =	vmul.f32 $1.442695020e+00, v1;
	_ =	sdelay $0x1  }
0x5f: {  	(erf) = vpow2.f32 v1;
	_ =	sdelay $0x8  }
0x60: {  	v1 =	vpop (erf)  }
0x61: {  	[tilespmem:$0x1C280] =	vst v1  }
0x62: {  	v1 =	vld [tilespmem:s29+$0x19170]  }
0x63: {  	v2 =	vld [tilespmem:s29+$0x19D70];
	_ =	sdelay $0x6  }
0x64: {  	v1 =	vld.idx.msk [tilespmem:v1+s15+$0x0], $0xffff  }
0x65: {  	v2 =	vld.idx.msk [tilespmem:v2+s17+$0x0], $0xffff;
	_ =	sdelay $0x4  }
0x66: {  	v1 =	vadd.f32 v2, v1;
	_ =	sdelay $0x1  }
0x67: {  	v2 =	vmul.f32 $2.000000030e-01, v1;
	_ =	sdelay $0x1  }
0x68: {  	v1 =	vmax.f32 v1, v2  }
0x69: {  	v1 =	vmul.f32 $1.442695020e+00, v1;
	_ =	sdelay $0x1  }
0x6a: {  	(erf) = vpow2.f32 v1;
	_ =	sdelay $0x8  }
0x6b: {  	v1 =	vpop (erf)  }
0x6c: {  	[tilespmem:$0x1C290] =	vst v1  }
0x6d: {  	v1 =	vld [tilespmem:s29+$0x19180]  }
0x6e: {  	v2 =	vld [tilespmem:s29+$0x19D80];
	_ =	sdelay $0x6  }
0x6f: {  	v1 =	vld.idx.msk [tilespmem:v1+s15+$0x0], $0xffff  }
0x70: {  	v2 =	vld.idx.msk [tilespmem:v2+s17+$0x0], $0xffff;
	_ =	sdelay $0x4  }
0x71: {  	v1 =	vadd.f32 v2, v1;
	_ =	sdelay $0x1  }
0x72: {  	v2 =	vmul.f32 $2.000000030e-01, v1;
	_ =	sdelay $0x1  }
0x73: {  	v1 =	vmax.f32 v1, v2  }
0x74: {  	v1 =	vmul.f32 $1.442695020e+00, v1;
	_ =	sdelay $0x1  }
0x75: {  	(erf) = vpow2.f32 v1;
	_ =	sdelay $0x8  }
0x76: {  	v1 =	vpop (erf)  }
0x77: {  	[tilespmem:$0x1C2A0] =	vst v1  }
0x78: {  	v1 =	vld [tilespmem:s29+$0x191E0]  }
0x79: {  	v2 =	vld [tilespmem:s29+$0x19DE0];
	_ =	sdelay $0x6  }
0x7a: {  	v1 =	vld.idx.msk [tilespmem:v1+s15+$0x0], $0xffff  }
0x7b: {  	v2 =	vld.idx.msk [tilespmem:v2+s17+$0x0], $0xffff;
	_ =	sdelay $0x4  }
0x7c: {  	v1 =	vadd.f32 v2, v1;
	_ =	sdelay $0x1  }
0x7d: {  	v2 =	vmul.f32 $2.000000030e-01, v1;
	_ =	sdelay $0x1  }
0x7e: {  	v1 =	vmax.f32 v1, v2  }
0x7f: {  	v1 =	vmul.f32 $1.442695020e+00, v1;
	_ =	sdelay $0x1  }
0x80: {  	(erf) = vpow2.f32 v1;
	_ =	sdelay $0x8  }
0x81: {  	v1 =	vpop (erf)  }
0x82: {  	[tilespmem:$0x1C300] =	vst v1  }
0x83: {  	v1 =	vld [tilespmem:s29+$0x191F0]  }
0x84: {  	v2 =	vld [tilespmem:s29+$0x19DF0];
	_ =	sdelay $0x6  }
0x85: {  	v1 =	vld.idx.msk [tilespmem:v1+s15+$0x0], $0xffff  }
0x86: {  	v2 =	vld.idx.msk [tilespmem:v2+s17+$0x0], $0xffff;
	_ =	sdelay $0x4  }
0x87: {  	v1 =	vadd.f32 v2, v1;
	_ =	sdelay $0x1  }
0x88: {  	v2 =	vmul.f32 $2.000000030e-01, v1;
	_ =	sdelay $0x1  }
0x89: {  	v1 =	vmax.f32 v1, v2  }
0x8a: {  	v1 =	vmul.f32 $1.442695020e+00, v1;
	_ =	sdelay $0x1  }
0x8b: {  	(erf) = vpow2.f32 v1;
	_ =	sdelay $0x8  }
0x8c: {  	v1 =	vpop (erf)  }
0x8d: {  	[tilespmem:$0x1C310] =	vst v1  }
0x8e: {  	v1 =	vld [tilespmem:s29+$0x19200]  }
0x8f: {  	v2 =	vld [tilespmem:s29+$0x19E00];
	_ =	sdelay $0x6  }
0x90: {  	v1 =	vld.idx.msk [tilespmem:v1+s15+$0x0], $0xffff  }
0x91: {  	v2 =	vld.idx.msk [tilespmem:v2+s17+$0x0], $0xffff;
	_ =	sdelay $0x4  }
0x92: {  	v1 =	vadd.f32 v2, v1;
	_ =	sdelay $0x1  }
0x93: {  	v2 =	vmul.f32 $2.000000030e-01, v1;
	_ =	sdelay $0x1  }
0x94: {  	v1 =	vmax.f32 v1, v2  }
0x95: {  	v1 =	vmul.f32 $1.442695020e+00, v1;
	_ =	sdelay $0x1  }
0x96: {  	(erf) = vpow2.f32 v1;
	_ =	sdelay $0x8  }
0x97: {  	v1 =	vpop (erf)  }
0x98: {  	[tilespmem:$0x1C320] =	vst v1  }
0x99: {  	v1 =	vld [tilespmem:s29+$0x19260]  }
0x9a: {  	v2 =	vld [tilespmem:s29+$0x19E60];
	_ =	sdelay $0x6  }
0x9b: {  	v1 =	vld.idx.msk [tilespmem:v1+s15+$0x0], $0xffff  }
0x9c: {  	v2 =	vld.idx.msk [tilespmem:v2+s17+$0x0], $0xffff;
	_ =	sdelay $0x4  }
0x9d: {  	v1 =	vadd.f32 v2, v1;
	_ =	sdelay $0x1  }
0x9e: {  	v2 =	vmul.f32 $2.000000030e-01, v1;
	_ =	sdelay $0x1  }
0x9f: {  	v1 =	vmax.f32 v1, v2  }
0xa0: {  	v1 =	vmul.f32 $1.442695020e+00, v1;
	_ =	sdelay $0x1  }
0xa1: {  	(erf) = vpow2.f32 v1;
	_ =	sdelay $0x8  }
0xa2: {  	v1 =	vpop (erf)  }
0xa3: {  	[tilespmem:$0x1C380] =	vst v1  }
0xa4: {  	v1 =	vld [tilespmem:s29+$0x19270]  }
0xa5: {  	v2 =	vld [tilespmem:s29+$0x19E70];
	_ =	sdelay $0x6  }
0xa6: {  	v1 =	vld.idx.msk [tilespmem:v1+s15+$0x0], $0xffff  }
0xa7: {  	v2 =	vld.idx.msk [tilespmem:v2+s17+$0x0], $0xffff;
	_ =	sdelay $0x4  }
0xa8: {  	v1 =	vadd.f32 v2, v1;
	_ =	sdelay $0x1  }
0xa9: {  	v2 =	vmul.f32 $2.000000030e-01, v1;
	_ =	sdelay $0x1  }
0xaa: {  	v1 =	vmax.f32 v1, v2  }
0xab: {  	v1 =	vmul.f32 $1.442695020e+00, v1;
	_ =	sdelay $0x1  }
0xac: {  	(erf) = vpow2.f32 v1;
	_ =	sdelay $0x8  }
0xad: {  	v1 =	vpop (erf)  }
0xae: {  	[tilespmem:$0x1C390] =	vst v1  }
0xaf: {  	v1 =	vld [tilespmem:s29+$0x19280]  }
0xb0: {  	v2 =	vld [tilespmem:s29+$0x19E80];
	_ =	sdelay $0x6  }
0xb1: {  	v1 =	vld.idx.msk [tilespmem:v1+s15+$0x0], $0xffff  }
0xb2: {  	v2 =	vld.idx.msk [tilespmem:v2+s17+$0x0], $0xffff;
	_ =	sdelay $0x4  }
0xb3: {  	v1 =	vadd.f32 v2, v1;
	_ =	sdelay $0x1  }
0xb4: {  	v2 =	vmul.f32 $2.000000030e-01, v1;
	_ =	sdelay $0x1  }
0xb5: {  	v1 =	vmax.f32 v1, v2  }
0xb6: {  	v1 =	vmul.f32 $1.442695020e+00, v1;
	_ =	sdelay $0x1  }
0xb7: {  	(erf) = vpow2.f32 v1;
	_ =	sdelay $0x4  }
0xb8: {  	p0 =	sne.s32 s28, $0x2E80  }
.Ltmp2:
0xb9: {  	_ = 	snop;
	(pc) =	sbr.rel @p0 .LBB2_7-.Ltmp2, $3  }
0xba: {  	_ =	sdelay $0x1  }
0xbb: {  	v1 =	vpop (erf)  }
0xbc: {  	s28 =	sadd.s32 $0x600, s28;
	[tilespmem:$0x1C3A0] =	vst v1  }
0xbd: {  	s26 =	sadd.s32 $0x1, s26  }
0xbe: {  	p0 =	sne.s32 s26, $0x9  }
.Ltmp3:
0xbf: {  	_ = 	snop;
	(pc) =	sbr.rel @p0 .LBB2_6-.Ltmp3, $1  }
0xc0: {  	_ =	sdelay $0x3  }
0xc1: {  	s26 =	sshll.u32 s2, $0x6  }
0xc2: {  	[bflag:$0x0] =	sbarrier.arrive $0xFFFF;
	s28 =	sshrl.u32 s11, $0x3;
	s26 =	sor.u32 $0x1C01, s26  }
0xc3: {  	[hbm:s10], [sflag:s26] =	dma.local [spmem:s28], $0x2800  }
0xc4: {  	s25 =	sadd.s32 $0x1, s25;
	_ =	swait.ge [sflag:s16], $0x2800  }
0xc5: {  	p0 =	sne.s32 s25, s13;
	[sflag:s16] =	ssyncset.done $0x0  }
.Ltmp4:
0xc6: {  	[sflag:s16] =	ssyncadd.s32 $0xFFFFD800;
	(pc) =	sbr.rel @p0 .LBB2_1-.Ltmp4, $4  }
0xc7: {  	[hbm:s12@s23], [sflag:s26] =	dma.strided [spmem:s22@s24], $0x50, s16, $0x10   }
0xc8: {  	_ =	swait.ge [sflag:s16], $0x50  }
0xc9: {  	[sflag:s16] =	ssyncset.done $0x0  }
0xca: {  	[sflag:s16] =	ssyncadd.s32 $0xFFFFFFB0  }
0xcb: {  	_ =	sfence.sel $0x180000  }
0xcc: {  	[bflag:$0x0] =	sbarrier.arrive $0xFFFF  }
0xcd: {  	p0 =	sne.s32 s2, $0x0;
	_ =	strace $0x90000047  }
0xce: {  	s0 =	sadd.s32 @!p0 $0x100000, s0;
	[bflag:$0x2] =	sbarrier.arrive $0xFFFF  }
0xcf: {  	[sflag:s0] =	ssyncadd.tile.s32 @!p0 $0x1;
	_ =	shalt  }
.Lfunc_end2:
_tile_overlayer_lowered:
.L_overlay_start_2:
0xd0: {  	(tag) =	ssettag $0x2  }
0xd1: {  	s0 =	rddreg [dreg:$0x0];
	s2 =	stileid.u32  }
0xd2: {  	s1 =	rddreg [dreg:$0x1];
	p0 =	sne.s32 s2, $0x0  }
0xd3: {  	s3 =	rddreg [dreg:$0x2];
	[bflag:$0x3] =	sbarrier.arrive $0xFFFF;
	s2 =	simm.s32 @!p0 $0x1C01  }
0xd4: {  	[timem:s3], [sflag:s2] =	dma.local @!p0 [hbm:s0], s1  }
0xd5: {  	s0 =	simm.s32 @!p0 $0x1  }
0xd6: {  	_ =	swait.ge @!p0 [sflag:s0], s1  }
0xd7: {  	s1 =	ssub.s32 @!p0 $0x0, s1;
	[sflag:s0] =	ssyncset.done @!p0 $0x0  }
0xd8: {  	[sflag:s0] =	ssyncadd.s32 @!p0 s1  }
0xd9: {  	[bflag:$0x3] =	sbarrier.arrive $0xFFFF  }
0xda: {  	_ =	shalt  }

</sc_bundles>
